<compile_context>
chip_gen: v7x
topology: tpu7x:2x2x1
jax: 0.10.2.dev20260603
libtpu: 0.0.44.dev20260713+nightly
codegen_flags: <defaults>
</compile_context>

<pallas_src>
import functools

import jax
import jax.numpy as jnp
import numpy as np
from jax import lax
from jax.experimental import pallas as pl
from jax.experimental.pallas import tpu as pltpu
from jax.experimental.pallas import tpu_sc as plsc

IN_CH = 128
OUT_CH = 128
SC_CH = 32
N = 10000
KP = 15
KNN = 16
RADIUS = 0.1
KP_EXTENT = 2.0
CONV_RADIUS = 2.5
EXTENT = RADIUS * KP_EXTENT / CONV_RADIUS
R2 = RADIUS * RADIUS

NPAD = 10240
RB = 512
GB = 256
TBL_W = 128
SC_CHUNK = 256


def _kp_np():
    rng = np.random.RandomState(42)
    kp = rng.randn(KP, 3).astype(np.float32)
    kp /= (np.linalg.norm(kp, axis=1, keepdims=True) + 1e-9)
    kp *= rng.rand(KP, 1).astype(np.float32)
    kp[0] = 0.0
    return (kp * EXTENT).astype(np.float32)


_KPTS = _kp_np()


def _convin_body(x_ref, w_ref, b_ref, o_ref):
    o_ref[...] = (
        jnp.dot(x_ref[...], w_ref[...], preferred_element_type=jnp.float32)
        + b_ref[...]
    )


def _conv_in(x, wT, b2):
    return pl.pallas_call(
        _convin_body,
        grid=(NPAD // 1024,),
        in_specs=[
            pl.BlockSpec((1024, IN_CH), lambda i: (i, 0)),
            pl.BlockSpec((IN_CH, SC_CH), lambda i: (0, 0)),
            pl.BlockSpec((1, SC_CH), lambda i: (0, 0)),
        ],
        out_specs=pl.BlockSpec((1024, SC_CH), lambda i: (i, 0)),
        out_shape=jax.ShapeDtypeStruct((NPAD, SC_CH), jnp.float32),
    )(x, wT, b2)


NG = 128
GS = NPAD // NG


def _knn_body(cr_ref, ct_ref, o_ref):
    cr = cr_ref[...]
    ct = ct_ref[...]
    sqr = jnp.sum(cr * cr, axis=1, keepdims=True)
    sqc = jnp.sum(ct * ct, axis=0, keepdims=True)
    d2 = sqr + sqc - 2.0 * jnp.dot(cr, ct, preferred_element_type=jnp.float32)

    g = d2[:, :NG]
    for k in range(1, GS):
        g = jnp.minimum(g, d2[:, k * NG:(k + 1) * NG])
    lane = lax.broadcasted_iota(jnp.int32, (RB, NG), 1)
    gsel = []
    for _ in range(KNN):
        m = jnp.min(g, axis=1, keepdims=True)
        cand = jnp.where(g <= m, lane, jnp.int32(2**30))
        am = jnp.min(cand, axis=1, keepdims=True)
        gsel.append(am)
        g = jnp.where(cand == am, jnp.float32(1e30), g)
    g16 = jnp.concatenate(gsel, axis=1)

    idx128 = jnp.tile(g16, (1, NG // KNN))
    sec = lane // KNN
    cs, js = [], []
    for t in range(GS // 8):
        acc = None
        for s in range(8):
            k = 8 * t + s
            gth = jnp.take_along_axis(d2[:, k * NG:(k + 1) * NG], idx128, axis=1)
            acc = gth if acc is None else jnp.where(sec == s, gth, acc)
        cs.append(acc)
        js.append(NG * (8 * t + sec) + idx128)
    c = jnp.concatenate(cs, axis=1)
    ji = jnp.concatenate(js, axis=1)
    idxs = []
    for _ in range(KNN):
        m = jnp.min(c, axis=1, keepdims=True)
        cand = jnp.where(c <= m, ji, jnp.int32(2**30))
        am = jnp.min(cand, axis=1, keepdims=True)
        idxs.append(am)
        c = jnp.where(cand == am, jnp.float32(1e30), c)
    o_ref[...] = jnp.concatenate(idxs, axis=1)


def _knn(cp, ct):
    return pl.pallas_call(
        _knn_body,
        grid=(NPAD // RB,),
        in_specs=[
            pl.BlockSpec((RB, 8), lambda i: (i, 0)),
            pl.BlockSpec((8, NPAD), lambda i: (0, 0)),
        ],
        out_specs=pl.BlockSpec((RB, KNN), lambda i: (i, 0)),
        out_shape=jax.ShapeDtypeStruct((NPAD, KNN), jnp.int32),
    )(cp, ct)


SC_B = NPAD * KNN
SC_NW = 32


def _gather_sc(idx_flat, table):
    mesh = plsc.VectorSubcoreMesh(core_axis_name="c", subcore_axis_name="s")
    bpw = SC_B // SC_NW
    nch = bpw // SC_CHUNK

    @functools.partial(
        pl.kernel,
        out_type=jax.ShapeDtypeStruct((SC_B, TBL_W), jnp.float32),
        mesh=mesh,
        scratch_types=[
            pltpu.VMEM((SC_CHUNK,), jnp.int32),
            pltpu.VMEM((SC_CHUNK, TBL_W), jnp.float32),
            pltpu.SemaphoreType.DMA,
        ],
    )
    def gk(idx_hbm, tbl_hbm, out_hbm, idx_v, rows_v, sem):
        wid = lax.axis_index("s") * 2 + lax.axis_index("c")
        base = wid * bpw

        def body(j, carry):
            off = pl.multiple_of(base + j * SC_CHUNK, 8)
            pltpu.sync_copy(idx_hbm.at[pl.ds(off, SC_CHUNK)], idx_v)
            pltpu.async_copy(tbl_hbm.at[idx_v], rows_v, sem).wait()
            pltpu.sync_copy(rows_v, out_hbm.at[pl.ds(off, SC_CHUNK)])
            return carry

        lax.fori_loop(0, nch, body, 0)

    return gk(idx_flat, table)


GB2 = 4096
PW = 512

_KP16 = np.pad(_KPTS, ((0, 1), (0, 0)))
_SEL = (np.arange(PW)[None, :] // SC_CH == np.arange(KNN)[:, None]).astype(np.float32)
_FOLD = (np.arange(PW)[:, None] % SC_CH == np.arange(SC_CH)[None, :]).astype(np.float32)
_KC = np.zeros((8, PW), np.float32)
_KC[0, :KNN] = _KP16[:, 0]
_KC[1, :KNN] = _KP16[:, 1]
_KC[2, :KNN] = _KP16[:, 2]
_KC[3, :KP] = 1.0


def _agg_body(g_ref, cq_ref, w2_ref, fw_ref, bo_ref, kc_ref, sel_ref, y_ref):
    g = g_ref[...]
    nf = g[:, :SC_CH]
    f2 = jnp.dot(nf, w2_ref[...], preferred_element_type=jnp.float32)
    rx = g[:, SC_CH + 0:SC_CH + 1] - cq_ref[:, 0:1]
    ry = g[:, SC_CH + 1:SC_CH + 2] - cq_ref[:, 1:2]
    rz = g[:, SC_CH + 2:SC_CH + 3] - cq_ref[:, 2:3]
    nd2 = rx * rx + ry * ry + rz * rz
    maskf = (nd2 <= R2).astype(jnp.float32)
    dx = rx - kc_ref[0:1, :KNN]
    dy = ry - kc_ref[1:2, :KNN]
    dz = rz - kc_ref[2:3, :KNN]
    dist = jnp.sqrt(dx * dx + dy * dy + dz * dz + 1e-12)
    infl = jnp.maximum(0.0, 1.0 - dist / EXTENT) * maskf * kc_ref[3:4, :KNN]
    inflb = jnp.dot(infl, sel_ref[...], preferred_element_type=jnp.float32)
    z = inflb * f2
    zq = jnp.sum(z.reshape(GB2 // KNN, KNN, PW), axis=1)
    y_ref[...] = (
        jnp.dot(zq, fw_ref[...], preferred_element_type=jnp.float32)
        + bo_ref[...]
    )


def _agg(g2d, crep, w2all, fw, bo2):
    return pl.pallas_call(
        _agg_body,
        grid=(SC_B // GB2,),
        in_specs=[
            pl.BlockSpec((GB2, TBL_W), lambda i: (i, 0)),
            pl.BlockSpec((GB2, 8), lambda i: (i, 0)),
            pl.BlockSpec((SC_CH, PW), lambda i: (0, 0)),
            pl.BlockSpec((PW, OUT_CH), lambda i: (0, 0)),
            pl.BlockSpec((1, OUT_CH), lambda i: (0, 0)),
            pl.BlockSpec((8, PW), lambda i: (0, 0)),
            pl.BlockSpec((KNN, PW), lambda i: (0, 0)),
        ],
        out_specs=pl.BlockSpec((GB2 // KNN, OUT_CH), lambda i: (i, 0)),
        out_shape=jax.ShapeDtypeStruct((NPAD, OUT_CH), jnp.float32),
    )(g2d, crep, w2all, fw, bo2, jnp.asarray(_KC), jnp.asarray(_SEL))


def _bn_body(y_ref, g_ref, b_ref, o_ref):
    y = y_ref[...]
    rows = lax.broadcasted_iota(jnp.int32, (NPAD, 1), 0)
    validf = (rows < N).astype(jnp.float32)
    yv = y * validf
    mean = jnp.sum(yv, axis=0, keepdims=True) / N
    msq = jnp.sum(yv * yv, axis=0, keepdims=True) / N
    var = msq - mean * mean
    xh = (y - mean) / jnp.sqrt(var + 1e-5)
    out = xh * g_ref[...] + b_ref[...]
    o_ref[...] = jnp.where(out >= 0, out, 0.1 * out)


def _bn_lrelu(y, g2, b2):
    return pl.pallas_call(
        _bn_body,
        out_shape=jax.ShapeDtypeStruct((NPAD, OUT_CH), jnp.float32),
    )(y, g2, b2)


def _cloud(x, coords, w_inT, b_in2, w2all, fw, bo2, g2, be2):
    xt = jnp.pad(jnp.transpose(x[0]), ((0, NPAD - N), (0, 0)))
    cpad = jnp.concatenate(
        [coords[0], jnp.full((NPAD - N, 3), 1e3, jnp.float32)], axis=0
    )
    cp = jnp.pad(cpad, ((0, 0), (0, 5)))
    ct = jnp.transpose(cp)

    feats = _conv_in(xt, w_inT, b_in2)
    idx = _knn(cp, ct)
    table = jnp.concatenate(
        [feats, cp[:, :3], jnp.zeros((NPAD, TBL_W - SC_CH - 3), jnp.float32)],
        axis=1,
    )
    g = _gather_sc(idx.reshape(-1), table)
    crep = jnp.repeat(cp, KNN, axis=0)
    y = _agg(g, crep, w2all, fw, bo2)
    out = _bn_lrelu(y, g2, be2)
    return jnp.transpose(out[:N])[None]


def kernel(src, tgt, src_coords, tgt_coords, W_in, b_in, W_kp, W_out, b_out, gamma, beta):
    w_inT = jnp.transpose(W_in)
    b_in2 = b_in[None, :]
    w2all = jnp.pad(
        jnp.transpose(W_kp, (1, 0, 2)).reshape(SC_CH, KP * SC_CH),
        ((0, 0), (0, PW - KP * SC_CH)),
    )
    fw = jnp.dot(jnp.asarray(_FOLD), jnp.transpose(W_out))
    bo2 = b_out[None, :]
    g2 = gamma[None, :]
    be2 = beta[None, :]
    s3 = _cloud(src, src_coords, w_inT, b_in2, w2all, fw, bo2, g2, be2)
    t3 = _cloud(tgt, tgt_coords, w_inT, b_in2, w2all, fw, bo2, g2, be2)
    return (s3, t3, src_coords, tgt_coords)

# --- scband reference (transcript-rebuilt; emitter-appended) ---
"""Pipeline reference for scband-resnet-a-63969242906670 (READ-ONLY COPY).

The authoritative reference and input builder live on the scoring server;
editing this copy changes nothing except your own understanding.
"""

import jax, jax.numpy as jnp
import numpy as np

IN_CH = 128
OUT_CH = 128
SC_CH = IN_CH // 4
N = 10000
KP = 15
KNN = 16
RADIUS = 0.1
KP_EXTENT = 2.0
CONV_RADIUS = 2.5
EXTENT = RADIUS * KP_EXTENT / CONV_RADIUS


def _kernel_points():
    rng = np.random.RandomState(42)
    kp = rng.randn(KP, 3).astype(np.float32)
    kp /= (np.linalg.norm(kp, axis=1, keepdims=True) + 1e-9)
    kp *= rng.rand(KP, 1).astype(np.float32)
    kp[0] = 0.0
    return jnp.asarray(kp * EXTENT, dtype=jnp.float32)


def setup_inputs(seed: int = 0):
    key = jax.random.key(seed)
    ks = jax.random.split(key, 12)
    src = jax.random.normal(ks[0], (1, IN_CH, N), dtype=jnp.float32)
    tgt = jax.random.normal(ks[1], (1, IN_CH, N), dtype=jnp.float32)
    src_coords = jax.random.uniform(ks[2], (1, N, 3), dtype=jnp.float32)
    tgt_coords = jax.random.uniform(ks[3], (1, N, 3), dtype=jnp.float32)
    W_in = jax.random.normal(ks[4], (SC_CH, IN_CH), dtype=jnp.float32) * (1.0 / np.sqrt(IN_CH))
    b_in = jnp.zeros((SC_CH,), dtype=jnp.float32)
    W_kp = jax.random.normal(ks[5], (KP, SC_CH, SC_CH), dtype=jnp.float32) * (1.0 / np.sqrt(SC_CH * KP))
    W_out = jax.random.normal(ks[6], (OUT_CH, SC_CH), dtype=jnp.float32) * (1.0 / np.sqrt(SC_CH))
    b_out = jnp.zeros((OUT_CH,), dtype=jnp.float32)
    gamma = jnp.ones((OUT_CH,), dtype=jnp.float32)
    beta = jnp.zeros((OUT_CH,), dtype=jnp.float32)
    return dict(src=src, tgt=tgt, src_coords=src_coords, tgt_coords=tgt_coords,
                W_in=W_in, b_in=b_in, W_kp=W_kp, W_out=W_out, b_out=b_out,
                gamma=gamma, beta=beta)


def _conv1d(x, W, b):
    # x: [B, Cin, N], W: [Cout, Cin] (kernel_size=1)
    return jnp.einsum('oc,bcn->bon', W, x) + b[None, :, None]


def _kpconv_cloud(feats, coords, W_kp, kp):
    # feats: [N, C], coords: [N, 3]
    sq = jnp.sum(coords * coords, axis=1)
    d2 = sq[:, None] + sq[None, :] - 2.0 * (coords @ coords.T)
    _, idx = jax.lax.top_k(jax.lax.stop_gradient(-d2), KNN)  # [N, KNN] nearest neighbors
    ncoords = coords[idx]                       # gather [N, KNN, 3]
    rel = ncoords - coords[:, None, :]
    nd2 = jnp.sum(rel * rel, axis=-1)
    mask = (nd2 <= RADIUS * RADIUS).astype(feats.dtype)
    diff = rel[:, :, None, :] - kp[None, None, :, :]   # [N, KNN, KP, 3]
    dist = jnp.sqrt(jnp.sum(diff * diff, axis=-1) + 1e-12)
    infl = jnp.maximum(0.0, 1.0 - dist / EXTENT) * mask[:, :, None]  # [N, KNN, KP]
    nfeats = feats[idx]                          # gather [N, KNN, C]
    agg = jnp.einsum('nkp,nkc->npc', infl, nfeats)
    return jnp.einsum('npc,pcd->nd', agg, W_kp)


def _bn(x, gamma, beta):
    mean = jnp.mean(x, axis=(0, 2), keepdims=True)
    var = jnp.var(x, axis=(0, 2), keepdims=True)
    xh = (x - mean) / jnp.sqrt(var + 1e-5)
    return xh * gamma[None, :, None] + beta[None, :, None]


def _lrelu(x):
    return jnp.where(x >= 0, x, 0.1 * x)


def reference(src, tgt, src_coords, tgt_coords, W_in, b_in, W_kp, W_out, b_out, gamma, beta):
    kp = _kernel_points()
    s = _conv1d(src, W_in, b_in)
    t = _conv1d(tgt, W_in, b_in)
    s_k = _kpconv_cloud(s[0].T, src_coords[0], W_kp, kp).T[None]
    t_k = _kpconv_cloud(t[0].T, tgt_coords[0], W_kp, kp).T[None]
    s2 = _conv1d(s_k, W_out, b_out)
    t2 = _conv1d(t_k, W_out, b_out)
    s3 = _lrelu(_bn(s2, gamma, beta))
    t3 = _lrelu(_bn(t2, gamma, beta))
    return (s3, t3, src_coords, tgt_coords)

if __name__ == "__main__":
    import jax
    _d = setup_inputs()
    print(jax.jit(kernel)(*tuple(_d.values())))

</pallas_src>

<mosaic_0001>
#map = affine_map<(d0, d1) -> (0)>
#map1 = affine_map<(d0, d1) -> (0, 0)>
module attributes {stable_mosaic.version = 14 : i64} {
  func.func @gk(%arg0: i32, %arg1: i32, %arg2: memref<163840xi32, #tpu.memory_space<hbm>>, %arg3: memref<10240x128xf32, #tpu.memory_space<hbm>>, %arg4: memref<163840x128xf32, #tpu.memory_space<hbm>>, %arg5: memref<256xi32, #tpu.memory_space<vmem>>, %arg6: memref<256x128xf32, #tpu.memory_space<vmem>>, %arg7: memref<!tpu.dma_semaphore, #tpu.memory_space<semaphore_mem>>) attributes {dimension_semantics = [#tpu.dimension_semantics<core_parallel>, #tpu.dimension_semantics<subcore_parallel>], iteration_bounds = array<i64: 2, 16>, scalar_prefetch = 0 : i64, scratch_operands = 3 : i64, tpu.core_type = #tpu.core_type<sc_vector_subcore>, window_params = [{transform_indices = #map}, {transform_indices = #map1}, {transform_indices = #map1}]} {
    %mul3A = arith.constant 2 : i32
    %mul3A_0 = arith.muli %arg1, %mul3A : i32
    %add3A = arith.addi %mul3A_0, %arg0 : i32
    %mul3A_1 = arith.constant 5120 : i32
    %mul3A_2 = arith.muli %add3A, %mul3A_1 : i32
    %scan3A = arith.constant 0 : i32
    %scan3A_3 = arith.constant 0 : i32
    %scan3A_4 = arith.constant 20 : i32
    %scan3A_5 = arith.addi %scan3A_3, %scan3A_4 : i32
    %scan3A_6 = arith.constant 1 : i32
    scf.for %scan3A_8 = %scan3A_3 to %scan3A_5 step %scan3A_6  : i32 {
      %mul3A_9 = arith.constant 256 : i32
      %mul3A_10 = arith.muli %scan3A_8, %mul3A_9 : i32
      %add3A_11 = arith.addi %mul3A_2, %mul3A_10 : i32
      %multiple_of3A = tpu.assume_multiple %add3A_11, 8 : i32
      "tpu.region"() ({
        %run_scoped3A = tpu.sem_alloc : memref<!tpu.dma_semaphore, #tpu.memory_space<semaphore_mem>>
        %dma_start3A_16 = tpu.memref_slice %arg2[%multiple_of3A] : memref<163840xi32, #tpu.memory_space<hbm>> -> memref<256xi32, #tpu.memory_space<hbm>>
        %dma_start3A_17 = tpu.memref_slice %arg2[%multiple_of3A] : memref<163840xi32, #tpu.memory_space<hbm>> -> memref<256xi32, #tpu.memory_space<hbm>>
        tpu.enqueue_dma source(%dma_start3A_17 : memref<256xi32, #tpu.memory_space<hbm>>) target(%arg5 : memref<256xi32, #tpu.memory_space<vmem>>) target_semaphore(%run_scoped3A : memref<!tpu.dma_semaphore, #tpu.memory_space<semaphore_mem>>)
        %dma_wait3A_18 = tpu.memref_slice %arg2[%multiple_of3A] : memref<163840xi32, #tpu.memory_space<hbm>> -> memref<256xi32, #tpu.memory_space<hbm>>
        %dma_wait3A_19 = tpu.memref_slice %arg2[%multiple_of3A] : memref<163840xi32, #tpu.memory_space<hbm>> -> memref<256xi32, #tpu.memory_space<hbm>>
        tpu.wait_dma2 semaphore(%run_scoped3A : memref<!tpu.dma_semaphore, #tpu.memory_space<semaphore_mem>>) src(%dma_wait3A_19 : memref<256xi32, #tpu.memory_space<hbm>>) dst(%arg5 : memref<256xi32, #tpu.memory_space<vmem>>)
        tpu.yield
      }) : () -> ()
      %dma_start3A = arith.constant 0 : i32
      %dma_start3A_12 = arith.constant 0 : i32
      %dma_start3A_13 = tpu.memref_slice %arg3[%dma_start3A, %dma_start3A_12] : memref<10240x128xf32, #tpu.memory_space<hbm>> -> memref<10240x128xf32, #tpu.memory_space<hbm>>
      tpu.enqueue_indirect_dma source(%dma_start3A_13 : memref<10240x128xf32, #tpu.memory_space<hbm>>) target(%arg6 : memref<256x128xf32, #tpu.memory_space<vmem>>) offsets(%arg5 : memref<256xi32, #tpu.memory_space<vmem>>) semaphore(%arg7 : memref<!tpu.dma_semaphore, #tpu.memory_space<semaphore_mem>>)
      %dma_wait3A = arith.constant 0 : i32
      %dma_wait3A_14 = arith.constant 0 : i32
      %dma_wait3A_15 = tpu.memref_slice %arg3[%dma_wait3A, %dma_wait3A_14] : memref<10240x128xf32, #tpu.memory_space<hbm>> -> memref<10240x128xf32, #tpu.memory_space<hbm>>
      tpu.wait_indirect_dma semaphore(%arg7 : memref<!tpu.dma_semaphore, #tpu.memory_space<semaphore_mem>>) src(%dma_wait3A_15 : memref<10240x128xf32, #tpu.memory_space<hbm>>) dst(%arg6 : memref<256x128xf32, #tpu.memory_space<vmem>>)
      "tpu.region"() ({
        %run_scoped3A = tpu.sem_alloc : memref<!tpu.dma_semaphore, #tpu.memory_space<semaphore_mem>>
        %dma_start3A_16 = arith.constant 0 : i32
        %dma_start3A_17 = tpu.memref_slice %arg4[%multiple_of3A, %dma_start3A_16] : memref<163840x128xf32, #tpu.memory_space<hbm>> -> memref<256x128xf32, #tpu.memory_space<hbm>>
        %dma_start3A_18 = arith.constant 0 : i32
        %dma_start3A_19 = tpu.memref_slice %arg4[%multiple_of3A, %dma_start3A_18] : memref<163840x128xf32, #tpu.memory_space<hbm>> -> memref<256x128xf32, #tpu.memory_space<hbm>>
        tpu.enqueue_dma source(%arg6 : memref<256x128xf32, #tpu.memory_space<vmem>>) target(%dma_start3A_19 : memref<256x128xf32, #tpu.memory_space<hbm>>) target_semaphore(%run_scoped3A : memref<!tpu.dma_semaphore, #tpu.memory_space<semaphore_mem>>)
        %dma_wait3A_20 = arith.constant 0 : i32
        %dma_wait3A_21 = tpu.memref_slice %arg4[%multiple_of3A, %dma_wait3A_20] : memref<163840x128xf32, #tpu.memory_space<hbm>> -> memref<256x128xf32, #tpu.memory_space<hbm>>
        %dma_wait3A_22 = arith.constant 0 : i32
        %dma_wait3A_23 = tpu.memref_slice %arg4[%multiple_of3A, %dma_wait3A_22] : memref<163840x128xf32, #tpu.memory_space<hbm>> -> memref<256x128xf32, #tpu.memory_space<hbm>>
        tpu.wait_dma2 semaphore(%run_scoped3A : memref<!tpu.dma_semaphore, #tpu.memory_space<semaphore_mem>>) src(%arg6 : memref<256x128xf32, #tpu.memory_space<vmem>>) dst(%dma_wait3A_23 : memref<256x128xf32, #tpu.memory_space<hbm>>)
        tpu.yield
      }) : () -> ()
    }
    %scan3A_7 = arith.constant 20 : i32
    return
  }
}

#map = affine_map<(d0, d1) -> (0)>
#map1 = affine_map<(d0, d1) -> (0, 0)>
module attributes {stable_mosaic.version = 14 : i64} {
  func.func @gk(%arg0: i32, %arg1: i32, %arg2: memref<163840xi32, #tpu.memory_space<hbm>>, %arg3: memref<10240x128xf32, #tpu.memory_space<hbm>>, %arg4: memref<163840x128xf32, #tpu.memory_space<hbm>>, %arg5: memref<256xi32, #tpu.memory_space<vmem>>, %arg6: memref<256x128xf32, #tpu.memory_space<vmem>>, %arg7: memref<!tpu.dma_semaphore, #tpu.memory_space<semaphore_mem>>) attributes {dimension_semantics = [#tpu.dimension_semantics<core_parallel>, #tpu.dimension_semantics<subcore_parallel>], iteration_bounds = array<i64: 2, 16>, scalar_prefetch = 0 : i64, scratch_operands = 3 : i64, tpu.core_type = #tpu.core_type<sc_vector_subcore>, window_params = [{transform_indices = #map}, {transform_indices = #map1}, {transform_indices = #map1}]} {
    %mul3A = arith.constant 2 : i32
    %mul3A_0 = arith.muli %arg1, %mul3A : i32
    %add3A = arith.addi %mul3A_0, %arg0 : i32
    %mul3A_1 = arith.constant 5120 : i32
    %mul3A_2 = arith.muli %add3A, %mul3A_1 : i32
    %scan3A = arith.constant 0 : i32
    %scan3A_3 = arith.constant 0 : i32
    %scan3A_4 = arith.constant 20 : i32
    %scan3A_5 = arith.addi %scan3A_3, %scan3A_4 : i32
    %scan3A_6 = arith.constant 1 : i32
    scf.for %scan3A_8 = %scan3A_3 to %scan3A_5 step %scan3A_6  : i32 {
      %mul3A_9 = arith.constant 256 : i32
      %mul3A_10 = arith.muli %scan3A_8, %mul3A_9 : i32
      %add3A_11 = arith.addi %mul3A_2, %mul3A_10 : i32
      %multiple_of3A = tpu.assume_multiple %add3A_11, 8 : i32
      "tpu.region"() ({
        %run_scoped3A = tpu.sem_alloc : memref<!tpu.dma_semaphore, #tpu.memory_space<semaphore_mem>>
        %dma_start3A_16 = tpu.memref_slice %arg2[%multiple_of3A] : memref<163840xi32, #tpu.memory_space<hbm>> -> memref<256xi32, #tpu.memory_space<hbm>>
        %dma_start3A_17 = tpu.memref_slice %arg2[%multiple_of3A] : memref<163840xi32, #tpu.memory_space<hbm>> -> memref<256xi32, #tpu.memory_space<hbm>>
        tpu.enqueue_dma source(%dma_start3A_17 : memref<256xi32, #tpu.memory_space<hbm>>) target(%arg5 : memref<256xi32, #tpu.memory_space<vmem>>) target_semaphore(%run_scoped3A : memref<!tpu.dma_semaphore, #tpu.memory_space<semaphore_mem>>)
        %dma_wait3A_18 = tpu.memref_slice %arg2[%multiple_of3A] : memref<163840xi32, #tpu.memory_space<hbm>> -> memref<256xi32, #tpu.memory_space<hbm>>
        %dma_wait3A_19 = tpu.memref_slice %arg2[%multiple_of3A] : memref<163840xi32, #tpu.memory_space<hbm>> -> memref<256xi32, #tpu.memory_space<hbm>>
        tpu.wait_dma2 semaphore(%run_scoped3A : memref<!tpu.dma_semaphore, #tpu.memory_space<semaphore_mem>>) src(%dma_wait3A_19 : memref<256xi32, #tpu.memory_space<hbm>>) dst(%arg5 : memref<256xi32, #tpu.memory_space<vmem>>)
        tpu.yield
      }) : () -> ()
      %dma_start3A = arith.constant 0 : i32
      %dma_start3A_12 = arith.constant 0 : i32
      %dma_start3A_13 = tpu.memref_slice %arg3[%dma_start3A, %dma_start3A_12] : memref<10240x128xf32, #tpu.memory_space<hbm>> -> memref<10240x128xf32, #tpu.memory_space<hbm>>
      tpu.enqueue_indirect_dma source(%dma_start3A_13 : memref<10240x128xf32, #tpu.memory_space<hbm>>) target(%arg6 : memref<256x128xf32, #tpu.memory_space<vmem>>) offsets(%arg5 : memref<256xi32, #tpu.memory_space<vmem>>) semaphore(%arg7 : memref<!tpu.dma_semaphore, #tpu.memory_space<semaphore_mem>>)
      %dma_wait3A = arith.constant 0 : i32
      %dma_wait3A_14 = arith.constant 0 : i32
      %dma_wait3A_15 = tpu.memref_slice %arg3[%dma_wait3A, %dma_wait3A_14] : memref<10240x128xf32, #tpu.memory_space<hbm>> -> memref<10240x128xf32, #tpu.memory_space<hbm>>
      tpu.wait_indirect_dma semaphore(%arg7 : memref<!tpu.dma_semaphore, #tpu.memory_space<semaphore_mem>>) src(%dma_wait3A_15 : memref<10240x128xf32, #tpu.memory_space<hbm>>) dst(%arg6 : memref<256x128xf32, #tpu.memory_space<vmem>>)
      "tpu.region"() ({
        %run_scoped3A = tpu.sem_alloc : memref<!tpu.dma_semaphore, #tpu.memory_space<semaphore_mem>>
        %dma_start3A_16 = arith.constant 0 : i32
        %dma_start3A_17 = tpu.memref_slice %arg4[%multiple_of3A, %dma_start3A_16] : memref<163840x128xf32, #tpu.memory_space<hbm>> -> memref<256x128xf32, #tpu.memory_space<hbm>>
        %dma_start3A_18 = arith.constant 0 : i32
        %dma_start3A_19 = tpu.memref_slice %arg4[%multiple_of3A, %dma_start3A_18] : memref<163840x128xf32, #tpu.memory_space<hbm>> -> memref<256x128xf32, #tpu.memory_space<hbm>>
        tpu.enqueue_dma source(%arg6 : memref<256x128xf32, #tpu.memory_space<vmem>>) target(%dma_start3A_19 : memref<256x128xf32, #tpu.memory_space<hbm>>) target_semaphore(%run_scoped3A : memref<!tpu.dma_semaphore, #tpu.memory_space<semaphore_mem>>)
        %dma_wait3A_20 = arith.constant 0 : i32
        %dma_wait3A_21 = tpu.memref_slice %arg4[%multiple_of3A, %dma_wait3A_20] : memref<163840x128xf32, #tpu.memory_space<hbm>> -> memref<256x128xf32, #tpu.memory_space<hbm>>
        %dma_wait3A_22 = arith.constant 0 : i32
        %dma_wait3A_23 = tpu.memref_slice %arg4[%multiple_of3A, %dma_wait3A_22] : memref<163840x128xf32, #tpu.memory_space<hbm>> -> memref<256x128xf32, #tpu.memory_space<hbm>>
        tpu.wait_dma2 semaphore(%run_scoped3A : memref<!tpu.dma_semaphore, #tpu.memory_space<semaphore_mem>>) src(%arg6 : memref<256x128xf32, #tpu.memory_space<vmem>>) dst(%dma_wait3A_23 : memref<256x128xf32, #tpu.memory_space<hbm>>)
        tpu.yield
      }) : () -> ()
    }
    %scan3A_7 = arith.constant 20 : i32
    return
  }
}

module attributes {stable_mosaic.version = 14 : i64} {
  func.func @_knn_body(%arg0: i32, %arg1: memref<512x8xf32, #tpu.memory_space<vmem>>, %arg2: memref<8x10240xf32, #tpu.memory_space<vmem>>, %arg3: memref<512x16xi32, #tpu.memory_space<vmem>>) attributes {dimension_semantics = [#tpu.dimension_semantics<arbitrary>], iteration_bounds = array<i64: 20>, scalar_prefetch = 0 : i64, scratch_operands = 0 : i64, tpu.core_type = #tpu.core_type<tc>, window_params = [{transform_indices = @transform_0, window_bounds = array<i64: 512, 8>}, {pipeline_mode = #tpu.pipeline_mode<synchronous>, transform_indices = @transform_1, window_bounds = array<i64: 8, 10240>}, {transform_indices = @transform_2, window_bounds = array<i64: 512, 16>}]} {
    %get3A = arith.constant 0 : index
    %get3A_0 = arith.constant 0 : index
    %get3A_1 = vector.load %arg1[%get3A, %get3A_0] : memref<512x8xf32, #tpu.memory_space<vmem>>, vector<512x8xf32>
    %get3A_2 = arith.constant 0 : index
    %get3A_3 = arith.constant 0 : index
    %get3A_4 = vector.load %arg2[%get3A_2, %get3A_3] : memref<8x10240xf32, #tpu.memory_space<vmem>>, vector<8x10240xf32>
    %mul3A = arith.mulf %get3A_1, %get3A_1 : vector<512x8xf32>
    %reduce_sum3A = arith.constant dense<0.000000e+00> : vector<512xf32>
    %reduce_sum3A_5 = vector.multi_reduction <add>, %mul3A, %reduce_sum3A [1] : vector<512x8xf32> to vector<512xf32>
    %broadcast_in_dim3A = vector.shape_cast %reduce_sum3A_5 : vector<512xf32> to vector<512x1xf32>
    %mul3A_6 = arith.mulf %get3A_4, %get3A_4 : vector<8x10240xf32>
    %reduce_sum3A_7 = arith.constant dense<0.000000e+00> : vector<10240xf32>
    %reduce_sum3A_8 = vector.multi_reduction <add>, %mul3A_6, %reduce_sum3A_7 [0] : vector<8x10240xf32> to vector<10240xf32>
    %broadcast_in_dim3A_9 = vector.shape_cast %reduce_sum3A_8 : vector<10240xf32> to vector<1x10240xf32>
    %add3A = vector.broadcast %broadcast_in_dim3A : vector<512x1xf32> to vector<512x10240xf32>
    %add3A_10 = vector.broadcast %broadcast_in_dim3A_9 : vector<1x10240xf32> to vector<512x10240xf32>
    %add3A_11 = arith.addf %add3A, %add3A_10 : vector<512x10240xf32>
    %dot_general3A = arith.constant dense<0.000000e+00> : vector<512x10240xf32>
    %dot_general3A_12 = tpu.matmul %get3A_1, %get3A_4, %dot_general3A {dimension_numbers = #tpu.dot_dimension_numbers<[1], [0], [0], [1], [0, 0, 1, 1], [], []>, transpose_lhs_hint = false} : vector<512x8xf32>, vector<8x10240xf32>, vector<512x10240xf32> -> vector<512x10240xf32>
    %mul3A_13 = arith.constant 2.000000e+00 : f32
    %mul3A_14 = vector.broadcast %mul3A_13 : f32 to vector<512x10240xf32>
    %mul3A_15 = arith.mulf %mul3A_14, %dot_general3A_12 : vector<512x10240xf32>
    %sub3A = arith.subf %add3A_11, %mul3A_15 : vector<512x10240xf32>
    %slice3A = vector.extract_strided_slice %sub3A {offsets = [0, 0], sizes = [512, 128], strides = [1, 1]} : vector<512x10240xf32> to vector<512x128xf32>
    %slice3A_16 = vector.extract_strided_slice %sub3A {offsets = [0, 128], sizes = [512, 128], strides = [1, 1]} : vector<512x10240xf32> to vector<512x128xf32>
    %min3A = arith.minimumf %slice3A, %slice3A_16 : vector<512x128xf32>
    %slice3A_17 = vector.extract_strided_slice %sub3A {offsets = [0, 256], sizes = [512, 128], strides = [1, 1]} : vector<512x10240xf32> to vector<512x128xf32>
    %min3A_18 = arith.minimumf %min3A, %slice3A_17 : vector<512x128xf32>
    %slice3A_19 = vector.extract_strided_slice %sub3A {offsets = [0, 384], sizes = [512, 128], strides = [1, 1]} : vector<512x10240xf32> to vector<512x128xf32>
    %min3A_20 = arith.minimumf %min3A_18, %slice3A_19 : vector<512x128xf32>
    %slice3A_21 = vector.extract_strided_slice %sub3A {offsets = [0, 512], sizes = [512, 128], strides = [1, 1]} : vector<512x10240xf32> to vector<512x128xf32>
    %min3A_22 = arith.minimumf %min3A_20, %slice3A_21 : vector<512x128xf32>
    %slice3A_23 = vector.extract_strided_slice %sub3A {offsets = [0, 640], sizes = [512, 128], strides = [1, 1]} : vector<512x10240xf32> to vector<512x128xf32>
    %min3A_24 = arith.minimumf %min3A_22, %slice3A_23 : vector<512x128xf32>
    %slice3A_25 = vector.extract_strided_slice %sub3A {offsets = [0, 768], sizes = [512, 128], strides = [1, 1]} : vector<512x10240xf32> to vector<512x128xf32>
    %min3A_26 = arith.minimumf %min3A_24, %slice3A_25 : vector<512x128xf32>
    %slice3A_27 = vector.extract_strided_slice %sub3A {offsets = [0, 896], sizes = [512, 128], strides = [1, 1]} : vector<512x10240xf32> to vector<512x128xf32>
    %min3A_28 = arith.minimumf %min3A_26, %slice3A_27 : vector<512x128xf32>
    %slice3A_29 = vector.extract_strided_slice %sub3A {offsets = [0, 1024], sizes = [512, 128], strides = [1, 1]} : vector<512x10240xf32> to vector<512x128xf32>
    %min3A_30 = arith.minimumf %min3A_28, %slice3A_29 : vector<512x128xf32>
    %slice3A_31 = vector.extract_strided_slice %sub3A {offsets = [0, 1152], sizes = [512, 128], strides = [1, 1]} : vector<512x10240xf32> to vector<512x128xf32>
    %min3A_32 = arith.minimumf %min3A_30, %slice3A_31 : vector<512x128xf32>
    %slice3A_33 = vector.extract_strided_slice %sub3A {offsets = [0, 1280], sizes = [512, 128], strides = [1, 1]} : vector<512x10240xf32> to vector<512x128xf32>
    %min3A_34 = arith.minimumf %min3A_32, %slice3A_33 : vector<512x128xf32>
    %slice3A_35 = vector.extract_strided_slice %sub3A {offsets = [0, 1408], sizes = [512, 128], strides = [1, 1]} : vector<512x10240xf32> to vector<512x128xf32>
    %min3A_36 = arith.minimumf %min3A_34, %slice3A_35 : vector<512x128xf32>
    %slice3A_37 = vector.extract_strided_slice %sub3A {offsets = [0, 1536], sizes = [512, 128], strides = [1, 1]} : vector<512x10240xf32> to vector<512x128xf32>
    %min3A_38 = arith.minimumf %min3A_36, %slice3A_37 : vector<512x128xf32>
    %slice3A_39 = vector.extract_strided_slice %sub3A {offsets = [0, 1664], sizes = [512, 128], strides = [1, 1]} : vector<512x10240xf32> to vector<512x128xf32>
    %min3A_40 = arith.minimumf %min3A_38, %slice3A_39 : vector<512x128xf32>
    %slice3A_41 = vector.extract_strided_slice %sub3A {offsets = [0, 1792], sizes = [512, 128], strides = [1, 1]} : vector<512x10240xf32> to vector<512x128xf32>
    %min3A_42 = arith.minimumf %min3A_40, %slice3A_41 : vector<512x128xf32>
    %slice3A_43 = vector.extract_strided_slice %sub3A {offsets = [0, 1920], sizes = [512, 128], strides = [1, 1]} : vector<512x10240xf32> to vector<512x128xf32>
    %min3A_44 = arith.minimumf %min3A_42, %slice3A_43 : vector<512x128xf32>
    %slice3A_45 = vector.extract_strided_slice %sub3A {offsets = [0, 2048], sizes = [512, 128], strides = [1, 1]} : vector<512x10240xf32> to vector<512x128xf32>
    %min3A_46 = arith.minimumf %min3A_44, %slice3A_45 : vector<512x128xf32>
    %slice3A_47 = vector.extract_strided_slice %sub3A {offsets = [0, 2176], sizes = [512, 128], strides = [1, 1]} : vector<512x10240xf32> to vector<512x128xf32>
    %min3A_48 = arith.minimumf %min3A_46, %slice3A_47 : vector<512x128xf32>
    %slice3A_49 = vector.extract_strided_slice %sub3A {offsets = [0, 2304], sizes = [512, 128], strides = [1, 1]} : vector<512x10240xf32> to vector<512x128xf32>
    %min3A_50 = arith.minimumf %min3A_48, %slice3A_49 : vector<512x128xf32>
    %slice3A_51 = vector.extract_strided_slice %sub3A {offsets = [0, 2432], sizes = [512, 128], strides = [1, 1]} : vector<512x10240xf32> to vector<512x128xf32>
    %min3A_52 = arith.minimumf %min3A_50, %slice3A_51 : vector<512x128xf32>
    %slice3A_53 = vector.extract_strided_slice %sub3A {offsets = [0, 2560], sizes = [512, 128], strides = [1, 1]} : vector<512x10240xf32> to vector<512x128xf32>
    %min3A_54 = arith.minimumf %min3A_52, %slice3A_53 : vector<512x128xf32>
    %slice3A_55 = vector.extract_strided_slice %sub3A {offsets = [0, 2688], sizes = [512, 128], strides = [1, 1]} : vector<512x10240xf32> to vector<512x128xf32>
    %min3A_56 = arith.minimumf %min3A_54, %slice3A_55 : vector<512x128xf32>
    %slice3A_57 = vector.extract_strided_slice %sub3A {offsets = [0, 2816], sizes = [512, 128], strides = [1, 1]} : vector<512x10240xf32> to vector<512x128xf32>
    %min3A_58 = arith.minimumf %min3A_56, %slice3A_57 : vector<512x128xf32>
    %slice3A_59 = vector.extract_strided_slice %sub3A {offsets = [0, 2944], sizes = [512, 128], strides = [1, 1]} : vector<512x10240xf32> to vector<512x128xf32>
    %min3A_60 = arith.minimumf %min3A_58, %slice3A_59 : vector<512x128xf32>
    %slice3A_61 = vector.extract_strided_slice %sub3A {offsets = [0, 3072], sizes = [512, 128], strides = [1, 1]} : vector<512x10240xf32> to vector<512x128xf32>
    %min3A_62 = arith.minimumf %min3A_60, %slice3A_61 : vector<512x128xf32>
    %slice3A_63 = vector.extract_strided_slice %sub3A {offsets = [0, 3200], sizes = [512, 128], strides = [1, 1]} : vector<512x10240xf32> to vector<512x128xf32>
    %min3A_64 = arith.minimumf %min3A_62, %slice3A_63 : vector<512x128xf32>
    %slice3A_65 = vector.extract_strided_slice %sub3A {offsets = [0, 3328], sizes = [512, 128], strides = [1, 1]} : vector<512x10240xf32> to vector<512x128xf32>
    %min3A_66 = arith.minimumf %min3A_64, %slice3A_65 : vector<512x128xf32>
    %slice3A_67 = vector.extract_strided_slice %sub3A {offsets = [0, 3456], sizes = [512, 128], strides = [1, 1]} : vector<512x10240xf32> to vector<512x128xf32>
    %min3A_68 = arith.minimumf %min3A_66, %slice3A_67 : vector<512x128xf32>
    %slice3A_69 = vector.extract_strided_slice %sub3A {offsets = [0, 3584], sizes = [512, 128], strides = [1, 1]} : vector<512x10240xf32> to vector<512x128xf32>
    %min3A_70 = arith.minimumf %min3A_68, %slice3A_69 : vector<512x128xf32>
    %slice3A_71 = vector.extract_strided_slice %sub3A {offsets = [0, 3712], sizes = [512, 128], strides = [1, 1]} : vector<512x10240xf32> to vector<512x128xf32>
    %min3A_72 = arith.minimumf %min3A_70, %slice3A_71 : vector<512x128xf32>
    %slice3A_73 = vector.extract_strided_slice %sub3A {offsets = [0, 3840], sizes = [512, 128], strides = [1, 1]} : vector<512x10240xf32> to vector<512x128xf32>
    %min3A_74 = arith.minimumf %min3A_72, %slice3A_73 : vector<512x128xf32>
    %slice3A_75 = vector.extract_strided_slice %sub3A {offsets = [0, 3968], sizes = [512, 128], strides = [1, 1]} : vector<512x10240xf32> to vector<512x128xf32>
    %min3A_76 = arith.minimumf %min3A_74, %slice3A_75 : vector<512x128xf32>
    %slice3A_77 = vector.extract_strided_slice %sub3A {offsets = [0, 4096], sizes = [512, 128], strides = [1, 1]} : vector<512x10240xf32> to vector<512x128xf32>
    %min3A_78 = arith.minimumf %min3A_76, %slice3A_77 : vector<512x128xf32>
    %slice3A_79 = vector.extract_strided_slice %sub3A {offsets = [0, 4224], sizes = [512, 128], strides = [1, 1]} : vector<512x10240xf32> to vector<512x128xf32>
    %min3A_80 = arith.minimumf %min3A_78, %slice3A_79 : vector<512x128xf32>
    %slice3A_81 = vector.extract_strided_slice %sub3A {offsets = [0, 4352], sizes = [512, 128], strides = [1, 1]} : vector<512x10240xf32> to vector<512x128xf32>
    %min3A_82 = arith.minimumf %min3A_80, %slice3A_81 : vector<512x128xf32>
    %slice3A_83 = vector.extract_strided_slice %sub3A {offsets = [0, 4480], sizes = [512, 128], strides = [1, 1]} : vector<512x10240xf32> to vector<512x128xf32>
    %min3A_84 = arith.minimumf %min3A_82, %slice3A_83 : vector<512x128xf32>
    %slice3A_85 = vector.extract_strided_slice %sub3A {offsets = [0, 4608], sizes = [512, 128], strides = [1, 1]} : vector<512x10240xf32> to vector<512x128xf32>
    %min3A_86 = arith.minimumf %min3A_84, %slice3A_85 : vector<512x128xf32>
    %slice3A_87 = vector.extract_strided_slice %sub3A {offsets = [0, 4736], sizes = [512, 128], strides = [1, 1]} : vector<512x10240xf32> to vector<512x128xf32>
    %min3A_88 = arith.minimumf %min3A_86, %slice3A_87 : vector<512x128xf32>
    %slice3A_89 = vector.extract_strided_slice %sub3A {offsets = [0, 4864], sizes = [512, 128], strides = [1, 1]} : vector<512x10240xf32> to vector<512x128xf32>
    %min3A_90 = arith.minimumf %min3A_88, %slice3A_89 : vector<512x128xf32>
    %slice3A_91 = vector.extract_strided_slice %sub3A {offsets = [0, 4992], sizes = [512, 128], strides = [1, 1]} : vector<512x10240xf32> to vector<512x128xf32>
    %min3A_92 = arith.minimumf %min3A_90, %slice3A_91 : vector<512x128xf32>
    %slice3A_93 = vector.extract_strided_slice %sub3A {offsets = [0, 5120], sizes = [512, 128], strides = [1, 1]} : vector<512x10240xf32> to vector<512x128xf32>
    %min3A_94 = arith.minimumf %min3A_92, %slice3A_93 : vector<512x128xf32>
    %slice3A_95 = vector.extract_strided_slice %sub3A {offsets = [0, 5248], sizes = [512, 128], strides = [1, 1]} : vector<512x10240xf32> to vector<512x128xf32>
    %min3A_96 = arith.minimumf %min3A_94, %slice3A_95 : vector<512x128xf32>
    %slice3A_97 = vector.extract_strided_slice %sub3A {offsets = [0, 5376], sizes = [512, 128], strides = [1, 1]} : vector<512x10240xf32> to vector<512x128xf32>
    %min3A_98 = arith.minimumf %min3A_96, %slice3A_97 : vector<512x128xf32>
    %slice3A_99 = vector.extract_strided_slice %sub3A {offsets = [0, 5504], sizes = [512, 128], strides = [1, 1]} : vector<512x10240xf32> to vector<512x128xf32>
    %min3A_100 = arith.minimumf %min3A_98, %slice3A_99 : vector<512x128xf32>
    %slice3A_101 = vector.extract_strided_slice %sub3A {offsets = [0, 5632], sizes = [512, 128], strides = [1, 1]} : vector<512x10240xf32> to vector<512x128xf32>
    %min3A_102 = arith.minimumf %min3A_100, %slice3A_101 : vector<512x128xf32>
    %slice3A_103 = vector.extract_strided_slice %sub3A {offsets = [0, 5760], sizes = [512, 128], strides = [1, 1]} : vector<512x10240xf32> to vector<512x128xf32>
    %min3A_104 = arith.minimumf %min3A_102, %slice3A_103 : vector<512x128xf32>
    %slice3A_105 = vector.extract_strided_slice %sub3A {offsets = [0, 5888], sizes = [512, 128], strides = [1, 1]} : vector<512x10240xf32> to vector<512x128xf32>
    %min3A_106 = arith.minimumf %min3A_104, %slice3A_105 : vector<512x128xf32>
    %slice3A_107 = vector.extract_strided_slice %sub3A {offsets = [0, 6016], sizes = [512, 128], strides = [1, 1]} : vector<512x10240xf32> to vector<512x128xf32>
    %min3A_108 = arith.minimumf %min3A_106, %slice3A_107 : vector<512x128xf32>
    %slice3A_109 = vector.extract_strided_slice %sub3A {offsets = [0, 6144], sizes = [512, 128], strides = [1, 1]} : vector<512x10240xf32> to vector<512x128xf32>
    %min3A_110 = arith.minimumf %min3A_108, %slice3A_109 : vector<512x128xf32>
    %slice3A_111 = vector.extract_strided_slice %sub3A {offsets = [0, 6272], sizes = [512, 128], strides = [1, 1]} : vector<512x10240xf32> to vector<512x128xf32>
    %min3A_112 = arith.minimumf %min3A_110, %slice3A_111 : vector<512x128xf32>
    %slice3A_113 = vector.extract_strided_slice %sub3A {offsets = [0, 6400], sizes = [512, 128], strides = [1, 1]} : vector<512x10240xf32> to vector<512x128xf32>
    %min3A_114 = arith.minimumf %min3A_112, %slice3A_113 : vector<512x128xf32>
    %slice3A_115 = vector.extract_strided_slice %sub3A {offsets = [0, 6528], sizes = [512, 128], strides = [1, 1]} : vector<512x10240xf32> to vector<512x128xf32>
    %min3A_116 = arith.minimumf %min3A_114, %slice3A_115 : vector<512x128xf32>
    %slice3A_117 = vector.extract_strided_slice %sub3A {offsets = [0, 6656], sizes = [512, 128], strides = [1, 1]} : vector<512x10240xf32> to vector<512x128xf32>
    %min3A_118 = arith.minimumf %min3A_116, %slice3A_117 : vector<512x128xf32>
    %slice3A_119 = vector.extract_strided_slice %sub3A {offsets = [0, 6784], sizes = [512, 128], strides = [1, 1]} : vector<512x10240xf32> to vector<512x128xf32>
    %min3A_120 = arith.minimumf %min3A_118, %slice3A_119 : vector<512x128xf32>
    %slice3A_121 = vector.extract_strided_slice %sub3A {offsets = [0, 6912], sizes = [512, 128], strides = [1, 1]} : vector<512x10240xf32> to vector<512x128xf32>
    %min3A_122 = arith.minimumf %min3A_120, %slice3A_121 : vector<512x128xf32>
    %slice3A_123 = vector.extract_strided_slice %sub3A {offsets = [0, 7040], sizes = [512, 128], strides = [1, 1]} : vector<512x10240xf32> to vector<512x128xf32>
    %min3A_124 = arith.minimumf %min3A_122, %slice3A_123 : vector<512x128xf32>
    %slice3A_125 = vector.extract_strided_slice %sub3A {offsets = [0, 7168], sizes = [512, 128], strides = [1, 1]} : vector<512x10240xf32> to vector<512x128xf32>
    %min3A_126 = arith.minimumf %min3A_124, %slice3A_125 : vector<512x128xf32>
    %slice3A_127 = vector.extract_strided_slice %sub3A {offsets = [0, 7296], sizes = [512, 128], strides = [1, 1]} : vector<512x10240xf32> to vector<512x128xf32>
    %min3A_128 = arith.minimumf %min3A_126, %slice3A_127 : vector<512x128xf32>
    %slice3A_129 = vector.extract_strided_slice %sub3A {offsets = [0, 7424], sizes = [512, 128], strides = [1, 1]} : vector<512x10240xf32> to vector<512x128xf32>
    %min3A_130 = arith.minimumf %min3A_128, %slice3A_129 : vector<512x128xf32>
    %slice3A_131 = vector.extract_strided_slice %sub3A {offsets = [0, 7552], sizes = [512, 128], strides = [1, 1]} : vector<512x10240xf32> to vector<512x128xf32>
    %min3A_132 = arith.minimumf %min3A_130, %slice3A_131 : vector<512x128xf32>
    %slice3A_133 = vector.extract_strided_slice %sub3A {offsets = [0, 7680], sizes = [512, 128], strides = [1, 1]} : vector<512x10240xf32> to vector<512x128xf32>
    %min3A_134 = arith.minimumf %min3A_132, %slice3A_133 : vector<512x128xf32>
    %slice3A_135 = vector.extract_strided_slice %sub3A {offsets = [0, 7808], sizes = [512, 128], strides = [1, 1]} : vector<512x10240xf32> to vector<512x128xf32>
    %min3A_136 = arith.minimumf %min3A_134, %slice3A_135 : vector<512x128xf32>
    %slice3A_137 = vector.extract_strided_slice %sub3A {offsets = [0, 7936], sizes = [512, 128], strides = [1, 1]} : vector<512x10240xf32> to vector<512x128xf32>
    %min3A_138 = arith.minimumf %min3A_136, %slice3A_137 : vector<512x128xf32>
    %slice3A_139 = vector.extract_strided_slice %sub3A {offsets = [0, 8064], sizes = [512, 128], strides = [1, 1]} : vector<512x10240xf32> to vector<512x128xf32>
    %min3A_140 = arith.minimumf %min3A_138, %slice3A_139 : vector<512x128xf32>
    %slice3A_141 = vector.extract_strided_slice %sub3A {offsets = [0, 8192], sizes = [512, 128], strides = [1, 1]} : vector<512x10240xf32> to vector<512x128xf32>
    %min3A_142 = arith.minimumf %min3A_140, %slice3A_141 : vector<512x128xf32>
    %slice3A_143 = vector.extract_strided_slice %sub3A {offsets = [0, 8320], sizes = [512, 128], strides = [1, 1]} : vector<512x10240xf32> to vector<512x128xf32>
    %min3A_144 = arith.minimumf %min3A_142, %slice3A_143 : vector<512x128xf32>
    %slice3A_145 = vector.extract_strided_slice %sub3A {offsets = [0, 8448], sizes = [512, 128], strides = [1, 1]} : vector<512x10240xf32> to vector<512x128xf32>
    %min3A_146 = arith.minimumf %min3A_144, %slice3A_145 : vector<512x128xf32>
    %slice3A_147 = vector.extract_strided_slice %sub3A {offsets = [0, 8576], sizes = [512, 128], strides = [1, 1]} : vector<512x10240xf32> to vector<512x128xf32>
    %min3A_148 = arith.minimumf %min3A_146, %slice3A_147 : vector<512x128xf32>
    %slice3A_149 = vector.extract_strided_slice %sub3A {offsets = [0, 8704], sizes = [512, 128], strides = [1, 1]} : vector<512x10240xf32> to vector<512x128xf32>
    %min3A_150 = arith.minimumf %min3A_148, %slice3A_149 : vector<512x128xf32>
    %slice3A_151 = vector.extract_strided_slice %sub3A {offsets = [0, 8832], sizes = [512, 128], strides = [1, 1]} : vector<512x10240xf32> to vector<512x128xf32>
    %min3A_152 = arith.minimumf %min3A_150, %slice3A_151 : vector<512x128xf32>
    %slice3A_153 = vector.extract_strided_slice %sub3A {offsets = [0, 8960], sizes = [512, 128], strides = [1, 1]} : vector<512x10240xf32> to vector<512x128xf32>
    %min3A_154 = arith.minimumf %min3A_152, %slice3A_153 : vector<512x128xf32>
    %slice3A_155 = vector.extract_strided_slice %sub3A {offsets = [0, 9088], sizes = [512, 128], strides = [1, 1]} : vector<512x10240xf32> to vector<512x128xf32>
    %min3A_156 = arith.minimumf %min3A_154, %slice3A_155 : vector<512x128xf32>
    %slice3A_157 = vector.extract_strided_slice %sub3A {offsets = [0, 9216], sizes = [512, 128], strides = [1, 1]} : vector<512x10240xf32> to vector<512x128xf32>
    %min3A_158 = arith.minimumf %min3A_156, %slice3A_157 : vector<512x128xf32>
    %slice3A_159 = vector.extract_strided_slice %sub3A {offsets = [0, 9344], sizes = [512, 128], strides = [1, 1]} : vector<512x10240xf32> to vector<512x128xf32>
    %min3A_160 = arith.minimumf %min3A_158, %slice3A_159 : vector<512x128xf32>
    %slice3A_161 = vector.extract_strided_slice %sub3A {offsets = [0, 9472], sizes = [512, 128], strides = [1, 1]} : vector<512x10240xf32> to vector<512x128xf32>
    %min3A_162 = arith.minimumf %min3A_160, %slice3A_161 : vector<512x128xf32>
    %slice3A_163 = vector.extract_strided_slice %sub3A {offsets = [0, 9600], sizes = [512, 128], strides = [1, 1]} : vector<512x10240xf32> to vector<512x128xf32>
    %min3A_164 = arith.minimumf %min3A_162, %slice3A_163 : vector<512x128xf32>
    %slice3A_165 = vector.extract_strided_slice %sub3A {offsets = [0, 9728], sizes = [512, 128], strides = [1, 1]} : vector<512x10240xf32> to vector<512x128xf32>
    %min3A_166 = arith.minimumf %min3A_164, %slice3A_165 : vector<512x128xf32>
    %slice3A_167 = vector.extract_strided_slice %sub3A {offsets = [0, 9856], sizes = [512, 128], strides = [1, 1]} : vector<512x10240xf32> to vector<512x128xf32>
    %min3A_168 = arith.minimumf %min3A_166, %slice3A_167 : vector<512x128xf32>
    %slice3A_169 = vector.extract_strided_slice %sub3A {offsets = [0, 9984], sizes = [512, 128], strides = [1, 1]} : vector<512x10240xf32> to vector<512x128xf32>
    %min3A_170 = arith.minimumf %min3A_168, %slice3A_169 : vector<512x128xf32>
    %slice3A_171 = vector.extract_strided_slice %sub3A {offsets = [0, 10112], sizes = [512, 128], strides = [1, 1]} : vector<512x10240xf32> to vector<512x128xf32>
    %min3A_172 = arith.minimumf %min3A_170, %slice3A_171 : vector<512x128xf32>
    %iota3A = tpu.iota {dimensions = array<i32: 1>} : vector<512x128xi32>
    %reduce_min3A = arith.constant dense<0x7F800000> : vector<512xf32>
    %reduce_min3A_173 = vector.multi_reduction <minimumf>, %min3A_172, %reduce_min3A [1] : vector<512x128xf32> to vector<512xf32>
    %broadcast_in_dim3A_174 = vector.shape_cast %reduce_min3A_173 : vector<512xf32> to vector<512x1xf32>
    %le3A = vector.broadcast %broadcast_in_dim3A_174 : vector<512x1xf32> to vector<512x128xf32>
    %le3A_175 = arith.cmpf ole, %min3A_172, %le3A : vector<512x128xf32>
    %jit3A = arith.constant 1073741824 : i32
    %broadcast_in_dim3A_176 = vector.broadcast %jit3A : i32 to vector<512x128xi32>
    %select_n3A = arith.select %le3A_175, %iota3A, %broadcast_in_dim3A_176 : vector<512x128xi1>, vector<512x128xi32>
    %reduce_min3A_177 = arith.constant dense<2147483647> : vector<512xi32>
    %reduce_min3A_178 = vector.multi_reduction <minsi>, %select_n3A, %reduce_min3A_177 [1] : vector<512x128xi32> to vector<512xi32>
    %broadcast_in_dim3A_179 = vector.shape_cast %reduce_min3A_178 : vector<512xi32> to vector<512x1xi32>
    %eq3A = vector.broadcast %broadcast_in_dim3A_179 : vector<512x1xi32> to vector<512x128xi32>
    %eq3A_180 = arith.cmpi eq, %select_n3A, %eq3A : vector<512x128xi32>
    %jit3A_181 = arith.constant 1.000000e+30 : f32
    %broadcast_in_dim3A_182 = vector.broadcast %jit3A_181 : f32 to vector<512x128xf32>
    %select_n3A_183 = arith.select %eq3A_180, %broadcast_in_dim3A_182, %min3A_172 : vector<512x128xi1>, vector<512x128xf32>
    %reduce_min3A_184 = arith.constant dense<0x7F800000> : vector<512xf32>
    %reduce_min3A_185 = vector.multi_reduction <minimumf>, %select_n3A_183, %reduce_min3A_184 [1] : vector<512x128xf32> to vector<512xf32>
    %broadcast_in_dim3A_186 = vector.shape_cast %reduce_min3A_185 : vector<512xf32> to vector<512x1xf32>
    %le3A_187 = vector.broadcast %broadcast_in_dim3A_186 : vector<512x1xf32> to vector<512x128xf32>
    %le3A_188 = arith.cmpf ole, %select_n3A_183, %le3A_187 : vector<512x128xf32>
    %jit3A_189 = arith.constant 1073741824 : i32
    %broadcast_in_dim3A_190 = vector.broadcast %jit3A_189 : i32 to vector<512x128xi32>
    %select_n3A_191 = arith.select %le3A_188, %iota3A, %broadcast_in_dim3A_190 : vector<512x128xi1>, vector<512x128xi32>
    %reduce_min3A_192 = arith.constant dense<2147483647> : vector<512xi32>
    %reduce_min3A_193 = vector.multi_reduction <minsi>, %select_n3A_191, %reduce_min3A_192 [1] : vector<512x128xi32> to vector<512xi32>
    %broadcast_in_dim3A_194 = vector.shape_cast %reduce_min3A_193 : vector<512xi32> to vector<512x1xi32>
    %eq3A_195 = vector.broadcast %broadcast_in_dim3A_194 : vector<512x1xi32> to vector<512x128xi32>
    %eq3A_196 = arith.cmpi eq, %select_n3A_191, %eq3A_195 : vector<512x128xi32>
    %jit3A_197 = arith.constant 1.000000e+30 : f32
    %broadcast_in_dim3A_198 = vector.broadcast %jit3A_197 : f32 to vector<512x128xf32>
    %select_n3A_199 = arith.select %eq3A_196, %broadcast_in_dim3A_198, %select_n3A_183 : vector<512x128xi1>, vector<512x128xf32>
    %reduce_min3A_200 = arith.constant dense<0x7F800000> : vector<512xf32>
    %reduce_min3A_201 = vector.multi_reduction <minimumf>, %select_n3A_199, %reduce_min3A_200 [1] : vector<512x128xf32> to vector<512xf32>
    %broadcast_in_dim3A_202 = vector.shape_cast %reduce_min3A_201 : vector<512xf32> to vector<512x1xf32>
    %le3A_203 = vector.broadcast %broadcast_in_dim3A_202 : vector<512x1xf32> to vector<512x128xf32>
    %le3A_204 = arith.cmpf ole, %select_n3A_199, %le3A_203 : vector<512x128xf32>
    %jit3A_205 = arith.constant 1073741824 : i32
    %broadcast_in_dim3A_206 = vector.broadcast %jit3A_205 : i32 to vector<512x128xi32>
    %select_n3A_207 = arith.select %le3A_204, %iota3A, %broadcast_in_dim3A_206 : vector<512x128xi1>, vector<512x128xi32>
    %reduce_min3A_208 = arith.constant dense<2147483647> : vector<512xi32>
    %reduce_min3A_209 = vector.multi_reduction <minsi>, %select_n3A_207, %reduce_min3A_208 [1] : vector<512x128xi32> to vector<512xi32>
    %broadcast_in_dim3A_210 = vector.shape_cast %reduce_min3A_209 : vector<512xi32> to vector<512x1xi32>
    %eq3A_211 = vector.broadcast %broadcast_in_dim3A_210 : vector<512x1xi32> to vector<512x128xi32>
    %eq3A_212 = arith.cmpi eq, %select_n3A_207, %eq3A_211 : vector<512x128xi32>
    %jit3A_213 = arith.constant 1.000000e+30 : f32
    %broadcast_in_dim3A_214 = vector.broadcast %jit3A_213 : f32 to vector<512x128xf32>
    %select_n3A_215 = arith.select %eq3A_212, %broadcast_in_dim3A_214, %select_n3A_199 : vector<512x128xi1>, vector<512x128xf32>
    %reduce_min3A_216 = arith.constant dense<0x7F800000> : vector<512xf32>
    %reduce_min3A_217 = vector.multi_reduction <minimumf>, %select_n3A_215, %reduce_min3A_216 [1] : vector<512x128xf32> to vector<512xf32>
    %broadcast_in_dim3A_218 = vector.shape_cast %reduce_min3A_217 : vector<512xf32> to vector<512x1xf32>
    %le3A_219 = vector.broadcast %broadcast_in_dim3A_218 : vector<512x1xf32> to vector<512x128xf32>
    %le3A_220 = arith.cmpf ole, %select_n3A_215, %le3A_219 : vector<512x128xf32>
    %jit3A_221 = arith.constant 1073741824 : i32
    %broadcast_in_dim3A_222 = vector.broadcast %jit3A_221 : i32 to vector<512x128xi32>
    %select_n3A_223 = arith.select %le3A_220, %iota3A, %broadcast_in_dim3A_222 : vector<512x128xi1>, vector<512x128xi32>
    %reduce_min3A_224 = arith.constant dense<2147483647> : vector<512xi32>
    %reduce_min3A_225 = vector.multi_reduction <minsi>, %select_n3A_223, %reduce_min3A_224 [1] : vector<512x128xi32> to vector<512xi32>
    %broadcast_in_dim3A_226 = vector.shape_cast %reduce_min3A_225 : vector<512xi32> to vector<512x1xi32>
    %eq3A_227 = vector.broadcast %broadcast_in_dim3A_226 : vector<512x1xi32> to vector<512x128xi32>
    %eq3A_228 = arith.cmpi eq, %select_n3A_223, %eq3A_227 : vector<512x128xi32>
    %jit3A_229 = arith.constant 1.000000e+30 : f32
    %broadcast_in_dim3A_230 = vector.broadcast %jit3A_229 : f32 to vector<512x128xf32>
    %select_n3A_231 = arith.select %eq3A_228, %broadcast_in_dim3A_230, %select_n3A_215 : vector<512x128xi1>, vector<512x128xf32>
    %reduce_min3A_232 = arith.constant dense<0x7F800000> : vector<512xf32>
    %reduce_min3A_233 = vector.multi_reduction <minimumf>, %select_n3A_231, %reduce_min3A_232 [1] : vector<512x128xf32> to vector<512xf32>
    %broadcast_in_dim3A_234 = vector.shape_cast %reduce_min3A_233 : vector<512xf32> to vector<512x1xf32>
    %le3A_235 = vector.broadcast %broadcast_in_dim3A_234 : vector<512x1xf32> to vector<512x128xf32>
    %le3A_236 = arith.cmpf ole, %select_n3A_231, %le3A_235 : vector<512x128xf32>
    %jit3A_237 = arith.constant 1073741824 : i32
    %broadcast_in_dim3A_238 = vector.broadcast %jit3A_237 : i32 to vector<512x128xi32>
    %select_n3A_239 = arith.select %le3A_236, %iota3A, %broadcast_in_dim3A_238 : vector<512x128xi1>, vector<512x128xi32>
    %reduce_min3A_240 = arith.constant dense<2147483647> : vector<512xi32>
    %reduce_min3A_241 = vector.multi_reduction <minsi>, %select_n3A_239, %reduce_min3A_240 [1] : vector<512x128xi32> to vector<512xi32>
    %broadcast_in_dim3A_242 = vector.shape_cast %reduce_min3A_241 : vector<512xi32> to vector<512x1xi32>
    %eq3A_243 = vector.broadcast %broadcast_in_dim3A_242 : vector<512x1xi32> to vector<512x128xi32>
    %eq3A_244 = arith.cmpi eq, %select_n3A_239, %eq3A_243 : vector<512x128xi32>
    %jit3A_245 = arith.constant 1.000000e+30 : f32
    %broadcast_in_dim3A_246 = vector.broadcast %jit3A_245 : f32 to vector<512x128xf32>
    %select_n3A_247 = arith.select %eq3A_244, %broadcast_in_dim3A_246, %select_n3A_231 : vector<512x128xi1>, vector<512x128xf32>
    %reduce_min3A_248 = arith.constant dense<0x7F800000> : vector<512xf32>
    %reduce_min3A_249 = vector.multi_reduction <minimumf>, %select_n3A_247, %reduce_min3A_248 [1] : vector<512x128xf32> to vector<512xf32>
    %broadcast_in_dim3A_250 = vector.shape_cast %reduce_min3A_249 : vector<512xf32> to vector<512x1xf32>
    %le3A_251 = vector.broadcast %broadcast_in_dim3A_250 : vector<512x1xf32> to vector<512x128xf32>
    %le3A_252 = arith.cmpf ole, %select_n3A_247, %le3A_251 : vector<512x128xf32>
    %jit3A_253 = arith.constant 1073741824 : i32
    %broadcast_in_dim3A_254 = vector.broadcast %jit3A_253 : i32 to vector<512x128xi32>
    %select_n3A_255 = arith.select %le3A_252, %iota3A, %broadcast_in_dim3A_254 : vector<512x128xi1>, vector<512x128xi32>
    %reduce_min3A_256 = arith.constant dense<2147483647> : vector<512xi32>
    %reduce_min3A_257 = vector.multi_reduction <minsi>, %select_n3A_255, %reduce_min3A_256 [1] : vector<512x128xi32> to vector<512xi32>
    %broadcast_in_dim3A_258 = vector.shape_cast %reduce_min3A_257 : vector<512xi32> to vector<512x1xi32>
    %eq3A_259 = vector.broadcast %broadcast_in_dim3A_258 : vector<512x1xi32> to vector<512x128xi32>
    %eq3A_260 = arith.cmpi eq, %select_n3A_255, %eq3A_259 : vector<512x128xi32>
    %jit3A_261 = arith.constant 1.000000e+30 : f32
    %broadcast_in_dim3A_262 = vector.broadcast %jit3A_261 : f32 to vector<512x128xf32>
    %select_n3A_263 = arith.select %eq3A_260, %broadcast_in_dim3A_262, %select_n3A_247 : vector<512x128xi1>, vector<512x128xf32>
    %reduce_min3A_264 = arith.constant dense<0x7F800000> : vector<512xf32>
    %reduce_min3A_265 = vector.multi_reduction <minimumf>, %select_n3A_263, %reduce_min3A_264 [1] : vector<512x128xf32> to vector<512xf32>
    %broadcast_in_dim3A_266 = vector.shape_cast %reduce_min3A_265 : vector<512xf32> to vector<512x1xf32>
    %le3A_267 = vector.broadcast %broadcast_in_dim3A_266 : vector<512x1xf32> to vector<512x128xf32>
    %le3A_268 = arith.cmpf ole, %select_n3A_263, %le3A_267 : vector<512x128xf32>
    %jit3A_269 = arith.constant 1073741824 : i32
    %broadcast_in_dim3A_270 = vector.broadcast %jit3A_269 : i32 to vector<512x128xi32>
    %select_n3A_271 = arith.select %le3A_268, %iota3A, %broadcast_in_dim3A_270 : vector<512x128xi1>, vector<512x128xi32>
    %reduce_min3A_272 = arith.constant dense<2147483647> : vector<512xi32>
    %reduce_min3A_273 = vector.multi_reduction <minsi>, %select_n3A_271, %reduce_min3A_272 [1] : vector<512x128xi32> to vector<512xi32>
    %broadcast_in_dim3A_274 = vector.shape_cast %reduce_min3A_273 : vector<512xi32> to vector<512x1xi32>
    %eq3A_275 = vector.broadcast %broadcast_in_dim3A_274 : vector<512x1xi32> to vector<512x128xi32>
    %eq3A_276 = arith.cmpi eq, %select_n3A_271, %eq3A_275 : vector<512x128xi32>
    %jit3A_277 = arith.constant 1.000000e+30 : f32
    %broadcast_in_dim3A_278 = vector.broadcast %jit3A_277 : f32 to vector<512x128xf32>
    %select_n3A_279 = arith.select %eq3A_276, %broadcast_in_dim3A_278, %select_n3A_263 : vector<512x128xi1>, vector<512x128xf32>
    %reduce_min3A_280 = arith.constant dense<0x7F800000> : vector<512xf32>
    %reduce_min3A_281 = vector.multi_reduction <minimumf>, %select_n3A_279, %reduce_min3A_280 [1] : vector<512x128xf32> to vector<512xf32>
    %broadcast_in_dim3A_282 = vector.shape_cast %reduce_min3A_281 : vector<512xf32> to vector<512x1xf32>
    %le3A_283 = vector.broadcast %broadcast_in_dim3A_282 : vector<512x1xf32> to vector<512x128xf32>
    %le3A_284 = arith.cmpf ole, %select_n3A_279, %le3A_283 : vector<512x128xf32>
    %jit3A_285 = arith.constant 1073741824 : i32
    %broadcast_in_dim3A_286 = vector.broadcast %jit3A_285 : i32 to vector<512x128xi32>
    %select_n3A_287 = arith.select %le3A_284, %iota3A, %broadcast_in_dim3A_286 : vector<512x128xi1>, vector<512x128xi32>
    %reduce_min3A_288 = arith.constant dense<2147483647> : vector<512xi32>
    %reduce_min3A_289 = vector.multi_reduction <minsi>, %select_n3A_287, %reduce_min3A_288 [1] : vector<512x128xi32> to vector<512xi32>
    %broadcast_in_dim3A_290 = vector.shape_cast %reduce_min3A_289 : vector<512xi32> to vector<512x1xi32>
    %eq3A_291 = vector.broadcast %broadcast_in_dim3A_290 : vector<512x1xi32> to vector<512x128xi32>
    %eq3A_292 = arith.cmpi eq, %select_n3A_287, %eq3A_291 : vector<512x128xi32>
    %jit3A_293 = arith.constant 1.000000e+30 : f32
    %broadcast_in_dim3A_294 = vector.broadcast %jit3A_293 : f32 to vector<512x128xf32>
    %select_n3A_295 = arith.select %eq3A_292, %broadcast_in_dim3A_294, %select_n3A_279 : vector<512x128xi1>, vector<512x128xf32>
    %reduce_min3A_296 = arith.constant dense<0x7F800000> : vector<512xf32>
    %reduce_min3A_297 = vector.multi_reduction <minimumf>, %select_n3A_295, %reduce_min3A_296 [1] : vector<512x128xf32> to vector<512xf32>
    %broadcast_in_dim3A_298 = vector.shape_cast %reduce_min3A_297 : vector<512xf32> to vector<512x1xf32>
    %le3A_299 = vector.broadcast %broadcast_in_dim3A_298 : vector<512x1xf32> to vector<512x128xf32>
    %le3A_300 = arith.cmpf ole, %select_n3A_295, %le3A_299 : vector<512x128xf32>
    %jit3A_301 = arith.constant 1073741824 : i32
    %broadcast_in_dim3A_302 = vector.broadcast %jit3A_301 : i32 to vector<512x128xi32>
    %select_n3A_303 = arith.select %le3A_300, %iota3A, %broadcast_in_dim3A_302 : vector<512x128xi1>, vector<512x128xi32>
    %reduce_min3A_304 = arith.constant dense<2147483647> : vector<512xi32>
    %reduce_min3A_305 = vector.multi_reduction <minsi>, %select_n3A_303, %reduce_min3A_304 [1] : vector<512x128xi32> to vector<512xi32>
    %broadcast_in_dim3A_306 = vector.shape_cast %reduce_min3A_305 : vector<512xi32> to vector<512x1xi32>
    %eq3A_307 = vector.broadcast %broadcast_in_dim3A_306 : vector<512x1xi32> to vector<512x128xi32>
    %eq3A_308 = arith.cmpi eq, %select_n3A_303, %eq3A_307 : vector<512x128xi32>
    %jit3A_309 = arith.constant 1.000000e+30 : f32
    %broadcast_in_dim3A_310 = vector.broadcast %jit3A_309 : f32 to vector<512x128xf32>
    %select_n3A_311 = arith.select %eq3A_308, %broadcast_in_dim3A_310, %select_n3A_295 : vector<512x128xi1>, vector<512x128xf32>
    %reduce_min3A_312 = arith.constant dense<0x7F800000> : vector<512xf32>
    %reduce_min3A_313 = vector.multi_reduction <minimumf>, %select_n3A_311, %reduce_min3A_312 [1] : vector<512x128xf32> to vector<512xf32>
    %broadcast_in_dim3A_314 = vector.shape_cast %reduce_min3A_313 : vector<512xf32> to vector<512x1xf32>
    %le3A_315 = vector.broadcast %broadcast_in_dim3A_314 : vector<512x1xf32> to vector<512x128xf32>
    %le3A_316 = arith.cmpf ole, %select_n3A_311, %le3A_315 : vector<512x128xf32>
    %jit3A_317 = arith.constant 1073741824 : i32
    %broadcast_in_dim3A_318 = vector.broadcast %jit3A_317 : i32 to vector<512x128xi32>
    %select_n3A_319 = arith.select %le3A_316, %iota3A, %broadcast_in_dim3A_318 : vector<512x128xi1>, vector<512x128xi32>
    %reduce_min3A_320 = arith.constant dense<2147483647> : vector<512xi32>
    %reduce_min3A_321 = vector.multi_reduction <minsi>, %select_n3A_319, %reduce_min3A_320 [1] : vector<512x128xi32> to vector<512xi32>
    %broadcast_in_dim3A_322 = vector.shape_cast %reduce_min3A_321 : vector<512xi32> to vector<512x1xi32>
    %eq3A_323 = vector.broadcast %broadcast_in_dim3A_322 : vector<512x1xi32> to vector<512x128xi32>
    %eq3A_324 = arith.cmpi eq, %select_n3A_319, %eq3A_323 : vector<512x128xi32>
    %jit3A_325 = arith.constant 1.000000e+30 : f32
    %broadcast_in_dim3A_326 = vector.broadcast %jit3A_325 : f32 to vector<512x128xf32>
    %select_n3A_327 = arith.select %eq3A_324, %broadcast_in_dim3A_326, %select_n3A_311 : vector<512x128xi1>, vector<512x128xf32>
    %reduce_min3A_328 = arith.constant dense<0x7F800000> : vector<512xf32>
    %reduce_min3A_329 = vector.multi_reduction <minimumf>, %select_n3A_327, %reduce_min3A_328 [1] : vector<512x128xf32> to vector<512xf32>
    %broadcast_in_dim3A_330 = vector.shape_cast %reduce_min3A_329 : vector<512xf32> to vector<512x1xf32>
    %le3A_331 = vector.broadcast %broadcast_in_dim3A_330 : vector<512x1xf32> to vector<512x128xf32>
    %le3A_332 = arith.cmpf ole, %select_n3A_327, %le3A_331 : vector<512x128xf32>
    %jit3A_333 = arith.constant 1073741824 : i32
    %broadcast_in_dim3A_334 = vector.broadcast %jit3A_333 : i32 to vector<512x128xi32>
    %select_n3A_335 = arith.select %le3A_332, %iota3A, %broadcast_in_dim3A_334 : vector<512x128xi1>, vector<512x128xi32>
    %reduce_min3A_336 = arith.constant dense<2147483647> : vector<512xi32>
    %reduce_min3A_337 = vector.multi_reduction <minsi>, %select_n3A_335, %reduce_min3A_336 [1] : vector<512x128xi32> to vector<512xi32>
    %broadcast_in_dim3A_338 = vector.shape_cast %reduce_min3A_337 : vector<512xi32> to vector<512x1xi32>
    %eq3A_339 = vector.broadcast %broadcast_in_dim3A_338 : vector<512x1xi32> to vector<512x128xi32>
    %eq3A_340 = arith.cmpi eq, %select_n3A_335, %eq3A_339 : vector<512x128xi32>
    %jit3A_341 = arith.constant 1.000000e+30 : f32
    %broadcast_in_dim3A_342 = vector.broadcast %jit3A_341 : f32 to vector<512x128xf32>
    %select_n3A_343 = arith.select %eq3A_340, %broadcast_in_dim3A_342, %select_n3A_327 : vector<512x128xi1>, vector<512x128xf32>
    %reduce_min3A_344 = arith.constant dense<0x7F800000> : vector<512xf32>
    %reduce_min3A_345 = vector.multi_reduction <minimumf>, %select_n3A_343, %reduce_min3A_344 [1] : vector<512x128xf32> to vector<512xf32>
    %broadcast_in_dim3A_346 = vector.shape_cast %reduce_min3A_345 : vector<512xf32> to vector<512x1xf32>
    %le3A_347 = vector.broadcast %broadcast_in_dim3A_346 : vector<512x1xf32> to vector<512x128xf32>
    %le3A_348 = arith.cmpf ole, %select_n3A_343, %le3A_347 : vector<512x128xf32>
    %jit3A_349 = arith.constant 1073741824 : i32
    %broadcast_in_dim3A_350 = vector.broadcast %jit3A_349 : i32 to vector<512x128xi32>
    %select_n3A_351 = arith.select %le3A_348, %iota3A, %broadcast_in_dim3A_350 : vector<512x128xi1>, vector<512x128xi32>
    %reduce_min3A_352 = arith.constant dense<2147483647> : vector<512xi32>
    %reduce_min3A_353 = vector.multi_reduction <minsi>, %select_n3A_351, %reduce_min3A_352 [1] : vector<512x128xi32> to vector<512xi32>
    %broadcast_in_dim3A_354 = vector.shape_cast %reduce_min3A_353 : vector<512xi32> to vector<512x1xi32>
    %eq3A_355 = vector.broadcast %broadcast_in_dim3A_354 : vector<512x1xi32> to vector<512x128xi32>
    %eq3A_356 = arith.cmpi eq, %select_n3A_351, %eq3A_355 : vector<512x128xi32>
    %jit3A_357 = arith.constant 1.000000e+30 : f32
    %broadcast_in_dim3A_358 = vector.broadcast %jit3A_357 : f32 to vector<512x128xf32>
    %select_n3A_359 = arith.select %eq3A_356, %broadcast_in_dim3A_358, %select_n3A_343 : vector<512x128xi1>, vector<512x128xf32>
    %reduce_min3A_360 = arith.constant dense<0x7F800000> : vector<512xf32>
    %reduce_min3A_361 = vector.multi_reduction <minimumf>, %select_n3A_359, %reduce_min3A_360 [1] : vector<512x128xf32> to vector<512xf32>
    %broadcast_in_dim3A_362 = vector.shape_cast %reduce_min3A_361 : vector<512xf32> to vector<512x1xf32>
    %le3A_363 = vector.broadcast %broadcast_in_dim3A_362 : vector<512x1xf32> to vector<512x128xf32>
    %le3A_364 = arith.cmpf ole, %select_n3A_359, %le3A_363 : vector<512x128xf32>
    %jit3A_365 = arith.constant 1073741824 : i32
    %broadcast_in_dim3A_366 = vector.broadcast %jit3A_365 : i32 to vector<512x128xi32>
    %select_n3A_367 = arith.select %le3A_364, %iota3A, %broadcast_in_dim3A_366 : vector<512x128xi1>, vector<512x128xi32>
    %reduce_min3A_368 = arith.constant dense<2147483647> : vector<512xi32>
    %reduce_min3A_369 = vector.multi_reduction <minsi>, %select_n3A_367, %reduce_min3A_368 [1] : vector<512x128xi32> to vector<512xi32>
    %broadcast_in_dim3A_370 = vector.shape_cast %reduce_min3A_369 : vector<512xi32> to vector<512x1xi32>
    %eq3A_371 = vector.broadcast %broadcast_in_dim3A_370 : vector<512x1xi32> to vector<512x128xi32>
    %eq3A_372 = arith.cmpi eq, %select_n3A_367, %eq3A_371 : vector<512x128xi32>
    %jit3A_373 = arith.constant 1.000000e+30 : f32
    %broadcast_in_dim3A_374 = vector.broadcast %jit3A_373 : f32 to vector<512x128xf32>
    %select_n3A_375 = arith.select %eq3A_372, %broadcast_in_dim3A_374, %select_n3A_359 : vector<512x128xi1>, vector<512x128xf32>
    %reduce_min3A_376 = arith.constant dense<0x7F800000> : vector<512xf32>
    %reduce_min3A_377 = vector.multi_reduction <minimumf>, %select_n3A_375, %reduce_min3A_376 [1] : vector<512x128xf32> to vector<512xf32>
    %broadcast_in_dim3A_378 = vector.shape_cast %reduce_min3A_377 : vector<512xf32> to vector<512x1xf32>
    %le3A_379 = vector.broadcast %broadcast_in_dim3A_378 : vector<512x1xf32> to vector<512x128xf32>
    %le3A_380 = arith.cmpf ole, %select_n3A_375, %le3A_379 : vector<512x128xf32>
    %jit3A_381 = arith.constant 1073741824 : i32
    %broadcast_in_dim3A_382 = vector.broadcast %jit3A_381 : i32 to vector<512x128xi32>
    %select_n3A_383 = arith.select %le3A_380, %iota3A, %broadcast_in_dim3A_382 : vector<512x128xi1>, vector<512x128xi32>
    %reduce_min3A_384 = arith.constant dense<2147483647> : vector<512xi32>
    %reduce_min3A_385 = vector.multi_reduction <minsi>, %select_n3A_383, %reduce_min3A_384 [1] : vector<512x128xi32> to vector<512xi32>
    %broadcast_in_dim3A_386 = vector.shape_cast %reduce_min3A_385 : vector<512xi32> to vector<512x1xi32>
    %eq3A_387 = vector.broadcast %broadcast_in_dim3A_386 : vector<512x1xi32> to vector<512x128xi32>
    %eq3A_388 = arith.cmpi eq, %select_n3A_383, %eq3A_387 : vector<512x128xi32>
    %jit3A_389 = arith.constant 1.000000e+30 : f32
    %broadcast_in_dim3A_390 = vector.broadcast %jit3A_389 : f32 to vector<512x128xf32>
    %select_n3A_391 = arith.select %eq3A_388, %broadcast_in_dim3A_390, %select_n3A_375 : vector<512x128xi1>, vector<512x128xf32>
    %reduce_min3A_392 = arith.constant dense<0x7F800000> : vector<512xf32>
    %reduce_min3A_393 = vector.multi_reduction <minimumf>, %select_n3A_391, %reduce_min3A_392 [1] : vector<512x128xf32> to vector<512xf32>
    %broadcast_in_dim3A_394 = vector.shape_cast %reduce_min3A_393 : vector<512xf32> to vector<512x1xf32>
    %le3A_395 = vector.broadcast %broadcast_in_dim3A_394 : vector<512x1xf32> to vector<512x128xf32>
    %le3A_396 = arith.cmpf ole, %select_n3A_391, %le3A_395 : vector<512x128xf32>
    %jit3A_397 = arith.constant 1073741824 : i32
    %broadcast_in_dim3A_398 = vector.broadcast %jit3A_397 : i32 to vector<512x128xi32>
    %select_n3A_399 = arith.select %le3A_396, %iota3A, %broadcast_in_dim3A_398 : vector<512x128xi1>, vector<512x128xi32>
    %reduce_min3A_400 = arith.constant dense<2147483647> : vector<512xi32>
    %reduce_min3A_401 = vector.multi_reduction <minsi>, %select_n3A_399, %reduce_min3A_400 [1] : vector<512x128xi32> to vector<512xi32>
    %broadcast_in_dim3A_402 = vector.shape_cast %reduce_min3A_401 : vector<512xi32> to vector<512x1xi32>
    %eq3A_403 = vector.broadcast %broadcast_in_dim3A_402 : vector<512x1xi32> to vector<512x128xi32>
    %eq3A_404 = arith.cmpi eq, %select_n3A_399, %eq3A_403 : vector<512x128xi32>
    %jit3A_405 = arith.constant 1.000000e+30 : f32
    %broadcast_in_dim3A_406 = vector.broadcast %jit3A_405 : f32 to vector<512x128xf32>
    %select_n3A_407 = arith.select %eq3A_404, %broadcast_in_dim3A_406, %select_n3A_391 : vector<512x128xi1>, vector<512x128xf32>
    %reduce_min3A_408 = arith.constant dense<0x7F800000> : vector<512xf32>
    %reduce_min3A_409 = vector.multi_reduction <minimumf>, %select_n3A_407, %reduce_min3A_408 [1] : vector<512x128xf32> to vector<512xf32>
    %broadcast_in_dim3A_410 = vector.shape_cast %reduce_min3A_409 : vector<512xf32> to vector<512x1xf32>
    %le3A_411 = vector.broadcast %broadcast_in_dim3A_410 : vector<512x1xf32> to vector<512x128xf32>
    %le3A_412 = arith.cmpf ole, %select_n3A_407, %le3A_411 : vector<512x128xf32>
    %jit3A_413 = arith.constant 1073741824 : i32
    %broadcast_in_dim3A_414 = vector.broadcast %jit3A_413 : i32 to vector<512x128xi32>
    %select_n3A_415 = arith.select %le3A_412, %iota3A, %broadcast_in_dim3A_414 : vector<512x128xi1>, vector<512x128xi32>
    %reduce_min3A_416 = arith.constant dense<2147483647> : vector<512xi32>
    %reduce_min3A_417 = vector.multi_reduction <minsi>, %select_n3A_415, %reduce_min3A_416 [1] : vector<512x128xi32> to vector<512xi32>
    %broadcast_in_dim3A_418 = vector.shape_cast %reduce_min3A_417 : vector<512xi32> to vector<512x1xi32>
    %concatenate3A = tpu.concatenate %broadcast_in_dim3A_179, %broadcast_in_dim3A_194, %broadcast_in_dim3A_210, %broadcast_in_dim3A_226, %broadcast_in_dim3A_242, %broadcast_in_dim3A_258, %broadcast_in_dim3A_274, %broadcast_in_dim3A_290, %broadcast_in_dim3A_306, %broadcast_in_dim3A_322, %broadcast_in_dim3A_338, %broadcast_in_dim3A_354, %broadcast_in_dim3A_370, %broadcast_in_dim3A_386, %broadcast_in_dim3A_402, %broadcast_in_dim3A_418 in 1 : vector<512x1xi32>, vector<512x1xi32>, vector<512x1xi32>, vector<512x1xi32>, vector<512x1xi32>, vector<512x1xi32>, vector<512x1xi32>, vector<512x1xi32>, vector<512x1xi32>, vector<512x1xi32>, vector<512x1xi32>, vector<512x1xi32>, vector<512x1xi32>, vector<512x1xi32>, vector<512x1xi32>, vector<512x1xi32> -> vector<512x16xi32>
    %tile3A = tpu.concatenate %concatenate3A, %concatenate3A, %concatenate3A, %concatenate3A, %concatenate3A, %concatenate3A, %concatenate3A, %concatenate3A in 1 : vector<512x16xi32>, vector<512x16xi32>, vector<512x16xi32>, vector<512x16xi32>, vector<512x16xi32>, vector<512x16xi32>, vector<512x16xi32>, vector<512x16xi32> -> vector<512x128xi32>
    %jit3A_419 = arith.constant 16 : i32
    %div3A = vector.broadcast %jit3A_419 : i32 to vector<512x128xi32>
    %div3A_420 = arith.divsi %iota3A, %div3A : vector<512x128xi32>
    %sign3A = arith.constant 0 : i32
    %sign3A_421 = vector.broadcast %sign3A : i32 to vector<512x128xi32>
    %sign3A_422 = arith.cmpi sgt, %iota3A, %sign3A_421 : vector<512x128xi32>
    %sign3A_423 = arith.extui %sign3A_422 : vector<512x128xi1> to vector<512x128xi32>
    %sign3A_424 = arith.constant 0 : i32
    %sign3A_425 = vector.broadcast %sign3A_424 : i32 to vector<512x128xi32>
    %sign3A_426 = arith.cmpi slt, %iota3A, %sign3A_425 : vector<512x128xi32>
    %sign3A_427 = arith.extui %sign3A_426 : vector<512x128xi1> to vector<512x128xi32>
    %sign3A_428 = arith.subi %sign3A_423, %sign3A_427 : vector<512x128xi32>
    %sign3A_429 = arith.constant 0 : i32
    %sign3A_430 = arith.cmpi sgt, %jit3A_419, %sign3A_429 : i32
    %sign3A_431 = arith.extui %sign3A_430 : i1 to i32
    %sign3A_432 = arith.constant 0 : i32
    %sign3A_433 = arith.cmpi slt, %jit3A_419, %sign3A_432 : i32
    %sign3A_434 = arith.extui %sign3A_433 : i1 to i32
    %sign3A_435 = arith.subi %sign3A_431, %sign3A_434 : i32
    %ne3A = vector.broadcast %sign3A_435 : i32 to vector<512x128xi32>
    %ne3A_436 = arith.cmpi ne, %sign3A_428, %ne3A : vector<512x128xi32>
    %rem3A = vector.broadcast %jit3A_419 : i32 to vector<512x128xi32>
    %rem3A_437 = arith.remsi %iota3A, %rem3A : vector<512x128xi32>
    %ne3A_438 = arith.constant 0 : i32
    %ne3A_439 = vector.broadcast %ne3A_438 : i32 to vector<512x128xi32>
    %ne3A_440 = arith.cmpi ne, %rem3A_437, %ne3A_439 : vector<512x128xi32>
    %and3A = arith.andi %ne3A_436, %ne3A_440 : vector<512x128xi1>
    %sub3A_441 = arith.constant 1 : i32
    %sub3A_442 = vector.broadcast %sub3A_441 : i32 to vector<512x128xi32>
    %sub3A_443 = arith.subi %div3A_420, %sub3A_442 : vector<512x128xi32>
    %select_n3A_444 = arith.select %and3A, %sub3A_443, %div3A_420 : vector<512x128xi1>, vector<512x128xi32>
    %slice3A_445 = vector.extract_strided_slice %sub3A {offsets = [0, 0], sizes = [512, 128], strides = [1, 1]} : vector<512x10240xf32> to vector<512x128xf32>
    %lt3A = arith.constant 0 : i32
    %lt3A_446 = vector.broadcast %lt3A : i32 to vector<512x128xi32>
    %lt3A_447 = arith.cmpi slt, %tile3A, %lt3A_446 : vector<512x128xi32>
    %add3A_448 = arith.constant 128 : i32
    %add3A_449 = vector.broadcast %add3A_448 : i32 to vector<512x128xi32>
    %add3A_450 = arith.addi %tile3A, %add3A_449 : vector<512x128xi32>
    %select_n3A_451 = arith.select %lt3A_447, %add3A_450, %tile3A : vector<512x128xi1>, vector<512x128xi32>
    %reshape3A = vector.shape_cast %select_n3A_451 : vector<512x128xi32> to vector<512x128x1xi32>
    %gather3A = vector.shape_cast %reshape3A : vector<512x128x1xi32> to vector<512x128xi32>
    %gather3A_452 = tpu.dynamic_gather %slice3A_445[%gather3A] in [1] : vector<512x128xf32>, vector<512x128xi32> -> vector<512x128xf32>
    %slice3A_453 = vector.extract_strided_slice %sub3A {offsets = [0, 128], sizes = [512, 128], strides = [1, 1]} : vector<512x10240xf32> to vector<512x128xf32>
    %lt3A_454 = arith.constant 0 : i32
    %lt3A_455 = vector.broadcast %lt3A_454 : i32 to vector<512x128xi32>
    %lt3A_456 = arith.cmpi slt, %tile3A, %lt3A_455 : vector<512x128xi32>
    %add3A_457 = arith.constant 128 : i32
    %add3A_458 = vector.broadcast %add3A_457 : i32 to vector<512x128xi32>
    %add3A_459 = arith.addi %tile3A, %add3A_458 : vector<512x128xi32>
    %select_n3A_460 = arith.select %lt3A_456, %add3A_459, %tile3A : vector<512x128xi1>, vector<512x128xi32>
    %reshape3A_461 = vector.shape_cast %select_n3A_460 : vector<512x128xi32> to vector<512x128x1xi32>
    %gather3A_462 = vector.shape_cast %reshape3A_461 : vector<512x128x1xi32> to vector<512x128xi32>
    %gather3A_463 = tpu.dynamic_gather %slice3A_453[%gather3A_462] in [1] : vector<512x128xf32>, vector<512x128xi32> -> vector<512x128xf32>
    %eq3A_464 = arith.constant 1 : i32
    %eq3A_465 = vector.broadcast %eq3A_464 : i32 to vector<512x128xi32>
    %eq3A_466 = arith.cmpi eq, %select_n3A_444, %eq3A_465 : vector<512x128xi32>
    %select_n3A_467 = arith.select %eq3A_466, %gather3A_463, %gather3A_452 : vector<512x128xi1>, vector<512x128xf32>
    %slice3A_468 = vector.extract_strided_slice %sub3A {offsets = [0, 256], sizes = [512, 128], strides = [1, 1]} : vector<512x10240xf32> to vector<512x128xf32>
    %lt3A_469 = arith.constant 0 : i32
    %lt3A_470 = vector.broadcast %lt3A_469 : i32 to vector<512x128xi32>
    %lt3A_471 = arith.cmpi slt, %tile3A, %lt3A_470 : vector<512x128xi32>
    %add3A_472 = arith.constant 128 : i32
    %add3A_473 = vector.broadcast %add3A_472 : i32 to vector<512x128xi32>
    %add3A_474 = arith.addi %tile3A, %add3A_473 : vector<512x128xi32>
    %select_n3A_475 = arith.select %lt3A_471, %add3A_474, %tile3A : vector<512x128xi1>, vector<512x128xi32>
    %reshape3A_476 = vector.shape_cast %select_n3A_475 : vector<512x128xi32> to vector<512x128x1xi32>
    %gather3A_477 = vector.shape_cast %reshape3A_476 : vector<512x128x1xi32> to vector<512x128xi32>
    %gather3A_478 = tpu.dynamic_gather %slice3A_468[%gather3A_477] in [1] : vector<512x128xf32>, vector<512x128xi32> -> vector<512x128xf32>
    %eq3A_479 = arith.constant 2 : i32
    %eq3A_480 = vector.broadcast %eq3A_479 : i32 to vector<512x128xi32>
    %eq3A_481 = arith.cmpi eq, %select_n3A_444, %eq3A_480 : vector<512x128xi32>
    %select_n3A_482 = arith.select %eq3A_481, %gather3A_478, %select_n3A_467 : vector<512x128xi1>, vector<512x128xf32>
    %slice3A_483 = vector.extract_strided_slice %sub3A {offsets = [0, 384], sizes = [512, 128], strides = [1, 1]} : vector<512x10240xf32> to vector<512x128xf32>
    %lt3A_484 = arith.constant 0 : i32
    %lt3A_485 = vector.broadcast %lt3A_484 : i32 to vector<512x128xi32>
    %lt3A_486 = arith.cmpi slt, %tile3A, %lt3A_485 : vector<512x128xi32>
    %add3A_487 = arith.constant 128 : i32
    %add3A_488 = vector.broadcast %add3A_487 : i32 to vector<512x128xi32>
    %add3A_489 = arith.addi %tile3A, %add3A_488 : vector<512x128xi32>
    %select_n3A_490 = arith.select %lt3A_486, %add3A_489, %tile3A : vector<512x128xi1>, vector<512x128xi32>
    %reshape3A_491 = vector.shape_cast %select_n3A_490 : vector<512x128xi32> to vector<512x128x1xi32>
    %gather3A_492 = vector.shape_cast %reshape3A_491 : vector<512x128x1xi32> to vector<512x128xi32>
    %gather3A_493 = tpu.dynamic_gather %slice3A_483[%gather3A_492] in [1] : vector<512x128xf32>, vector<512x128xi32> -> vector<512x128xf32>
    %eq3A_494 = arith.constant 3 : i32
    %eq3A_495 = vector.broadcast %eq3A_494 : i32 to vector<512x128xi32>
    %eq3A_496 = arith.cmpi eq, %select_n3A_444, %eq3A_495 : vector<512x128xi32>
    %select_n3A_497 = arith.select %eq3A_496, %gather3A_493, %select_n3A_482 : vector<512x128xi1>, vector<512x128xf32>
    %slice3A_498 = vector.extract_strided_slice %sub3A {offsets = [0, 512], sizes = [512, 128], strides = [1, 1]} : vector<512x10240xf32> to vector<512x128xf32>
    %lt3A_499 = arith.constant 0 : i32
    %lt3A_500 = vector.broadcast %lt3A_499 : i32 to vector<512x128xi32>
    %lt3A_501 = arith.cmpi slt, %tile3A, %lt3A_500 : vector<512x128xi32>
    %add3A_502 = arith.constant 128 : i32
    %add3A_503 = vector.broadcast %add3A_502 : i32 to vector<512x128xi32>
    %add3A_504 = arith.addi %tile3A, %add3A_503 : vector<512x128xi32>
    %select_n3A_505 = arith.select %lt3A_501, %add3A_504, %tile3A : vector<512x128xi1>, vector<512x128xi32>
    %reshape3A_506 = vector.shape_cast %select_n3A_505 : vector<512x128xi32> to vector<512x128x1xi32>
    %gather3A_507 = vector.shape_cast %reshape3A_506 : vector<512x128x1xi32> to vector<512x128xi32>
    %gather3A_508 = tpu.dynamic_gather %slice3A_498[%gather3A_507] in [1] : vector<512x128xf32>, vector<512x128xi32> -> vector<512x128xf32>
    %eq3A_509 = arith.constant 4 : i32
    %eq3A_510 = vector.broadcast %eq3A_509 : i32 to vector<512x128xi32>
    %eq3A_511 = arith.cmpi eq, %select_n3A_444, %eq3A_510 : vector<512x128xi32>
    %select_n3A_512 = arith.select %eq3A_511, %gather3A_508, %select_n3A_497 : vector<512x128xi1>, vector<512x128xf32>
    %slice3A_513 = vector.extract_strided_slice %sub3A {offsets = [0, 640], sizes = [512, 128], strides = [1, 1]} : vector<512x10240xf32> to vector<512x128xf32>
    %lt3A_514 = arith.constant 0 : i32
    %lt3A_515 = vector.broadcast %lt3A_514 : i32 to vector<512x128xi32>
    %lt3A_516 = arith.cmpi slt, %tile3A, %lt3A_515 : vector<512x128xi32>
    %add3A_517 = arith.constant 128 : i32
    %add3A_518 = vector.broadcast %add3A_517 : i32 to vector<512x128xi32>
    %add3A_519 = arith.addi %tile3A, %add3A_518 : vector<512x128xi32>
    %select_n3A_520 = arith.select %lt3A_516, %add3A_519, %tile3A : vector<512x128xi1>, vector<512x128xi32>
    %reshape3A_521 = vector.shape_cast %select_n3A_520 : vector<512x128xi32> to vector<512x128x1xi32>
    %gather3A_522 = vector.shape_cast %reshape3A_521 : vector<512x128x1xi32> to vector<512x128xi32>
    %gather3A_523 = tpu.dynamic_gather %slice3A_513[%gather3A_522] in [1] : vector<512x128xf32>, vector<512x128xi32> -> vector<512x128xf32>
    %eq3A_524 = arith.constant 5 : i32
    %eq3A_525 = vector.broadcast %eq3A_524 : i32 to vector<512x128xi32>
    %eq3A_526 = arith.cmpi eq, %select_n3A_444, %eq3A_525 : vector<512x128xi32>
    %select_n3A_527 = arith.select %eq3A_526, %gather3A_523, %select_n3A_512 : vector<512x128xi1>, vector<512x128xf32>
    %slice3A_528 = vector.extract_strided_slice %sub3A {offsets = [0, 768], sizes = [512, 128], strides = [1, 1]} : vector<512x10240xf32> to vector<512x128xf32>
    %lt3A_529 = arith.constant 0 : i32
    %lt3A_530 = vector.broadcast %lt3A_529 : i32 to vector<512x128xi32>
    %lt3A_531 = arith.cmpi slt, %tile3A, %lt3A_530 : vector<512x128xi32>
    %add3A_532 = arith.constant 128 : i32
    %add3A_533 = vector.broadcast %add3A_532 : i32 to vector<512x128xi32>
    %add3A_534 = arith.addi %tile3A, %add3A_533 : vector<512x128xi32>
    %select_n3A_535 = arith.select %lt3A_531, %add3A_534, %tile3A : vector<512x128xi1>, vector<512x128xi32>
    %reshape3A_536 = vector.shape_cast %select_n3A_535 : vector<512x128xi32> to vector<512x128x1xi32>
    %gather3A_537 = vector.shape_cast %reshape3A_536 : vector<512x128x1xi32> to vector<512x128xi32>
    %gather3A_538 = tpu.dynamic_gather %slice3A_528[%gather3A_537] in [1] : vector<512x128xf32>, vector<512x128xi32> -> vector<512x128xf32>
    %eq3A_539 = arith.constant 6 : i32
    %eq3A_540 = vector.broadcast %eq3A_539 : i32 to vector<512x128xi32>
    %eq3A_541 = arith.cmpi eq, %select_n3A_444, %eq3A_540 : vector<512x128xi32>
    %select_n3A_542 = arith.select %eq3A_541, %gather3A_538, %select_n3A_527 : vector<512x128xi1>, vector<512x128xf32>
    %slice3A_543 = vector.extract_strided_slice %sub3A {offsets = [0, 896], sizes = [512, 128], strides = [1, 1]} : vector<512x10240xf32> to vector<512x128xf32>
    %lt3A_544 = arith.constant 0 : i32
    %lt3A_545 = vector.broadcast %lt3A_544 : i32 to vector<512x128xi32>
    %lt3A_546 = arith.cmpi slt, %tile3A, %lt3A_545 : vector<512x128xi32>
    %add3A_547 = arith.constant 128 : i32
    %add3A_548 = vector.broadcast %add3A_547 : i32 to vector<512x128xi32>
    %add3A_549 = arith.addi %tile3A, %add3A_548 : vector<512x128xi32>
    %select_n3A_550 = arith.select %lt3A_546, %add3A_549, %tile3A : vector<512x128xi1>, vector<512x128xi32>
    %reshape3A_551 = vector.shape_cast %select_n3A_550 : vector<512x128xi32> to vector<512x128x1xi32>
    %gather3A_552 = vector.shape_cast %reshape3A_551 : vector<512x128x1xi32> to vector<512x128xi32>
    %gather3A_553 = tpu.dynamic_gather %slice3A_543[%gather3A_552] in [1] : vector<512x128xf32>, vector<512x128xi32> -> vector<512x128xf32>
    %eq3A_554 = arith.constant 7 : i32
    %eq3A_555 = vector.broadcast %eq3A_554 : i32 to vector<512x128xi32>
    %eq3A_556 = arith.cmpi eq, %select_n3A_444, %eq3A_555 : vector<512x128xi32>
    %select_n3A_557 = arith.select %eq3A_556, %gather3A_553, %select_n3A_542 : vector<512x128xi1>, vector<512x128xf32>
    %add3A_558 = arith.constant 0 : i32
    %add3A_559 = vector.broadcast %add3A_558 : i32 to vector<512x128xi32>
    %add3A_560 = arith.addi %add3A_559, %select_n3A_444 : vector<512x128xi32>
    %mul3A_561 = arith.constant 128 : i32
    %mul3A_562 = vector.broadcast %mul3A_561 : i32 to vector<512x128xi32>
    %mul3A_563 = arith.muli %mul3A_562, %add3A_560 : vector<512x128xi32>
    %add3A_564 = arith.addi %mul3A_563, %tile3A : vector<512x128xi32>
    %slice3A_565 = vector.extract_strided_slice %sub3A {offsets = [0, 1024], sizes = [512, 128], strides = [1, 1]} : vector<512x10240xf32> to vector<512x128xf32>
    %lt3A_566 = arith.constant 0 : i32
    %lt3A_567 = vector.broadcast %lt3A_566 : i32 to vector<512x128xi32>
    %lt3A_568 = arith.cmpi slt, %tile3A, %lt3A_567 : vector<512x128xi32>
    %add3A_569 = arith.constant 128 : i32
    %add3A_570 = vector.broadcast %add3A_569 : i32 to vector<512x128xi32>
    %add3A_571 = arith.addi %tile3A, %add3A_570 : vector<512x128xi32>
    %select_n3A_572 = arith.select %lt3A_568, %add3A_571, %tile3A : vector<512x128xi1>, vector<512x128xi32>
    %reshape3A_573 = vector.shape_cast %select_n3A_572 : vector<512x128xi32> to vector<512x128x1xi32>
    %gather3A_574 = vector.shape_cast %reshape3A_573 : vector<512x128x1xi32> to vector<512x128xi32>
    %gather3A_575 = tpu.dynamic_gather %slice3A_565[%gather3A_574] in [1] : vector<512x128xf32>, vector<512x128xi32> -> vector<512x128xf32>
    %slice3A_576 = vector.extract_strided_slice %sub3A {offsets = [0, 1152], sizes = [512, 128], strides = [1, 1]} : vector<512x10240xf32> to vector<512x128xf32>
    %lt3A_577 = arith.constant 0 : i32
    %lt3A_578 = vector.broadcast %lt3A_577 : i32 to vector<512x128xi32>
    %lt3A_579 = arith.cmpi slt, %tile3A, %lt3A_578 : vector<512x128xi32>
    %add3A_580 = arith.constant 128 : i32
    %add3A_581 = vector.broadcast %add3A_580 : i32 to vector<512x128xi32>
    %add3A_582 = arith.addi %tile3A, %add3A_581 : vector<512x128xi32>
    %select_n3A_583 = arith.select %lt3A_579, %add3A_582, %tile3A : vector<512x128xi1>, vector<512x128xi32>
    %reshape3A_584 = vector.shape_cast %select_n3A_583 : vector<512x128xi32> to vector<512x128x1xi32>
    %gather3A_585 = vector.shape_cast %reshape3A_584 : vector<512x128x1xi32> to vector<512x128xi32>
    %gather3A_586 = tpu.dynamic_gather %slice3A_576[%gather3A_585] in [1] : vector<512x128xf32>, vector<512x128xi32> -> vector<512x128xf32>
    %eq3A_587 = arith.constant 1 : i32
    %eq3A_588 = vector.broadcast %eq3A_587 : i32 to vector<512x128xi32>
    %eq3A_589 = arith.cmpi eq, %select_n3A_444, %eq3A_588 : vector<512x128xi32>
    %select_n3A_590 = arith.select %eq3A_589, %gather3A_586, %gather3A_575 : vector<512x128xi1>, vector<512x128xf32>
    %slice3A_591 = vector.extract_strided_slice %sub3A {offsets = [0, 1280], sizes = [512, 128], strides = [1, 1]} : vector<512x10240xf32> to vector<512x128xf32>
    %lt3A_592 = arith.constant 0 : i32
    %lt3A_593 = vector.broadcast %lt3A_592 : i32 to vector<512x128xi32>
    %lt3A_594 = arith.cmpi slt, %tile3A, %lt3A_593 : vector<512x128xi32>
    %add3A_595 = arith.constant 128 : i32
    %add3A_596 = vector.broadcast %add3A_595 : i32 to vector<512x128xi32>
    %add3A_597 = arith.addi %tile3A, %add3A_596 : vector<512x128xi32>
    %select_n3A_598 = arith.select %lt3A_594, %add3A_597, %tile3A : vector<512x128xi1>, vector<512x128xi32>
    %reshape3A_599 = vector.shape_cast %select_n3A_598 : vector<512x128xi32> to vector<512x128x1xi32>
    %gather3A_600 = vector.shape_cast %reshape3A_599 : vector<512x128x1xi32> to vector<512x128xi32>
    %gather3A_601 = tpu.dynamic_gather %slice3A_591[%gather3A_600] in [1] : vector<512x128xf32>, vector<512x128xi32> -> vector<512x128xf32>
    %eq3A_602 = arith.constant 2 : i32
    %eq3A_603 = vector.broadcast %eq3A_602 : i32 to vector<512x128xi32>
    %eq3A_604 = arith.cmpi eq, %select_n3A_444, %eq3A_603 : vector<512x128xi32>
    %select_n3A_605 = arith.select %eq3A_604, %gather3A_601, %select_n3A_590 : vector<512x128xi1>, vector<512x128xf32>
    %slice3A_606 = vector.extract_strided_slice %sub3A {offsets = [0, 1408], sizes = [512, 128], strides = [1, 1]} : vector<512x10240xf32> to vector<512x128xf32>
    %lt3A_607 = arith.constant 0 : i32
    %lt3A_608 = vector.broadcast %lt3A_607 : i32 to vector<512x128xi32>
    %lt3A_609 = arith.cmpi slt, %tile3A, %lt3A_608 : vector<512x128xi32>
    %add3A_610 = arith.constant 128 : i32
    %add3A_611 = vector.broadcast %add3A_610 : i32 to vector<512x128xi32>
    %add3A_612 = arith.addi %tile3A, %add3A_611 : vector<512x128xi32>
    %select_n3A_613 = arith.select %lt3A_609, %add3A_612, %tile3A : vector<512x128xi1>, vector<512x128xi32>
    %reshape3A_614 = vector.shape_cast %select_n3A_613 : vector<512x128xi32> to vector<512x128x1xi32>
    %gather3A_615 = vector.shape_cast %reshape3A_614 : vector<512x128x1xi32> to vector<512x128xi32>
    %gather3A_616 = tpu.dynamic_gather %slice3A_606[%gather3A_615] in [1] : vector<512x128xf32>, vector<512x128xi32> -> vector<512x128xf32>
    %eq3A_617 = arith.constant 3 : i32
    %eq3A_618 = vector.broadcast %eq3A_617 : i32 to vector<512x128xi32>
    %eq3A_619 = arith.cmpi eq, %select_n3A_444, %eq3A_618 : vector<512x128xi32>
    %select_n3A_620 = arith.select %eq3A_619, %gather3A_616, %select_n3A_605 : vector<512x128xi1>, vector<512x128xf32>
    %slice3A_621 = vector.extract_strided_slice %sub3A {offsets = [0, 1536], sizes = [512, 128], strides = [1, 1]} : vector<512x10240xf32> to vector<512x128xf32>
    %lt3A_622 = arith.constant 0 : i32
    %lt3A_623 = vector.broadcast %lt3A_622 : i32 to vector<512x128xi32>
    %lt3A_624 = arith.cmpi slt, %tile3A, %lt3A_623 : vector<512x128xi32>
    %add3A_625 = arith.constant 128 : i32
    %add3A_626 = vector.broadcast %add3A_625 : i32 to vector<512x128xi32>
    %add3A_627 = arith.addi %tile3A, %add3A_626 : vector<512x128xi32>
    %select_n3A_628 = arith.select %lt3A_624, %add3A_627, %tile3A : vector<512x128xi1>, vector<512x128xi32>
    %reshape3A_629 = vector.shape_cast %select_n3A_628 : vector<512x128xi32> to vector<512x128x1xi32>
    %gather3A_630 = vector.shape_cast %reshape3A_629 : vector<512x128x1xi32> to vector<512x128xi32>
    %gather3A_631 = tpu.dynamic_gather %slice3A_621[%gather3A_630] in [1] : vector<512x128xf32>, vector<512x128xi32> -> vector<512x128xf32>
    %eq3A_632 = arith.constant 4 : i32
    %eq3A_633 = vector.broadcast %eq3A_632 : i32 to vector<512x128xi32>
    %eq3A_634 = arith.cmpi eq, %select_n3A_444, %eq3A_633 : vector<512x128xi32>
    %select_n3A_635 = arith.select %eq3A_634, %gather3A_631, %select_n3A_620 : vector<512x128xi1>, vector<512x128xf32>
    %slice3A_636 = vector.extract_strided_slice %sub3A {offsets = [0, 1664], sizes = [512, 128], strides = [1, 1]} : vector<512x10240xf32> to vector<512x128xf32>
    %lt3A_637 = arith.constant 0 : i32
    %lt3A_638 = vector.broadcast %lt3A_637 : i32 to vector<512x128xi32>
    %lt3A_639 = arith.cmpi slt, %tile3A, %lt3A_638 : vector<512x128xi32>
    %add3A_640 = arith.constant 128 : i32
    %add3A_641 = vector.broadcast %add3A_640 : i32 to vector<512x128xi32>
    %add3A_642 = arith.addi %tile3A, %add3A_641 : vector<512x128xi32>
    %select_n3A_643 = arith.select %lt3A_639, %add3A_642, %tile3A : vector<512x128xi1>, vector<512x128xi32>
    %reshape3A_644 = vector.shape_cast %select_n3A_643 : vector<512x128xi32> to vector<512x128x1xi32>
    %gather3A_645 = vector.shape_cast %reshape3A_644 : vector<512x128x1xi32> to vector<512x128xi32>
    %gather3A_646 = tpu.dynamic_gather %slice3A_636[%gather3A_645] in [1] : vector<512x128xf32>, vector<512x128xi32> -> vector<512x128xf32>
    %eq3A_647 = arith.constant 5 : i32
    %eq3A_648 = vector.broadcast %eq3A_647 : i32 to vector<512x128xi32>
    %eq3A_649 = arith.cmpi eq, %select_n3A_444, %eq3A_648 : vector<512x128xi32>
    %select_n3A_650 = arith.select %eq3A_649, %gather3A_646, %select_n3A_635 : vector<512x128xi1>, vector<512x128xf32>
    %slice3A_651 = vector.extract_strided_slice %sub3A {offsets = [0, 1792], sizes = [512, 128], strides = [1, 1]} : vector<512x10240xf32> to vector<512x128xf32>
    %lt3A_652 = arith.constant 0 : i32
    %lt3A_653 = vector.broadcast %lt3A_652 : i32 to vector<512x128xi32>
    %lt3A_654 = arith.cmpi slt, %tile3A, %lt3A_653 : vector<512x128xi32>
    %add3A_655 = arith.constant 128 : i32
    %add3A_656 = vector.broadcast %add3A_655 : i32 to vector<512x128xi32>
    %add3A_657 = arith.addi %tile3A, %add3A_656 : vector<512x128xi32>
    %select_n3A_658 = arith.select %lt3A_654, %add3A_657, %tile3A : vector<512x128xi1>, vector<512x128xi32>
    %reshape3A_659 = vector.shape_cast %select_n3A_658 : vector<512x128xi32> to vector<512x128x1xi32>
    %gather3A_660 = vector.shape_cast %reshape3A_659 : vector<512x128x1xi32> to vector<512x128xi32>
    %gather3A_661 = tpu.dynamic_gather %slice3A_651[%gather3A_660] in [1] : vector<512x128xf32>, vector<512x128xi32> -> vector<512x128xf32>
    %eq3A_662 = arith.constant 6 : i32
    %eq3A_663 = vector.broadcast %eq3A_662 : i32 to vector<512x128xi32>
    %eq3A_664 = arith.cmpi eq, %select_n3A_444, %eq3A_663 : vector<512x128xi32>
    %select_n3A_665 = arith.select %eq3A_664, %gather3A_661, %select_n3A_650 : vector<512x128xi1>, vector<512x128xf32>
    %slice3A_666 = vector.extract_strided_slice %sub3A {offsets = [0, 1920], sizes = [512, 128], strides = [1, 1]} : vector<512x10240xf32> to vector<512x128xf32>
    %lt3A_667 = arith.constant 0 : i32
    %lt3A_668 = vector.broadcast %lt3A_667 : i32 to vector<512x128xi32>
    %lt3A_669 = arith.cmpi slt, %tile3A, %lt3A_668 : vector<512x128xi32>
    %add3A_670 = arith.constant 128 : i32
    %add3A_671 = vector.broadcast %add3A_670 : i32 to vector<512x128xi32>
    %add3A_672 = arith.addi %tile3A, %add3A_671 : vector<512x128xi32>
    %select_n3A_673 = arith.select %lt3A_669, %add3A_672, %tile3A : vector<512x128xi1>, vector<512x128xi32>
    %reshape3A_674 = vector.shape_cast %select_n3A_673 : vector<512x128xi32> to vector<512x128x1xi32>
    %gather3A_675 = vector.shape_cast %reshape3A_674 : vector<512x128x1xi32> to vector<512x128xi32>
    %gather3A_676 = tpu.dynamic_gather %slice3A_666[%gather3A_675] in [1] : vector<512x128xf32>, vector<512x128xi32> -> vector<512x128xf32>
    %eq3A_677 = arith.constant 7 : i32
    %eq3A_678 = vector.broadcast %eq3A_677 : i32 to vector<512x128xi32>
    %eq3A_679 = arith.cmpi eq, %select_n3A_444, %eq3A_678 : vector<512x128xi32>
    %select_n3A_680 = arith.select %eq3A_679, %gather3A_676, %select_n3A_665 : vector<512x128xi1>, vector<512x128xf32>
    %add3A_681 = arith.constant 8 : i32
    %add3A_682 = vector.broadcast %add3A_681 : i32 to vector<512x128xi32>
    %add3A_683 = arith.addi %add3A_682, %select_n3A_444 : vector<512x128xi32>
    %mul3A_684 = arith.constant 128 : i32
    %mul3A_685 = vector.broadcast %mul3A_684 : i32 to vector<512x128xi32>
    %mul3A_686 = arith.muli %mul3A_685, %add3A_683 : vector<512x128xi32>
    %add3A_687 = arith.addi %mul3A_686, %tile3A : vector<512x128xi32>
    %slice3A_688 = vector.extract_strided_slice %sub3A {offsets = [0, 2048], sizes = [512, 128], strides = [1, 1]} : vector<512x10240xf32> to vector<512x128xf32>
    %lt3A_689 = arith.constant 0 : i32
    %lt3A_690 = vector.broadcast %lt3A_689 : i32 to vector<512x128xi32>
    %lt3A_691 = arith.cmpi slt, %tile3A, %lt3A_690 : vector<512x128xi32>
    %add3A_692 = arith.constant 128 : i32
    %add3A_693 = vector.broadcast %add3A_692 : i32 to vector<512x128xi32>
    %add3A_694 = arith.addi %tile3A, %add3A_693 : vector<512x128xi32>
    %select_n3A_695 = arith.select %lt3A_691, %add3A_694, %tile3A : vector<512x128xi1>, vector<512x128xi32>
    %reshape3A_696 = vector.shape_cast %select_n3A_695 : vector<512x128xi32> to vector<512x128x1xi32>
    %gather3A_697 = vector.shape_cast %reshape3A_696 : vector<512x128x1xi32> to vector<512x128xi32>
    %gather3A_698 = tpu.dynamic_gather %slice3A_688[%gather3A_697] in [1] : vector<512x128xf32>, vector<512x128xi32> -> vector<512x128xf32>
    %slice3A_699 = vector.extract_strided_slice %sub3A {offsets = [0, 2176], sizes = [512, 128], strides = [1, 1]} : vector<512x10240xf32> to vector<512x128xf32>
    %lt3A_700 = arith.constant 0 : i32
    %lt3A_701 = vector.broadcast %lt3A_700 : i32 to vector<512x128xi32>
    %lt3A_702 = arith.cmpi slt, %tile3A, %lt3A_701 : vector<512x128xi32>
    %add3A_703 = arith.constant 128 : i32
    %add3A_704 = vector.broadcast %add3A_703 : i32 to vector<512x128xi32>
    %add3A_705 = arith.addi %tile3A, %add3A_704 : vector<512x128xi32>
    %select_n3A_706 = arith.select %lt3A_702, %add3A_705, %tile3A : vector<512x128xi1>, vector<512x128xi32>
    %reshape3A_707 = vector.shape_cast %select_n3A_706 : vector<512x128xi32> to vector<512x128x1xi32>
    %gather3A_708 = vector.shape_cast %reshape3A_707 : vector<512x128x1xi32> to vector<512x128xi32>
    %gather3A_709 = tpu.dynamic_gather %slice3A_699[%gather3A_708] in [1] : vector<512x128xf32>, vector<512x128xi32> -> vector<512x128xf32>
    %eq3A_710 = arith.constant 1 : i32
    %eq3A_711 = vector.broadcast %eq3A_710 : i32 to vector<512x128xi32>
    %eq3A_712 = arith.cmpi eq, %select_n3A_444, %eq3A_711 : vector<512x128xi32>
    %select_n3A_713 = arith.select %eq3A_712, %gather3A_709, %gather3A_698 : vector<512x128xi1>, vector<512x128xf32>
    %slice3A_714 = vector.extract_strided_slice %sub3A {offsets = [0, 2304], sizes = [512, 128], strides = [1, 1]} : vector<512x10240xf32> to vector<512x128xf32>
    %lt3A_715 = arith.constant 0 : i32
    %lt3A_716 = vector.broadcast %lt3A_715 : i32 to vector<512x128xi32>
    %lt3A_717 = arith.cmpi slt, %tile3A, %lt3A_716 : vector<512x128xi32>
    %add3A_718 = arith.constant 128 : i32
    %add3A_719 = vector.broadcast %add3A_718 : i32 to vector<512x128xi32>
    %add3A_720 = arith.addi %tile3A, %add3A_719 : vector<512x128xi32>
    %select_n3A_721 = arith.select %lt3A_717, %add3A_720, %tile3A : vector<512x128xi1>, vector<512x128xi32>
    %reshape3A_722 = vector.shape_cast %select_n3A_721 : vector<512x128xi32> to vector<512x128x1xi32>
    %gather3A_723 = vector.shape_cast %reshape3A_722 : vector<512x128x1xi32> to vector<512x128xi32>
    %gather3A_724 = tpu.dynamic_gather %slice3A_714[%gather3A_723] in [1] : vector<512x128xf32>, vector<512x128xi32> -> vector<512x128xf32>
    %eq3A_725 = arith.constant 2 : i32
    %eq3A_726 = vector.broadcast %eq3A_725 : i32 to vector<512x128xi32>
    %eq3A_727 = arith.cmpi eq, %select_n3A_444, %eq3A_726 : vector<512x128xi32>
    %select_n3A_728 = arith.select %eq3A_727, %gather3A_724, %select_n3A_713 : vector<512x128xi1>, vector<512x128xf32>
    %slice3A_729 = vector.extract_strided_slice %sub3A {offsets = [0, 2432], sizes = [512, 128], strides = [1, 1]} : vector<512x10240xf32> to vector<512x128xf32>
    %lt3A_730 = arith.constant 0 : i32
    %lt3A_731 = vector.broadcast %lt3A_730 : i32 to vector<512x128xi32>
    %lt3A_732 = arith.cmpi slt, %tile3A, %lt3A_731 : vector<512x128xi32>
    %add3A_733 = arith.constant 128 : i32
    %add3A_734 = vector.broadcast %add3A_733 : i32 to vector<512x128xi32>
    %add3A_735 = arith.addi %tile3A, %add3A_734 : vector<512x128xi32>
    %select_n3A_736 = arith.select %lt3A_732, %add3A_735, %tile3A : vector<512x128xi1>, vector<512x128xi32>
    %reshape3A_737 = vector.shape_cast %select_n3A_736 : vector<512x128xi32> to vector<512x128x1xi32>
    %gather3A_738 = vector.shape_cast %reshape3A_737 : vector<512x128x1xi32> to vector<512x128xi32>
    %gather3A_739 = tpu.dynamic_gather %slice3A_729[%gather3A_738] in [1] : vector<512x128xf32>, vector<512x128xi32> -> vector<512x128xf32>
    %eq3A_740 = arith.constant 3 : i32
    %eq3A_741 = vector.broadcast %eq3A_740 : i32 to vector<512x128xi32>
    %eq3A_742 = arith.cmpi eq, %select_n3A_444, %eq3A_741 : vector<512x128xi32>
    %select_n3A_743 = arith.select %eq3A_742, %gather3A_739, %select_n3A_728 : vector<512x128xi1>, vector<512x128xf32>
    %slice3A_744 = vector.extract_strided_slice %sub3A {offsets = [0, 2560], sizes = [512, 128], strides = [1, 1]} : vector<512x10240xf32> to vector<512x128xf32>
    %lt3A_745 = arith.constant 0 : i32
    %lt3A_746 = vector.broadcast %lt3A_745 : i32 to vector<512x128xi32>
    %lt3A_747 = arith.cmpi slt, %tile3A, %lt3A_746 : vector<512x128xi32>
    %add3A_748 = arith.constant 128 : i32
    %add3A_749 = vector.broadcast %add3A_748 : i32 to vector<512x128xi32>
    %add3A_750 = arith.addi %tile3A, %add3A_749 : vector<512x128xi32>
    %select_n3A_751 = arith.select %lt3A_747, %add3A_750, %tile3A : vector<512x128xi1>, vector<512x128xi32>
    %reshape3A_752 = vector.shape_cast %select_n3A_751 : vector<512x128xi32> to vector<512x128x1xi32>
    %gather3A_753 = vector.shape_cast %reshape3A_752 : vector<512x128x1xi32> to vector<512x128xi32>
    %gather3A_754 = tpu.dynamic_gather %slice3A_744[%gather3A_753] in [1] : vector<512x128xf32>, vector<512x128xi32> -> vector<512x128xf32>
    %eq3A_755 = arith.constant 4 : i32
    %eq3A_756 = vector.broadcast %eq3A_755 : i32 to vector<512x128xi32>
    %eq3A_757 = arith.cmpi eq, %select_n3A_444, %eq3A_756 : vector<512x128xi32>
    %select_n3A_758 = arith.select %eq3A_757, %gather3A_754, %select_n3A_743 : vector<512x128xi1>, vector<512x128xf32>
    %slice3A_759 = vector.extract_strided_slice %sub3A {offsets = [0, 2688], sizes = [512, 128], strides = [1, 1]} : vector<512x10240xf32> to vector<512x128xf32>
    %lt3A_760 = arith.constant 0 : i32
    %lt3A_761 = vector.broadcast %lt3A_760 : i32 to vector<512x128xi32>
    %lt3A_762 = arith.cmpi slt, %tile3A, %lt3A_761 : vector<512x128xi32>
    %add3A_763 = arith.constant 128 : i32
    %add3A_764 = vector.broadcast %add3A_763 : i32 to vector<512x128xi32>
    %add3A_765 = arith.addi %tile3A, %add3A_764 : vector<512x128xi32>
    %select_n3A_766 = arith.select %lt3A_762, %add3A_765, %tile3A : vector<512x128xi1>, vector<512x128xi32>
    %reshape3A_767 = vector.shape_cast %select_n3A_766 : vector<512x128xi32> to vector<512x128x1xi32>
    %gather3A_768 = vector.shape_cast %reshape3A_767 : vector<512x128x1xi32> to vector<512x128xi32>
    %gather3A_769 = tpu.dynamic_gather %slice3A_759[%gather3A_768] in [1] : vector<512x128xf32>, vector<512x128xi32> -> vector<512x128xf32>
    %eq3A_770 = arith.constant 5 : i32
    %eq3A_771 = vector.broadcast %eq3A_770 : i32 to vector<512x128xi32>
    %eq3A_772 = arith.cmpi eq, %select_n3A_444, %eq3A_771 : vector<512x128xi32>
    %select_n3A_773 = arith.select %eq3A_772, %gather3A_769, %select_n3A_758 : vector<512x128xi1>, vector<512x128xf32>
    %slice3A_774 = vector.extract_strided_slice %sub3A {offsets = [0, 2816], sizes = [512, 128], strides = [1, 1]} : vector<512x10240xf32> to vector<512x128xf32>
    %lt3A_775 = arith.constant 0 : i32
    %lt3A_776 = vector.broadcast %lt3A_775 : i32 to vector<512x128xi32>
    %lt3A_777 = arith.cmpi slt, %tile3A, %lt3A_776 : vector<512x128xi32>
    %add3A_778 = arith.constant 128 : i32
    %add3A_779 = vector.broadcast %add3A_778 : i32 to vector<512x128xi32>
    %add3A_780 = arith.addi %tile3A, %add3A_779 : vector<512x128xi32>
    %select_n3A_781 = arith.select %lt3A_777, %add3A_780, %tile3A : vector<512x128xi1>, vector<512x128xi32>
    %reshape3A_782 = vector.shape_cast %select_n3A_781 : vector<512x128xi32> to vector<512x128x1xi32>
    %gather3A_783 = vector.shape_cast %reshape3A_782 : vector<512x128x1xi32> to vector<512x128xi32>
    %gather3A_784 = tpu.dynamic_gather %slice3A_774[%gather3A_783] in [1] : vector<512x128xf32>, vector<512x128xi32> -> vector<512x128xf32>
    %eq3A_785 = arith.constant 6 : i32
    %eq3A_786 = vector.broadcast %eq3A_785 : i32 to vector<512x128xi32>
    %eq3A_787 = arith.cmpi eq, %select_n3A_444, %eq3A_786 : vector<512x128xi32>
    %select_n3A_788 = arith.select %eq3A_787, %gather3A_784, %select_n3A_773 : vector<512x128xi1>, vector<512x128xf32>
    %slice3A_789 = vector.extract_strided_slice %sub3A {offsets = [0, 2944], sizes = [512, 128], strides = [1, 1]} : vector<512x10240xf32> to vector<512x128xf32>
    %lt3A_790 = arith.constant 0 : i32
    %lt3A_791 = vector.broadcast %lt3A_790 : i32 to vector<512x128xi32>
    %lt3A_792 = arith.cmpi slt, %tile3A, %lt3A_791 : vector<512x128xi32>
    %add3A_793 = arith.constant 128 : i32
    %add3A_794 = vector.broadcast %add3A_793 : i32 to vector<512x128xi32>
    %add3A_795 = arith.addi %tile3A, %add3A_794 : vector<512x128xi32>
    %select_n3A_796 = arith.select %lt3A_792, %add3A_795, %tile3A : vector<512x128xi1>, vector<512x128xi32>
    %reshape3A_797 = vector.shape_cast %select_n3A_796 : vector<512x128xi32> to vector<512x128x1xi32>
    %gather3A_798 = vector.shape_cast %reshape3A_797 : vector<512x128x1xi32> to vector<512x128xi32>
    %gather3A_799 = tpu.dynamic_gather %slice3A_789[%gather3A_798] in [1] : vector<512x128xf32>, vector<512x128xi32> -> vector<512x128xf32>
    %eq3A_800 = arith.constant 7 : i32
    %eq3A_801 = vector.broadcast %eq3A_800 : i32 to vector<512x128xi32>
    %eq3A_802 = arith.cmpi eq, %select_n3A_444, %eq3A_801 : vector<512x128xi32>
    %select_n3A_803 = arith.select %eq3A_802, %gather3A_799, %select_n3A_788 : vector<512x128xi1>, vector<512x128xf32>
    %add3A_804 = arith.constant 16 : i32
    %add3A_805 = vector.broadcast %add3A_804 : i32 to vector<512x128xi32>
    %add3A_806 = arith.addi %add3A_805, %select_n3A_444 : vector<512x128xi32>
    %mul3A_807 = arith.constant 128 : i32
    %mul3A_808 = vector.broadcast %mul3A_807 : i32 to vector<512x128xi32>
    %mul3A_809 = arith.muli %mul3A_808, %add3A_806 : vector<512x128xi32>
    %add3A_810 = arith.addi %mul3A_809, %tile3A : vector<512x128xi32>
    %slice3A_811 = vector.extract_strided_slice %sub3A {offsets = [0, 3072], sizes = [512, 128], strides = [1, 1]} : vector<512x10240xf32> to vector<512x128xf32>
    %lt3A_812 = arith.constant 0 : i32
    %lt3A_813 = vector.broadcast %lt3A_812 : i32 to vector<512x128xi32>
    %lt3A_814 = arith.cmpi slt, %tile3A, %lt3A_813 : vector<512x128xi32>
    %add3A_815 = arith.constant 128 : i32
    %add3A_816 = vector.broadcast %add3A_815 : i32 to vector<512x128xi32>
    %add3A_817 = arith.addi %tile3A, %add3A_816 : vector<512x128xi32>
    %select_n3A_818 = arith.select %lt3A_814, %add3A_817, %tile3A : vector<512x128xi1>, vector<512x128xi32>
    %reshape3A_819 = vector.shape_cast %select_n3A_818 : vector<512x128xi32> to vector<512x128x1xi32>
    %gather3A_820 = vector.shape_cast %reshape3A_819 : vector<512x128x1xi32> to vector<512x128xi32>
    %gather3A_821 = tpu.dynamic_gather %slice3A_811[%gather3A_820] in [1] : vector<512x128xf32>, vector<512x128xi32> -> vector<512x128xf32>
    %slice3A_822 = vector.extract_strided_slice %sub3A {offsets = [0, 3200], sizes = [512, 128], strides = [1, 1]} : vector<512x10240xf32> to vector<512x128xf32>
    %lt3A_823 = arith.constant 0 : i32
    %lt3A_824 = vector.broadcast %lt3A_823 : i32 to vector<512x128xi32>
    %lt3A_825 = arith.cmpi slt, %tile3A, %lt3A_824 : vector<512x128xi32>
    %add3A_826 = arith.constant 128 : i32
    %add3A_827 = vector.broadcast %add3A_826 : i32 to vector<512x128xi32>
    %add3A_828 = arith.addi %tile3A, %add3A_827 : vector<512x128xi32>
    %select_n3A_829 = arith.select %lt3A_825, %add3A_828, %tile3A : vector<512x128xi1>, vector<512x128xi32>
    %reshape3A_830 = vector.shape_cast %select_n3A_829 : vector<512x128xi32> to vector<512x128x1xi32>
    %gather3A_831 = vector.shape_cast %reshape3A_830 : vector<512x128x1xi32> to vector<512x128xi32>
    %gather3A_832 = tpu.dynamic_gather %slice3A_822[%gather3A_831] in [1] : vector<512x128xf32>, vector<512x128xi32> -> vector<512x128xf32>
    %eq3A_833 = arith.constant 1 : i32
    %eq3A_834 = vector.broadcast %eq3A_833 : i32 to vector<512x128xi32>
    %eq3A_835 = arith.cmpi eq, %select_n3A_444, %eq3A_834 : vector<512x128xi32>
    %select_n3A_836 = arith.select %eq3A_835, %gather3A_832, %gather3A_821 : vector<512x128xi1>, vector<512x128xf32>
    %slice3A_837 = vector.extract_strided_slice %sub3A {offsets = [0, 3328], sizes = [512, 128], strides = [1, 1]} : vector<512x10240xf32> to vector<512x128xf32>
    %lt3A_838 = arith.constant 0 : i32
    %lt3A_839 = vector.broadcast %lt3A_838 : i32 to vector<512x128xi32>
    %lt3A_840 = arith.cmpi slt, %tile3A, %lt3A_839 : vector<512x128xi32>
    %add3A_841 = arith.constant 128 : i32
    %add3A_842 = vector.broadcast %add3A_841 : i32 to vector<512x128xi32>
    %add3A_843 = arith.addi %tile3A, %add3A_842 : vector<512x128xi32>
    %select_n3A_844 = arith.select %lt3A_840, %add3A_843, %tile3A : vector<512x128xi1>, vector<512x128xi32>
    %reshape3A_845 = vector.shape_cast %select_n3A_844 : vector<512x128xi32> to vector<512x128x1xi32>
    %gather3A_846 = vector.shape_cast %reshape3A_845 : vector<512x128x1xi32> to vector<512x128xi32>
    %gather3A_847 = tpu.dynamic_gather %slice3A_837[%gather3A_846] in [1] : vector<512x128xf32>, vector<512x128xi32> -> vector<512x128xf32>
    %eq3A_848 = arith.constant 2 : i32
    %eq3A_849 = vector.broadcast %eq3A_848 : i32 to vector<512x128xi32>
    %eq3A_850 = arith.cmpi eq, %select_n3A_444, %eq3A_849 : vector<512x128xi32>
    %select_n3A_851 = arith.select %eq3A_850, %gather3A_847, %select_n3A_836 : vector<512x128xi1>, vector<512x128xf32>
    %slice3A_852 = vector.extract_strided_slice %sub3A {offsets = [0, 3456], sizes = [512, 128], strides = [1, 1]} : vector<512x10240xf32> to vector<512x128xf32>
    %lt3A_853 = arith.constant 0 : i32
    %lt3A_854 = vector.broadcast %lt3A_853 : i32 to vector<512x128xi32>
    %lt3A_855 = arith.cmpi slt, %tile3A, %lt3A_854 : vector<512x128xi32>
    %add3A_856 = arith.constant 128 : i32
    %add3A_857 = vector.broadcast %add3A_856 : i32 to vector<512x128xi32>
    %add3A_858 = arith.addi %tile3A, %add3A_857 : vector<512x128xi32>
    %select_n3A_859 = arith.select %lt3A_855, %add3A_858, %tile3A : vector<512x128xi1>, vector<512x128xi32>
    %reshape3A_860 = vector.shape_cast %select_n3A_859 : vector<512x128xi32> to vector<512x128x1xi32>
    %gather3A_861 = vector.shape_cast %reshape3A_860 : vector<512x128x1xi32> to vector<512x128xi32>
    %gather3A_862 = tpu.dynamic_gather %slice3A_852[%gather3A_861] in [1] : vector<512x128xf32>, vector<512x128xi32> -> vector<512x128xf32>
    %eq3A_863 = arith.constant 3 : i32
    %eq3A_864 = vector.broadcast %eq3A_863 : i32 to vector<512x128xi32>
    %eq3A_865 = arith.cmpi eq, %select_n3A_444, %eq3A_864 : vector<512x128xi32>
    %select_n3A_866 = arith.select %eq3A_865, %gather3A_862, %select_n3A_851 : vector<512x128xi1>, vector<512x128xf32>
    %slice3A_867 = vector.extract_strided_slice %sub3A {offsets = [0, 3584], sizes = [512, 128], strides = [1, 1]} : vector<512x10240xf32> to vector<512x128xf32>
    %lt3A_868 = arith.constant 0 : i32
    %lt3A_869 = vector.broadcast %lt3A_868 : i32 to vector<512x128xi32>
    %lt3A_870 = arith.cmpi slt, %tile3A, %lt3A_869 : vector<512x128xi32>
    %add3A_871 = arith.constant 128 : i32
    %add3A_872 = vector.broadcast %add3A_871 : i32 to vector<512x128xi32>
    %add3A_873 = arith.addi %tile3A, %add3A_872 : vector<512x128xi32>
    %select_n3A_874 = arith.select %lt3A_870, %add3A_873, %tile3A : vector<512x128xi1>, vector<512x128xi32>
    %reshape3A_875 = vector.shape_cast %select_n3A_874 : vector<512x128xi32> to vector<512x128x1xi32>
    %gather3A_876 = vector.shape_cast %reshape3A_875 : vector<512x128x1xi32> to vector<512x128xi32>
    %gather3A_877 = tpu.dynamic_gather %slice3A_867[%gather3A_876] in [1] : vector<512x128xf32>, vector<512x128xi32> -> vector<512x128xf32>
    %eq3A_878 = arith.constant 4 : i32
    %eq3A_879 = vector.broadcast %eq3A_878 : i32 to vector<512x128xi32>
    %eq3A_880 = arith.cmpi eq, %select_n3A_444, %eq3A_879 : vector<512x128xi32>
    %select_n3A_881 = arith.select %eq3A_880, %gather3A_877, %select_n3A_866 : vector<512x128xi1>, vector<512x128xf32>
    %slice3A_882 = vector.extract_strided_slice %sub3A {offsets = [0, 3712], sizes = [512, 128], strides = [1, 1]} : vector<512x10240xf32> to vector<512x128xf32>
    %lt3A_883 = arith.constant 0 : i32
    %lt3A_884 = vector.broadcast %lt3A_883 : i32 to vector<512x128xi32>
    %lt3A_885 = arith.cmpi slt, %tile3A, %lt3A_884 : vector<512x128xi32>
    %add3A_886 = arith.constant 128 : i32
    %add3A_887 = vector.broadcast %add3A_886 : i32 to vector<512x128xi32>
    %add3A_888 = arith.addi %tile3A, %add3A_887 : vector<512x128xi32>
    %select_n3A_889 = arith.select %lt3A_885, %add3A_888, %tile3A : vector<512x128xi1>, vector<512x128xi32>
    %reshape3A_890 = vector.shape_cast %select_n3A_889 : vector<512x128xi32> to vector<512x128x1xi32>
    %gather3A_891 = vector.shape_cast %reshape3A_890 : vector<512x128x1xi32> to vector<512x128xi32>
    %gather3A_892 = tpu.dynamic_gather %slice3A_882[%gather3A_891] in [1] : vector<512x128xf32>, vector<512x128xi32> -> vector<512x128xf32>
    %eq3A_893 = arith.constant 5 : i32
    %eq3A_894 = vector.broadcast %eq3A_893 : i32 to vector<512x128xi32>
    %eq3A_895 = arith.cmpi eq, %select_n3A_444, %eq3A_894 : vector<512x128xi32>
    %select_n3A_896 = arith.select %eq3A_895, %gather3A_892, %select_n3A_881 : vector<512x128xi1>, vector<512x128xf32>
    %slice3A_897 = vector.extract_strided_slice %sub3A {offsets = [0, 3840], sizes = [512, 128], strides = [1, 1]} : vector<512x10240xf32> to vector<512x128xf32>
    %lt3A_898 = arith.constant 0 : i32
    %lt3A_899 = vector.broadcast %lt3A_898 : i32 to vector<512x128xi32>
    %lt3A_900 = arith.cmpi slt, %tile3A, %lt3A_899 : vector<512x128xi32>
    %add3A_901 = arith.constant 128 : i32
    %add3A_902 = vector.broadcast %add3A_901 : i32 to vector<512x128xi32>
    %add3A_903 = arith.addi %tile3A, %add3A_902 : vector<512x128xi32>
    %select_n3A_904 = arith.select %lt3A_900, %add3A_903, %tile3A : vector<512x128xi1>, vector<512x128xi32>
    %reshape3A_905 = vector.shape_cast %select_n3A_904 : vector<512x128xi32> to vector<512x128x1xi32>
    %gather3A_906 = vector.shape_cast %reshape3A_905 : vector<512x128x1xi32> to vector<512x128xi32>
    %gather3A_907 = tpu.dynamic_gather %slice3A_897[%gather3A_906] in [1] : vector<512x128xf32>, vector<512x128xi32> -> vector<512x128xf32>
    %eq3A_908 = arith.constant 6 : i32
    %eq3A_909 = vector.broadcast %eq3A_908 : i32 to vector<512x128xi32>
    %eq3A_910 = arith.cmpi eq, %select_n3A_444, %eq3A_909 : vector<512x128xi32>
    %select_n3A_911 = arith.select %eq3A_910, %gather3A_907, %select_n3A_896 : vector<512x128xi1>, vector<512x128xf32>
    %slice3A_912 = vector.extract_strided_slice %sub3A {offsets = [0, 3968], sizes = [512, 128], strides = [1, 1]} : vector<512x10240xf32> to vector<512x128xf32>
    %lt3A_913 = arith.constant 0 : i32
    %lt3A_914 = vector.broadcast %lt3A_913 : i32 to vector<512x128xi32>
    %lt3A_915 = arith.cmpi slt, %tile3A, %lt3A_914 : vector<512x128xi32>
    %add3A_916 = arith.constant 128 : i32
    %add3A_917 = vector.broadcast %add3A_916 : i32 to vector<512x128xi32>
    %add3A_918 = arith.addi %tile3A, %add3A_917 : vector<512x128xi32>
    %select_n3A_919 = arith.select %lt3A_915, %add3A_918, %tile3A : vector<512x128xi1>, vector<512x128xi32>
    %reshape3A_920 = vector.shape_cast %select_n3A_919 : vector<512x128xi32> to vector<512x128x1xi32>
    %gather3A_921 = vector.shape_cast %reshape3A_920 : vector<512x128x1xi32> to vector<512x128xi32>
    %gather3A_922 = tpu.dynamic_gather %slice3A_912[%gather3A_921] in [1] : vector<512x128xf32>, vector<512x128xi32> -> vector<512x128xf32>
    %eq3A_923 = arith.constant 7 : i32
    %eq3A_924 = vector.broadcast %eq3A_923 : i32 to vector<512x128xi32>
    %eq3A_925 = arith.cmpi eq, %select_n3A_444, %eq3A_924 : vector<512x128xi32>
    %select_n3A_926 = arith.select %eq3A_925, %gather3A_922, %select_n3A_911 : vector<512x128xi1>, vector<512x128xf32>
    %add3A_927 = arith.constant 24 : i32
    %add3A_928 = vector.broadcast %add3A_927 : i32 to vector<512x128xi32>
    %add3A_929 = arith.addi %add3A_928, %select_n3A_444 : vector<512x128xi32>
    %mul3A_930 = arith.constant 128 : i32
    %mul3A_931 = vector.broadcast %mul3A_930 : i32 to vector<512x128xi32>
    %mul3A_932 = arith.muli %mul3A_931, %add3A_929 : vector<512x128xi32>
    %add3A_933 = arith.addi %mul3A_932, %tile3A : vector<512x128xi32>
    %slice3A_934 = vector.extract_strided_slice %sub3A {offsets = [0, 4096], sizes = [512, 128], strides = [1, 1]} : vector<512x10240xf32> to vector<512x128xf32>
    %lt3A_935 = arith.constant 0 : i32
    %lt3A_936 = vector.broadcast %lt3A_935 : i32 to vector<512x128xi32>
    %lt3A_937 = arith.cmpi slt, %tile3A, %lt3A_936 : vector<512x128xi32>
    %add3A_938 = arith.constant 128 : i32
    %add3A_939 = vector.broadcast %add3A_938 : i32 to vector<512x128xi32>
    %add3A_940 = arith.addi %tile3A, %add3A_939 : vector<512x128xi32>
    %select_n3A_941 = arith.select %lt3A_937, %add3A_940, %tile3A : vector<512x128xi1>, vector<512x128xi32>
    %reshape3A_942 = vector.shape_cast %select_n3A_941 : vector<512x128xi32> to vector<512x128x1xi32>
    %gather3A_943 = vector.shape_cast %reshape3A_942 : vector<512x128x1xi32> to vector<512x128xi32>
    %gather3A_944 = tpu.dynamic_gather %slice3A_934[%gather3A_943] in [1] : vector<512x128xf32>, vector<512x128xi32> -> vector<512x128xf32>
    %slice3A_945 = vector.extract_strided_slice %sub3A {offsets = [0, 4224], sizes = [512, 128], strides = [1, 1]} : vector<512x10240xf32> to vector<512x128xf32>
    %lt3A_946 = arith.constant 0 : i32
    %lt3A_947 = vector.broadcast %lt3A_946 : i32 to vector<512x128xi32>
    %lt3A_948 = arith.cmpi slt, %tile3A, %lt3A_947 : vector<512x128xi32>
    %add3A_949 = arith.constant 128 : i32
    %add3A_950 = vector.broadcast %add3A_949 : i32 to vector<512x128xi32>
    %add3A_951 = arith.addi %tile3A, %add3A_950 : vector<512x128xi32>
    %select_n3A_952 = arith.select %lt3A_948, %add3A_951, %tile3A : vector<512x128xi1>, vector<512x128xi32>
    %reshape3A_953 = vector.shape_cast %select_n3A_952 : vector<512x128xi32> to vector<512x128x1xi32>
    %gather3A_954 = vector.shape_cast %reshape3A_953 : vector<512x128x1xi32> to vector<512x128xi32>
    %gather3A_955 = tpu.dynamic_gather %slice3A_945[%gather3A_954] in [1] : vector<512x128xf32>, vector<512x128xi32> -> vector<512x128xf32>
    %eq3A_956 = arith.constant 1 : i32
    %eq3A_957 = vector.broadcast %eq3A_956 : i32 to vector<512x128xi32>
    %eq3A_958 = arith.cmpi eq, %select_n3A_444, %eq3A_957 : vector<512x128xi32>
    %select_n3A_959 = arith.select %eq3A_958, %gather3A_955, %gather3A_944 : vector<512x128xi1>, vector<512x128xf32>
    %slice3A_960 = vector.extract_strided_slice %sub3A {offsets = [0, 4352], sizes = [512, 128], strides = [1, 1]} : vector<512x10240xf32> to vector<512x128xf32>
    %lt3A_961 = arith.constant 0 : i32
    %lt3A_962 = vector.broadcast %lt3A_961 : i32 to vector<512x128xi32>
    %lt3A_963 = arith.cmpi slt, %tile3A, %lt3A_962 : vector<512x128xi32>
    %add3A_964 = arith.constant 128 : i32
    %add3A_965 = vector.broadcast %add3A_964 : i32 to vector<512x128xi32>
    %add3A_966 = arith.addi %tile3A, %add3A_965 : vector<512x128xi32>
    %select_n3A_967 = arith.select %lt3A_963, %add3A_966, %tile3A : vector<512x128xi1>, vector<512x128xi32>
    %reshape3A_968 = vector.shape_cast %select_n3A_967 : vector<512x128xi32> to vector<512x128x1xi32>
    %gather3A_969 = vector.shape_cast %reshape3A_968 : vector<512x128x1xi32> to vector<512x128xi32>
    %gather3A_970 = tpu.dynamic_gather %slice3A_960[%gather3A_969] in [1] : vector<512x128xf32>, vector<512x128xi32> -> vector<512x128xf32>
    %eq3A_971 = arith.constant 2 : i32
    %eq3A_972 = vector.broadcast %eq3A_971 : i32 to vector<512x128xi32>
    %eq3A_973 = arith.cmpi eq, %select_n3A_444, %eq3A_972 : vector<512x128xi32>
    %select_n3A_974 = arith.select %eq3A_973, %gather3A_970, %select_n3A_959 : vector<512x128xi1>, vector<512x128xf32>
    %slice3A_975 = vector.extract_strided_slice %sub3A {offsets = [0, 4480], sizes = [512, 128], strides = [1, 1]} : vector<512x10240xf32> to vector<512x128xf32>
    %lt3A_976 = arith.constant 0 : i32
    %lt3A_977 = vector.broadcast %lt3A_976 : i32 to vector<512x128xi32>
    %lt3A_978 = arith.cmpi slt, %tile3A, %lt3A_977 : vector<512x128xi32>
    %add3A_979 = arith.constant 128 : i32
    %add3A_980 = vector.broadcast %add3A_979 : i32 to vector<512x128xi32>
    %add3A_981 = arith.addi %tile3A, %add3A_980 : vector<512x128xi32>
    %select_n3A_982 = arith.select %lt3A_978, %add3A_981, %tile3A : vector<512x128xi1>, vector<512x128xi32>
    %reshape3A_983 = vector.shape_cast %select_n3A_982 : vector<512x128xi32> to vector<512x128x1xi32>
    %gather3A_984 = vector.shape_cast %reshape3A_983 : vector<512x128x1xi32> to vector<512x128xi32>
    %gather3A_985 = tpu.dynamic_gather %slice3A_975[%gather3A_984] in [1] : vector<512x128xf32>, vector<512x128xi32> -> vector<512x128xf32>
    %eq3A_986 = arith.constant 3 : i32
    %eq3A_987 = vector.broadcast %eq3A_986 : i32 to vector<512x128xi32>
    %eq3A_988 = arith.cmpi eq, %select_n3A_444, %eq3A_987 : vector<512x128xi32>
    %select_n3A_989 = arith.select %eq3A_988, %gather3A_985, %select_n3A_974 : vector<512x128xi1>, vector<512x128xf32>
    %slice3A_990 = vector.extract_strided_slice %sub3A {offsets = [0, 4608], sizes = [512, 128], strides = [1, 1]} : vector<512x10240xf32> to vector<512x128xf32>
    %lt3A_991 = arith.constant 0 : i32
    %lt3A_992 = vector.broadcast %lt3A_991 : i32 to vector<512x128xi32>
    %lt3A_993 = arith.cmpi slt, %tile3A, %lt3A_992 : vector<512x128xi32>
    %add3A_994 = arith.constant 128 : i32
    %add3A_995 = vector.broadcast %add3A_994 : i32 to vector<512x128xi32>
    %add3A_996 = arith.addi %tile3A, %add3A_995 : vector<512x128xi32>
    %select_n3A_997 = arith.select %lt3A_993, %add3A_996, %tile3A : vector<512x128xi1>, vector<512x128xi32>
    %reshape3A_998 = vector.shape_cast %select_n3A_997 : vector<512x128xi32> to vector<512x128x1xi32>
    %gather3A_999 = vector.shape_cast %reshape3A_998 : vector<512x128x1xi32> to vector<512x128xi32>
    %gather3A_1000 = tpu.dynamic_gather %slice3A_990[%gather3A_999] in [1] : vector<512x128xf32>, vector<512x128xi32> -> vector<512x128xf32>
    %eq3A_1001 = arith.constant 4 : i32
    %eq3A_1002 = vector.broadcast %eq3A_1001 : i32 to vector<512x128xi32>
    %eq3A_1003 = arith.cmpi eq, %select_n3A_444, %eq3A_1002 : vector<512x128xi32>
    %select_n3A_1004 = arith.select %eq3A_1003, %gather3A_1000, %select_n3A_989 : vector<512x128xi1>, vector<512x128xf32>
    %slice3A_1005 = vector.extract_strided_slice %sub3A {offsets = [0, 4736], sizes = [512, 128], strides = [1, 1]} : vector<512x10240xf32> to vector<512x128xf32>
    %lt3A_1006 = arith.constant 0 : i32
    %lt3A_1007 = vector.broadcast %lt3A_1006 : i32 to vector<512x128xi32>
    %lt3A_1008 = arith.cmpi slt, %tile3A, %lt3A_1007 : vector<512x128xi32>
    %add3A_1009 = arith.constant 128 : i32
    %add3A_1010 = vector.broadcast %add3A_1009 : i32 to vector<512x128xi32>
    %add3A_1011 = arith.addi %tile3A, %add3A_1010 : vector<512x128xi32>
    %select_n3A_1012 = arith.select %lt3A_1008, %add3A_1011, %tile3A : vector<512x128xi1>, vector<512x128xi32>
    %reshape3A_1013 = vector.shape_cast %select_n3A_1012 : vector<512x128xi32> to vector<512x128x1xi32>
    %gather3A_1014 = vector.shape_cast %reshape3A_1013 : vector<512x128x1xi32> to vector<512x128xi32>
    %gather3A_1015 = tpu.dynamic_gather %slice3A_1005[%gather3A_1014] in [1] : vector<512x128xf32>, vector<512x128xi32> -> vector<512x128xf32>
    %eq3A_1016 = arith.constant 5 : i32
    %eq3A_1017 = vector.broadcast %eq3A_1016 : i32 to vector<512x128xi32>
    %eq3A_1018 = arith.cmpi eq, %select_n3A_444, %eq3A_1017 : vector<512x128xi32>
    %select_n3A_1019 = arith.select %eq3A_1018, %gather3A_1015, %select_n3A_1004 : vector<512x128xi1>, vector<512x128xf32>
    %slice3A_1020 = vector.extract_strided_slice %sub3A {offsets = [0, 4864], sizes = [512, 128], strides = [1, 1]} : vector<512x10240xf32> to vector<512x128xf32>
    %lt3A_1021 = arith.constant 0 : i32
    %lt3A_1022 = vector.broadcast %lt3A_1021 : i32 to vector<512x128xi32>
    %lt3A_1023 = arith.cmpi slt, %tile3A, %lt3A_1022 : vector<512x128xi32>
    %add3A_1024 = arith.constant 128 : i32
    %add3A_1025 = vector.broadcast %add3A_1024 : i32 to vector<512x128xi32>
    %add3A_1026 = arith.addi %tile3A, %add3A_1025 : vector<512x128xi32>
    %select_n3A_1027 = arith.select %lt3A_1023, %add3A_1026, %tile3A : vector<512x128xi1>, vector<512x128xi32>
    %reshape3A_1028 = vector.shape_cast %select_n3A_1027 : vector<512x128xi32> to vector<512x128x1xi32>
    %gather3A_1029 = vector.shape_cast %reshape3A_1028 : vector<512x128x1xi32> to vector<512x128xi32>
    %gather3A_1030 = tpu.dynamic_gather %slice3A_1020[%gather3A_1029] in [1] : vector<512x128xf32>, vector<512x128xi32> -> vector<512x128xf32>
    %eq3A_1031 = arith.constant 6 : i32
    %eq3A_1032 = vector.broadcast %eq3A_1031 : i32 to vector<512x128xi32>
    %eq3A_1033 = arith.cmpi eq, %select_n3A_444, %eq3A_1032 : vector<512x128xi32>
    %select_n3A_1034 = arith.select %eq3A_1033, %gather3A_1030, %select_n3A_1019 : vector<512x128xi1>, vector<512x128xf32>
    %slice3A_1035 = vector.extract_strided_slice %sub3A {offsets = [0, 4992], sizes = [512, 128], strides = [1, 1]} : vector<512x10240xf32> to vector<512x128xf32>
    %lt3A_1036 = arith.constant 0 : i32
    %lt3A_1037 = vector.broadcast %lt3A_1036 : i32 to vector<512x128xi32>
    %lt3A_1038 = arith.cmpi slt, %tile3A, %lt3A_1037 : vector<512x128xi32>
    %add3A_1039 = arith.constant 128 : i32
    %add3A_1040 = vector.broadcast %add3A_1039 : i32 to vector<512x128xi32>
    %add3A_1041 = arith.addi %tile3A, %add3A_1040 : vector<512x128xi32>
    %select_n3A_1042 = arith.select %lt3A_1038, %add3A_1041, %tile3A : vector<512x128xi1>, vector<512x128xi32>
    %reshape3A_1043 = vector.shape_cast %select_n3A_1042 : vector<512x128xi32> to vector<512x128x1xi32>
    %gather3A_1044 = vector.shape_cast %reshape3A_1043 : vector<512x128x1xi32> to vector<512x128xi32>
    %gather3A_1045 = tpu.dynamic_gather %slice3A_1035[%gather3A_1044] in [1] : vector<512x128xf32>, vector<512x128xi32> -> vector<512x128xf32>
    %eq3A_1046 = arith.constant 7 : i32
    %eq3A_1047 = vector.broadcast %eq3A_1046 : i32 to vector<512x128xi32>
    %eq3A_1048 = arith.cmpi eq, %select_n3A_444, %eq3A_1047 : vector<512x128xi32>
    %select_n3A_1049 = arith.select %eq3A_1048, %gather3A_1045, %select_n3A_1034 : vector<512x128xi1>, vector<512x128xf32>
    %add3A_1050 = arith.constant 32 : i32
    %add3A_1051 = vector.broadcast %add3A_1050 : i32 to vector<512x128xi32>
    %add3A_1052 = arith.addi %add3A_1051, %select_n3A_444 : vector<512x128xi32>
    %mul3A_1053 = arith.constant 128 : i32
    %mul3A_1054 = vector.broadcast %mul3A_1053 : i32 to vector<512x128xi32>
    %mul3A_1055 = arith.muli %mul3A_1054, %add3A_1052 : vector<512x128xi32>
    %add3A_1056 = arith.addi %mul3A_1055, %tile3A : vector<512x128xi32>
    %slice3A_1057 = vector.extract_strided_slice %sub3A {offsets = [0, 5120], sizes = [512, 128], strides = [1, 1]} : vector<512x10240xf32> to vector<512x128xf32>
    %lt3A_1058 = arith.constant 0 : i32
    %lt3A_1059 = vector.broadcast %lt3A_1058 : i32 to vector<512x128xi32>
    %lt3A_1060 = arith.cmpi slt, %tile3A, %lt3A_1059 : vector<512x128xi32>
    %add3A_1061 = arith.constant 128 : i32
    %add3A_1062 = vector.broadcast %add3A_1061 : i32 to vector<512x128xi32>
    %add3A_1063 = arith.addi %tile3A, %add3A_1062 : vector<512x128xi32>
    %select_n3A_1064 = arith.select %lt3A_1060, %add3A_1063, %tile3A : vector<512x128xi1>, vector<512x128xi32>
    %reshape3A_1065 = vector.shape_cast %select_n3A_1064 : vector<512x128xi32> to vector<512x128x1xi32>
    %gather3A_1066 = vector.shape_cast %reshape3A_1065 : vector<512x128x1xi32> to vector<512x128xi32>
    %gather3A_1067 = tpu.dynamic_gather %slice3A_1057[%gather3A_1066] in [1] : vector<512x128xf32>, vector<512x128xi32> -> vector<512x128xf32>
    %slice3A_1068 = vector.extract_strided_slice %sub3A {offsets = [0, 5248], sizes = [512, 128], strides = [1, 1]} : vector<512x10240xf32> to vector<512x128xf32>
    %lt3A_1069 = arith.constant 0 : i32
    %lt3A_1070 = vector.broadcast %lt3A_1069 : i32 to vector<512x128xi32>
    %lt3A_1071 = arith.cmpi slt, %tile3A, %lt3A_1070 : vector<512x128xi32>
    %add3A_1072 = arith.constant 128 : i32
    %add3A_1073 = vector.broadcast %add3A_1072 : i32 to vector<512x128xi32>
    %add3A_1074 = arith.addi %tile3A, %add3A_1073 : vector<512x128xi32>
    %select_n3A_1075 = arith.select %lt3A_1071, %add3A_1074, %tile3A : vector<512x128xi1>, vector<512x128xi32>
    %reshape3A_1076 = vector.shape_cast %select_n3A_1075 : vector<512x128xi32> to vector<512x128x1xi32>
    %gather3A_1077 = vector.shape_cast %reshape3A_1076 : vector<512x128x1xi32> to vector<512x128xi32>
    %gather3A_1078 = tpu.dynamic_gather %slice3A_1068[%gather3A_1077] in [1] : vector<512x128xf32>, vector<512x128xi32> -> vector<512x128xf32>
    %eq3A_1079 = arith.constant 1 : i32
    %eq3A_1080 = vector.broadcast %eq3A_1079 : i32 to vector<512x128xi32>
    %eq3A_1081 = arith.cmpi eq, %select_n3A_444, %eq3A_1080 : vector<512x128xi32>
    %select_n3A_1082 = arith.select %eq3A_1081, %gather3A_1078, %gather3A_1067 : vector<512x128xi1>, vector<512x128xf32>
    %slice3A_1083 = vector.extract_strided_slice %sub3A {offsets = [0, 5376], sizes = [512, 128], strides = [1, 1]} : vector<512x10240xf32> to vector<512x128xf32>
    %lt3A_1084 = arith.constant 0 : i32
    %lt3A_1085 = vector.broadcast %lt3A_1084 : i32 to vector<512x128xi32>
    %lt3A_1086 = arith.cmpi slt, %tile3A, %lt3A_1085 : vector<512x128xi32>
    %add3A_1087 = arith.constant 128 : i32
    %add3A_1088 = vector.broadcast %add3A_1087 : i32 to vector<512x128xi32>
    %add3A_1089 = arith.addi %tile3A, %add3A_1088 : vector<512x128xi32>
    %select_n3A_1090 = arith.select %lt3A_1086, %add3A_1089, %tile3A : vector<512x128xi1>, vector<512x128xi32>
    %reshape3A_1091 = vector.shape_cast %select_n3A_1090 : vector<512x128xi32> to vector<512x128x1xi32>
    %gather3A_1092 = vector.shape_cast %reshape3A_1091 : vector<512x128x1xi32> to vector<512x128xi32>
    %gather3A_1093 = tpu.dynamic_gather %slice3A_1083[%gather3A_1092] in [1] : vector<512x128xf32>, vector<512x128xi32> -> vector<512x128xf32>
    %eq3A_1094 = arith.constant 2 : i32
    %eq3A_1095 = vector.broadcast %eq3A_1094 : i32 to vector<512x128xi32>
    %eq3A_1096 = arith.cmpi eq, %select_n3A_444, %eq3A_1095 : vector<512x128xi32>
    %select_n3A_1097 = arith.select %eq3A_1096, %gather3A_1093, %select_n3A_1082 : vector<512x128xi1>, vector<512x128xf32>
    %slice3A_1098 = vector.extract_strided_slice %sub3A {offsets = [0, 5504], sizes = [512, 128], strides = [1, 1]} : vector<512x10240xf32> to vector<512x128xf32>
    %lt3A_1099 = arith.constant 0 : i32
    %lt3A_1100 = vector.broadcast %lt3A_1099 : i32 to vector<512x128xi32>
    %lt3A_1101 = arith.cmpi slt, %tile3A, %lt3A_1100 : vector<512x128xi32>
    %add3A_1102 = arith.constant 128 : i32
    %add3A_1103 = vector.broadcast %add3A_1102 : i32 to vector<512x128xi32>
    %add3A_1104 = arith.addi %tile3A, %add3A_1103 : vector<512x128xi32>
    %select_n3A_1105 = arith.select %lt3A_1101, %add3A_1104, %tile3A : vector<512x128xi1>, vector<512x128xi32>
    %reshape3A_1106 = vector.shape_cast %select_n3A_1105 : vector<512x128xi32> to vector<512x128x1xi32>
    %gather3A_1107 = vector.shape_cast %reshape3A_1106 : vector<512x128x1xi32> to vector<512x128xi32>
    %gather3A_1108 = tpu.dynamic_gather %slice3A_1098[%gather3A_1107] in [1] : vector<512x128xf32>, vector<512x128xi32> -> vector<512x128xf32>
    %eq3A_1109 = arith.constant 3 : i32
    %eq3A_1110 = vector.broadcast %eq3A_1109 : i32 to vector<512x128xi32>
    %eq3A_1111 = arith.cmpi eq, %select_n3A_444, %eq3A_1110 : vector<512x128xi32>
    %select_n3A_1112 = arith.select %eq3A_1111, %gather3A_1108, %select_n3A_1097 : vector<512x128xi1>, vector<512x128xf32>
    %slice3A_1113 = vector.extract_strided_slice %sub3A {offsets = [0, 5632], sizes = [512, 128], strides = [1, 1]} : vector<512x10240xf32> to vector<512x128xf32>
    %lt3A_1114 = arith.constant 0 : i32
    %lt3A_1115 = vector.broadcast %lt3A_1114 : i32 to vector<512x128xi32>
    %lt3A_1116 = arith.cmpi slt, %tile3A, %lt3A_1115 : vector<512x128xi32>
    %add3A_1117 = arith.constant 128 : i32
    %add3A_1118 = vector.broadcast %add3A_1117 : i32 to vector<512x128xi32>
    %add3A_1119 = arith.addi %tile3A, %add3A_1118 : vector<512x128xi32>
    %select_n3A_1120 = arith.select %lt3A_1116, %add3A_1119, %tile3A : vector<512x128xi1>, vector<512x128xi32>
    %reshape3A_1121 = vector.shape_cast %select_n3A_1120 : vector<512x128xi32> to vector<512x128x1xi32>
    %gather3A_1122 = vector.shape_cast %reshape3A_1121 : vector<512x128x1xi32> to vector<512x128xi32>
    %gather3A_1123 = tpu.dynamic_gather %slice3A_1113[%gather3A_1122] in [1] : vector<512x128xf32>, vector<512x128xi32> -> vector<512x128xf32>
    %eq3A_1124 = arith.constant 4 : i32
    %eq3A_1125 = vector.broadcast %eq3A_1124 : i32 to vector<512x128xi32>
    %eq3A_1126 = arith.cmpi eq, %select_n3A_444, %eq3A_1125 : vector<512x128xi32>
    %select_n3A_1127 = arith.select %eq3A_1126, %gather3A_1123, %select_n3A_1112 : vector<512x128xi1>, vector<512x128xf32>
    %slice3A_1128 = vector.extract_strided_slice %sub3A {offsets = [0, 5760], sizes = [512, 128], strides = [1, 1]} : vector<512x10240xf32> to vector<512x128xf32>
    %lt3A_1129 = arith.constant 0 : i32
    %lt3A_1130 = vector.broadcast %lt3A_1129 : i32 to vector<512x128xi32>
    %lt3A_1131 = arith.cmpi slt, %tile3A, %lt3A_1130 : vector<512x128xi32>
    %add3A_1132 = arith.constant 128 : i32
    %add3A_1133 = vector.broadcast %add3A_1132 : i32 to vector<512x128xi32>
    %add3A_1134 = arith.addi %tile3A, %add3A_1133 : vector<512x128xi32>
    %select_n3A_1135 = arith.select %lt3A_1131, %add3A_1134, %tile3A : vector<512x128xi1>, vector<512x128xi32>
    %reshape3A_1136 = vector.shape_cast %select_n3A_1135 : vector<512x128xi32> to vector<512x128x1xi32>
    %gather3A_1137 = vector.shape_cast %reshape3A_1136 : vector<512x128x1xi32> to vector<512x128xi32>
    %gather3A_1138 = tpu.dynamic_gather %slice3A_1128[%gather3A_1137] in [1] : vector<512x128xf32>, vector<512x128xi32> -> vector<512x128xf32>
    %eq3A_1139 = arith.constant 5 : i32
    %eq3A_1140 = vector.broadcast %eq3A_1139 : i32 to vector<512x128xi32>
    %eq3A_1141 = arith.cmpi eq, %select_n3A_444, %eq3A_1140 : vector<512x128xi32>
    %select_n3A_1142 = arith.select %eq3A_1141, %gather3A_1138, %select_n3A_1127 : vector<512x128xi1>, vector<512x128xf32>
    %slice3A_1143 = vector.extract_strided_slice %sub3A {offsets = [0, 5888], sizes = [512, 128], strides = [1, 1]} : vector<512x10240xf32> to vector<512x128xf32>
    %lt3A_1144 = arith.constant 0 : i32
    %lt3A_1145 = vector.broadcast %lt3A_1144 : i32 to vector<512x128xi32>
    %lt3A_1146 = arith.cmpi slt, %tile3A, %lt3A_1145 : vector<512x128xi32>
    %add3A_1147 = arith.constant 128 : i32
    %add3A_1148 = vector.broadcast %add3A_1147 : i32 to vector<512x128xi32>
    %add3A_1149 = arith.addi %tile3A, %add3A_1148 : vector<512x128xi32>
    %select_n3A_1150 = arith.select %lt3A_1146, %add3A_1149, %tile3A : vector<512x128xi1>, vector<512x128xi32>
    %reshape3A_1151 = vector.shape_cast %select_n3A_1150 : vector<512x128xi32> to vector<512x128x1xi32>
    %gather3A_1152 = vector.shape_cast %reshape3A_1151 : vector<512x128x1xi32> to vector<512x128xi32>
    %gather3A_1153 = tpu.dynamic_gather %slice3A_1143[%gather3A_1152] in [1] : vector<512x128xf32>, vector<512x128xi32> -> vector<512x128xf32>
    %eq3A_1154 = arith.constant 6 : i32
    %eq3A_1155 = vector.broadcast %eq3A_1154 : i32 to vector<512x128xi32>
    %eq3A_1156 = arith.cmpi eq, %select_n3A_444, %eq3A_1155 : vector<512x128xi32>
    %select_n3A_1157 = arith.select %eq3A_1156, %gather3A_1153, %select_n3A_1142 : vector<512x128xi1>, vector<512x128xf32>
    %slice3A_1158 = vector.extract_strided_slice %sub3A {offsets = [0, 6016], sizes = [512, 128], strides = [1, 1]} : vector<512x10240xf32> to vector<512x128xf32>
    %lt3A_1159 = arith.constant 0 : i32
    %lt3A_1160 = vector.broadcast %lt3A_1159 : i32 to vector<512x128xi32>
    %lt3A_1161 = arith.cmpi slt, %tile3A, %lt3A_1160 : vector<512x128xi32>
    %add3A_1162 = arith.constant 128 : i32
    %add3A_1163 = vector.broadcast %add3A_1162 : i32 to vector<512x128xi32>
    %add3A_1164 = arith.addi %tile3A, %add3A_1163 : vector<512x128xi32>
    %select_n3A_1165 = arith.select %lt3A_1161, %add3A_1164, %tile3A : vector<512x128xi1>, vector<512x128xi32>
    %reshape3A_1166 = vector.shape_cast %select_n3A_1165 : vector<512x128xi32> to vector<512x128x1xi32>
    %gather3A_1167 = vector.shape_cast %reshape3A_1166 : vector<512x128x1xi32> to vector<512x128xi32>
    %gather3A_1168 = tpu.dynamic_gather %slice3A_1158[%gather3A_1167] in [1] : vector<512x128xf32>, vector<512x128xi32> -> vector<512x128xf32>
    %eq3A_1169 = arith.constant 7 : i32
    %eq3A_1170 = vector.broadcast %eq3A_1169 : i32 to vector<512x128xi32>
    %eq3A_1171 = arith.cmpi eq, %select_n3A_444, %eq3A_1170 : vector<512x128xi32>
    %select_n3A_1172 = arith.select %eq3A_1171, %gather3A_1168, %select_n3A_1157 : vector<512x128xi1>, vector<512x128xf32>
    %add3A_1173 = arith.constant 40 : i32
    %add3A_1174 = vector.broadcast %add3A_1173 : i32 to vector<512x128xi32>
    %add3A_1175 = arith.addi %add3A_1174, %select_n3A_444 : vector<512x128xi32>
    %mul3A_1176 = arith.constant 128 : i32
    %mul3A_1177 = vector.broadcast %mul3A_1176 : i32 to vector<512x128xi32>
    %mul3A_1178 = arith.muli %mul3A_1177, %add3A_1175 : vector<512x128xi32>
    %add3A_1179 = arith.addi %mul3A_1178, %tile3A : vector<512x128xi32>
    %slice3A_1180 = vector.extract_strided_slice %sub3A {offsets = [0, 6144], sizes = [512, 128], strides = [1, 1]} : vector<512x10240xf32> to vector<512x128xf32>
    %lt3A_1181 = arith.constant 0 : i32
    %lt3A_1182 = vector.broadcast %lt3A_1181 : i32 to vector<512x128xi32>
    %lt3A_1183 = arith.cmpi slt, %tile3A, %lt3A_1182 : vector<512x128xi32>
    %add3A_1184 = arith.constant 128 : i32
    %add3A_1185 = vector.broadcast %add3A_1184 : i32 to vector<512x128xi32>
    %add3A_1186 = arith.addi %tile3A, %add3A_1185 : vector<512x128xi32>
    %select_n3A_1187 = arith.select %lt3A_1183, %add3A_1186, %tile3A : vector<512x128xi1>, vector<512x128xi32>
    %reshape3A_1188 = vector.shape_cast %select_n3A_1187 : vector<512x128xi32> to vector<512x128x1xi32>
    %gather3A_1189 = vector.shape_cast %reshape3A_1188 : vector<512x128x1xi32> to vector<512x128xi32>
    %gather3A_1190 = tpu.dynamic_gather %slice3A_1180[%gather3A_1189] in [1] : vector<512x128xf32>, vector<512x128xi32> -> vector<512x128xf32>
    %slice3A_1191 = vector.extract_strided_slice %sub3A {offsets = [0, 6272], sizes = [512, 128], strides = [1, 1]} : vector<512x10240xf32> to vector<512x128xf32>
    %lt3A_1192 = arith.constant 0 : i32
    %lt3A_1193 = vector.broadcast %lt3A_1192 : i32 to vector<512x128xi32>
    %lt3A_1194 = arith.cmpi slt, %tile3A, %lt3A_1193 : vector<512x128xi32>
    %add3A_1195 = arith.constant 128 : i32
    %add3A_1196 = vector.broadcast %add3A_1195 : i32 to vector<512x128xi32>
    %add3A_1197 = arith.addi %tile3A, %add3A_1196 : vector<512x128xi32>
    %select_n3A_1198 = arith.select %lt3A_1194, %add3A_1197, %tile3A : vector<512x128xi1>, vector<512x128xi32>
    %reshape3A_1199 = vector.shape_cast %select_n3A_1198 : vector<512x128xi32> to vector<512x128x1xi32>
    %gather3A_1200 = vector.shape_cast %reshape3A_1199 : vector<512x128x1xi32> to vector<512x128xi32>
    %gather3A_1201 = tpu.dynamic_gather %slice3A_1191[%gather3A_1200] in [1] : vector<512x128xf32>, vector<512x128xi32> -> vector<512x128xf32>
    %eq3A_1202 = arith.constant 1 : i32
    %eq3A_1203 = vector.broadcast %eq3A_1202 : i32 to vector<512x128xi32>
    %eq3A_1204 = arith.cmpi eq, %select_n3A_444, %eq3A_1203 : vector<512x128xi32>
    %select_n3A_1205 = arith.select %eq3A_1204, %gather3A_1201, %gather3A_1190 : vector<512x128xi1>, vector<512x128xf32>
    %slice3A_1206 = vector.extract_strided_slice %sub3A {offsets = [0, 6400], sizes = [512, 128], strides = [1, 1]} : vector<512x10240xf32> to vector<512x128xf32>
    %lt3A_1207 = arith.constant 0 : i32
    %lt3A_1208 = vector.broadcast %lt3A_1207 : i32 to vector<512x128xi32>
    %lt3A_1209 = arith.cmpi slt, %tile3A, %lt3A_1208 : vector<512x128xi32>
    %add3A_1210 = arith.constant 128 : i32
    %add3A_1211 = vector.broadcast %add3A_1210 : i32 to vector<512x128xi32>
    %add3A_1212 = arith.addi %tile3A, %add3A_1211 : vector<512x128xi32>
    %select_n3A_1213 = arith.select %lt3A_1209, %add3A_1212, %tile3A : vector<512x128xi1>, vector<512x128xi32>
    %reshape3A_1214 = vector.shape_cast %select_n3A_1213 : vector<512x128xi32> to vector<512x128x1xi32>
    %gather3A_1215 = vector.shape_cast %reshape3A_1214 : vector<512x128x1xi32> to vector<512x128xi32>
    %gather3A_1216 = tpu.dynamic_gather %slice3A_1206[%gather3A_1215] in [1] : vector<512x128xf32>, vector<512x128xi32> -> vector<512x128xf32>
    %eq3A_1217 = arith.constant 2 : i32
    %eq3A_1218 = vector.broadcast %eq3A_1217 : i32 to vector<512x128xi32>
    %eq3A_1219 = arith.cmpi eq, %select_n3A_444, %eq3A_1218 : vector<512x128xi32>
    %select_n3A_1220 = arith.select %eq3A_1219, %gather3A_1216, %select_n3A_1205 : vector<512x128xi1>, vector<512x128xf32>
    %slice3A_1221 = vector.extract_strided_slice %sub3A {offsets = [0, 6528], sizes = [512, 128], strides = [1, 1]} : vector<512x10240xf32> to vector<512x128xf32>
    %lt3A_1222 = arith.constant 0 : i32
    %lt3A_1223 = vector.broadcast %lt3A_1222 : i32 to vector<512x128xi32>
    %lt3A_1224 = arith.cmpi slt, %tile3A, %lt3A_1223 : vector<512x128xi32>
    %add3A_1225 = arith.constant 128 : i32
    %add3A_1226 = vector.broadcast %add3A_1225 : i32 to vector<512x128xi32>
    %add3A_1227 = arith.addi %tile3A, %add3A_1226 : vector<512x128xi32>
    %select_n3A_1228 = arith.select %lt3A_1224, %add3A_1227, %tile3A : vector<512x128xi1>, vector<512x128xi32>
    %reshape3A_1229 = vector.shape_cast %select_n3A_1228 : vector<512x128xi32> to vector<512x128x1xi32>
    %gather3A_1230 = vector.shape_cast %reshape3A_1229 : vector<512x128x1xi32> to vector<512x128xi32>
    %gather3A_1231 = tpu.dynamic_gather %slice3A_1221[%gather3A_1230] in [1] : vector<512x128xf32>, vector<512x128xi32> -> vector<512x128xf32>
    %eq3A_1232 = arith.constant 3 : i32
    %eq3A_1233 = vector.broadcast %eq3A_1232 : i32 to vector<512x128xi32>
    %eq3A_1234 = arith.cmpi eq, %select_n3A_444, %eq3A_1233 : vector<512x128xi32>
    %select_n3A_1235 = arith.select %eq3A_1234, %gather3A_1231, %select_n3A_1220 : vector<512x128xi1>, vector<512x128xf32>
    %slice3A_1236 = vector.extract_strided_slice %sub3A {offsets = [0, 6656], sizes = [512, 128], strides = [1, 1]} : vector<512x10240xf32> to vector<512x128xf32>
    %lt3A_1237 = arith.constant 0 : i32
    %lt3A_1238 = vector.broadcast %lt3A_1237 : i32 to vector<512x128xi32>
    %lt3A_1239 = arith.cmpi slt, %tile3A, %lt3A_1238 : vector<512x128xi32>
    %add3A_1240 = arith.constant 128 : i32
    %add3A_1241 = vector.broadcast %add3A_1240 : i32 to vector<512x128xi32>
    %add3A_1242 = arith.addi %tile3A, %add3A_1241 : vector<512x128xi32>
    %select_n3A_1243 = arith.select %lt3A_1239, %add3A_1242, %tile3A : vector<512x128xi1>, vector<512x128xi32>
    %reshape3A_1244 = vector.shape_cast %select_n3A_1243 : vector<512x128xi32> to vector<512x128x1xi32>
    %gather3A_1245 = vector.shape_cast %reshape3A_1244 : vector<512x128x1xi32> to vector<512x128xi32>
    %gather3A_1246 = tpu.dynamic_gather %slice3A_1236[%gather3A_1245] in [1] : vector<512x128xf32>, vector<512x128xi32> -> vector<512x128xf32>
    %eq3A_1247 = arith.constant 4 : i32
    %eq3A_1248 = vector.broadcast %eq3A_1247 : i32 to vector<512x128xi32>
    %eq3A_1249 = arith.cmpi eq, %select_n3A_444, %eq3A_1248 : vector<512x128xi32>
    %select_n3A_1250 = arith.select %eq3A_1249, %gather3A_1246, %select_n3A_1235 : vector<512x128xi1>, vector<512x128xf32>
    %slice3A_1251 = vector.extract_strided_slice %sub3A {offsets = [0, 6784], sizes = [512, 128], strides = [1, 1]} : vector<512x10240xf32> to vector<512x128xf32>
    %lt3A_1252 = arith.constant 0 : i32
    %lt3A_1253 = vector.broadcast %lt3A_1252 : i32 to vector<512x128xi32>
    %lt3A_1254 = arith.cmpi slt, %tile3A, %lt3A_1253 : vector<512x128xi32>
    %add3A_1255 = arith.constant 128 : i32
    %add3A_1256 = vector.broadcast %add3A_1255 : i32 to vector<512x128xi32>
    %add3A_1257 = arith.addi %tile3A, %add3A_1256 : vector<512x128xi32>
    %select_n3A_1258 = arith.select %lt3A_1254, %add3A_1257, %tile3A : vector<512x128xi1>, vector<512x128xi32>
    %reshape3A_1259 = vector.shape_cast %select_n3A_1258 : vector<512x128xi32> to vector<512x128x1xi32>
    %gather3A_1260 = vector.shape_cast %reshape3A_1259 : vector<512x128x1xi32> to vector<512x128xi32>
    %gather3A_1261 = tpu.dynamic_gather %slice3A_1251[%gather3A_1260] in [1] : vector<512x128xf32>, vector<512x128xi32> -> vector<512x128xf32>
    %eq3A_1262 = arith.constant 5 : i32
    %eq3A_1263 = vector.broadcast %eq3A_1262 : i32 to vector<512x128xi32>
    %eq3A_1264 = arith.cmpi eq, %select_n3A_444, %eq3A_1263 : vector<512x128xi32>
    %select_n3A_1265 = arith.select %eq3A_1264, %gather3A_1261, %select_n3A_1250 : vector<512x128xi1>, vector<512x128xf32>
    %slice3A_1266 = vector.extract_strided_slice %sub3A {offsets = [0, 6912], sizes = [512, 128], strides = [1, 1]} : vector<512x10240xf32> to vector<512x128xf32>
    %lt3A_1267 = arith.constant 0 : i32
    %lt3A_1268 = vector.broadcast %lt3A_1267 : i32 to vector<512x128xi32>
    %lt3A_1269 = arith.cmpi slt, %tile3A, %lt3A_1268 : vector<512x128xi32>
    %add3A_1270 = arith.constant 128 : i32
    %add3A_1271 = vector.broadcast %add3A_1270 : i32 to vector<512x128xi32>
    %add3A_1272 = arith.addi %tile3A, %add3A_1271 : vector<512x128xi32>
    %select_n3A_1273 = arith.select %lt3A_1269, %add3A_1272, %tile3A : vector<512x128xi1>, vector<512x128xi32>
    %reshape3A_1274 = vector.shape_cast %select_n3A_1273 : vector<512x128xi32> to vector<512x128x1xi32>
    %gather3A_1275 = vector.shape_cast %reshape3A_1274 : vector<512x128x1xi32> to vector<512x128xi32>
    %gather3A_1276 = tpu.dynamic_gather %slice3A_1266[%gather3A_1275] in [1] : vector<512x128xf32>, vector<512x128xi32> -> vector<512x128xf32>
    %eq3A_1277 = arith.constant 6 : i32
    %eq3A_1278 = vector.broadcast %eq3A_1277 : i32 to vector<512x128xi32>
    %eq3A_1279 = arith.cmpi eq, %select_n3A_444, %eq3A_1278 : vector<512x128xi32>
    %select_n3A_1280 = arith.select %eq3A_1279, %gather3A_1276, %select_n3A_1265 : vector<512x128xi1>, vector<512x128xf32>
    %slice3A_1281 = vector.extract_strided_slice %sub3A {offsets = [0, 7040], sizes = [512, 128], strides = [1, 1]} : vector<512x10240xf32> to vector<512x128xf32>
    %lt3A_1282 = arith.constant 0 : i32
    %lt3A_1283 = vector.broadcast %lt3A_1282 : i32 to vector<512x128xi32>
    %lt3A_1284 = arith.cmpi slt, %tile3A, %lt3A_1283 : vector<512x128xi32>
    %add3A_1285 = arith.constant 128 : i32
    %add3A_1286 = vector.broadcast %add3A_1285 : i32 to vector<512x128xi32>
    %add3A_1287 = arith.addi %tile3A, %add3A_1286 : vector<512x128xi32>
    %select_n3A_1288 = arith.select %lt3A_1284, %add3A_1287, %tile3A : vector<512x128xi1>, vector<512x128xi32>
    %reshape3A_1289 = vector.shape_cast %select_n3A_1288 : vector<512x128xi32> to vector<512x128x1xi32>
    %gather3A_1290 = vector.shape_cast %reshape3A_1289 : vector<512x128x1xi32> to vector<512x128xi32>
    %gather3A_1291 = tpu.dynamic_gather %slice3A_1281[%gather3A_1290] in [1] : vector<512x128xf32>, vector<512x128xi32> -> vector<512x128xf32>
    %eq3A_1292 = arith.constant 7 : i32
    %eq3A_1293 = vector.broadcast %eq3A_1292 : i32 to vector<512x128xi32>
    %eq3A_1294 = arith.cmpi eq, %select_n3A_444, %eq3A_1293 : vector<512x128xi32>
    %select_n3A_1295 = arith.select %eq3A_1294, %gather3A_1291, %select_n3A_1280 : vector<512x128xi1>, vector<512x128xf32>
    %add3A_1296 = arith.constant 48 : i32
    %add3A_1297 = vector.broadcast %add3A_1296 : i32 to vector<512x128xi32>
    %add3A_1298 = arith.addi %add3A_1297, %select_n3A_444 : vector<512x128xi32>
    %mul3A_1299 = arith.constant 128 : i32
    %mul3A_1300 = vector.broadcast %mul3A_1299 : i32 to vector<512x128xi32>
    %mul3A_1301 = arith.muli %mul3A_1300, %add3A_1298 : vector<512x128xi32>
    %add3A_1302 = arith.addi %mul3A_1301, %tile3A : vector<512x128xi32>
    %slice3A_1303 = vector.extract_strided_slice %sub3A {offsets = [0, 7168], sizes = [512, 128], strides = [1, 1]} : vector<512x10240xf32> to vector<512x128xf32>
    %lt3A_1304 = arith.constant 0 : i32
    %lt3A_1305 = vector.broadcast %lt3A_1304 : i32 to vector<512x128xi32>
    %lt3A_1306 = arith.cmpi slt, %tile3A, %lt3A_1305 : vector<512x128xi32>
    %add3A_1307 = arith.constant 128 : i32
    %add3A_1308 = vector.broadcast %add3A_1307 : i32 to vector<512x128xi32>
    %add3A_1309 = arith.addi %tile3A, %add3A_1308 : vector<512x128xi32>
    %select_n3A_1310 = arith.select %lt3A_1306, %add3A_1309, %tile3A : vector<512x128xi1>, vector<512x128xi32>
    %reshape3A_1311 = vector.shape_cast %select_n3A_1310 : vector<512x128xi32> to vector<512x128x1xi32>
    %gather3A_1312 = vector.shape_cast %reshape3A_1311 : vector<512x128x1xi32> to vector<512x128xi32>
    %gather3A_1313 = tpu.dynamic_gather %slice3A_1303[%gather3A_1312] in [1] : vector<512x128xf32>, vector<512x128xi32> -> vector<512x128xf32>
    %slice3A_1314 = vector.extract_strided_slice %sub3A {offsets = [0, 7296], sizes = [512, 128], strides = [1, 1]} : vector<512x10240xf32> to vector<512x128xf32>
    %lt3A_1315 = arith.constant 0 : i32
    %lt3A_1316 = vector.broadcast %lt3A_1315 : i32 to vector<512x128xi32>
    %lt3A_1317 = arith.cmpi slt, %tile3A, %lt3A_1316 : vector<512x128xi32>
    %add3A_1318 = arith.constant 128 : i32
    %add3A_1319 = vector.broadcast %add3A_1318 : i32 to vector<512x128xi32>
    %add3A_1320 = arith.addi %tile3A, %add3A_1319 : vector<512x128xi32>
    %select_n3A_1321 = arith.select %lt3A_1317, %add3A_1320, %tile3A : vector<512x128xi1>, vector<512x128xi32>
    %reshape3A_1322 = vector.shape_cast %select_n3A_1321 : vector<512x128xi32> to vector<512x128x1xi32>
    %gather3A_1323 = vector.shape_cast %reshape3A_1322 : vector<512x128x1xi32> to vector<512x128xi32>
    %gather3A_1324 = tpu.dynamic_gather %slice3A_1314[%gather3A_1323] in [1] : vector<512x128xf32>, vector<512x128xi32> -> vector<512x128xf32>
    %eq3A_1325 = arith.constant 1 : i32
    %eq3A_1326 = vector.broadcast %eq3A_1325 : i32 to vector<512x128xi32>
    %eq3A_1327 = arith.cmpi eq, %select_n3A_444, %eq3A_1326 : vector<512x128xi32>
    %select_n3A_1328 = arith.select %eq3A_1327, %gather3A_1324, %gather3A_1313 : vector<512x128xi1>, vector<512x128xf32>
    %slice3A_1329 = vector.extract_strided_slice %sub3A {offsets = [0, 7424], sizes = [512, 128], strides = [1, 1]} : vector<512x10240xf32> to vector<512x128xf32>
    %lt3A_1330 = arith.constant 0 : i32
    %lt3A_1331 = vector.broadcast %lt3A_1330 : i32 to vector<512x128xi32>
    %lt3A_1332 = arith.cmpi slt, %tile3A, %lt3A_1331 : vector<512x128xi32>
    %add3A_1333 = arith.constant 128 : i32
    %add3A_1334 = vector.broadcast %add3A_1333 : i32 to vector<512x128xi32>
    %add3A_1335 = arith.addi %tile3A, %add3A_1334 : vector<512x128xi32>
    %select_n3A_1336 = arith.select %lt3A_1332, %add3A_1335, %tile3A : vector<512x128xi1>, vector<512x128xi32>
    %reshape3A_1337 = vector.shape_cast %select_n3A_1336 : vector<512x128xi32> to vector<512x128x1xi32>
    %gather3A_1338 = vector.shape_cast %reshape3A_1337 : vector<512x128x1xi32> to vector<512x128xi32>
    %gather3A_1339 = tpu.dynamic_gather %slice3A_1329[%gather3A_1338] in [1] : vector<512x128xf32>, vector<512x128xi32> -> vector<512x128xf32>
    %eq3A_1340 = arith.constant 2 : i32
    %eq3A_1341 = vector.broadcast %eq3A_1340 : i32 to vector<512x128xi32>
    %eq3A_1342 = arith.cmpi eq, %select_n3A_444, %eq3A_1341 : vector<512x128xi32>
    %select_n3A_1343 = arith.select %eq3A_1342, %gather3A_1339, %select_n3A_1328 : vector<512x128xi1>, vector<512x128xf32>
    %slice3A_1344 = vector.extract_strided_slice %sub3A {offsets = [0, 7552], sizes = [512, 128], strides = [1, 1]} : vector<512x10240xf32> to vector<512x128xf32>
    %lt3A_1345 = arith.constant 0 : i32
    %lt3A_1346 = vector.broadcast %lt3A_1345 : i32 to vector<512x128xi32>
    %lt3A_1347 = arith.cmpi slt, %tile3A, %lt3A_1346 : vector<512x128xi32>
    %add3A_1348 = arith.constant 128 : i32
    %add3A_1349 = vector.broadcast %add3A_1348 : i32 to vector<512x128xi32>
    %add3A_1350 = arith.addi %tile3A, %add3A_1349 : vector<512x128xi32>
    %select_n3A_1351 = arith.select %lt3A_1347, %add3A_1350, %tile3A : vector<512x128xi1>, vector<512x128xi32>
    %reshape3A_1352 = vector.shape_cast %select_n3A_1351 : vector<512x128xi32> to vector<512x128x1xi32>
    %gather3A_1353 = vector.shape_cast %reshape3A_1352 : vector<512x128x1xi32> to vector<512x128xi32>
    %gather3A_1354 = tpu.dynamic_gather %slice3A_1344[%gather3A_1353] in [1] : vector<512x128xf32>, vector<512x128xi32> -> vector<512x128xf32>
    %eq3A_1355 = arith.constant 3 : i32
    %eq3A_1356 = vector.broadcast %eq3A_1355 : i32 to vector<512x128xi32>
    %eq3A_1357 = arith.cmpi eq, %select_n3A_444, %eq3A_1356 : vector<512x128xi32>
    %select_n3A_1358 = arith.select %eq3A_1357, %gather3A_1354, %select_n3A_1343 : vector<512x128xi1>, vector<512x128xf32>
    %slice3A_1359 = vector.extract_strided_slice %sub3A {offsets = [0, 7680], sizes = [512, 128], strides = [1, 1]} : vector<512x10240xf32> to vector<512x128xf32>
    %lt3A_1360 = arith.constant 0 : i32
    %lt3A_1361 = vector.broadcast %lt3A_1360 : i32 to vector<512x128xi32>
    %lt3A_1362 = arith.cmpi slt, %tile3A, %lt3A_1361 : vector<512x128xi32>
    %add3A_1363 = arith.constant 128 : i32
    %add3A_1364 = vector.broadcast %add3A_1363 : i32 to vector<512x128xi32>
    %add3A_1365 = arith.addi %tile3A, %add3A_1364 : vector<512x128xi32>
    %select_n3A_1366 = arith.select %lt3A_1362, %add3A_1365, %tile3A : vector<512x128xi1>, vector<512x128xi32>
    %reshape3A_1367 = vector.shape_cast %select_n3A_1366 : vector<512x128xi32> to vector<512x128x1xi32>
    %gather3A_1368 = vector.shape_cast %reshape3A_1367 : vector<512x128x1xi32> to vector<512x128xi32>
    %gather3A_1369 = tpu.dynamic_gather %slice3A_1359[%gather3A_1368] in [1] : vector<512x128xf32>, vector<512x128xi32> -> vector<512x128xf32>
    %eq3A_1370 = arith.constant 4 : i32
    %eq3A_1371 = vector.broadcast %eq3A_1370 : i32 to vector<512x128xi32>
    %eq3A_1372 = arith.cmpi eq, %select_n3A_444, %eq3A_1371 : vector<512x128xi32>
    %select_n3A_1373 = arith.select %eq3A_1372, %gather3A_1369, %select_n3A_1358 : vector<512x128xi1>, vector<512x128xf32>
    %slice3A_1374 = vector.extract_strided_slice %sub3A {offsets = [0, 7808], sizes = [512, 128], strides = [1, 1]} : vector<512x10240xf32> to vector<512x128xf32>
    %lt3A_1375 = arith.constant 0 : i32
    %lt3A_1376 = vector.broadcast %lt3A_1375 : i32 to vector<512x128xi32>
    %lt3A_1377 = arith.cmpi slt, %tile3A, %lt3A_1376 : vector<512x128xi32>
    %add3A_1378 = arith.constant 128 : i32
    %add3A_1379 = vector.broadcast %add3A_1378 : i32 to vector<512x128xi32>
    %add3A_1380 = arith.addi %tile3A, %add3A_1379 : vector<512x128xi32>
    %select_n3A_1381 = arith.select %lt3A_1377, %add3A_1380, %tile3A : vector<512x128xi1>, vector<512x128xi32>
    %reshape3A_1382 = vector.shape_cast %select_n3A_1381 : vector<512x128xi32> to vector<512x128x1xi32>
    %gather3A_1383 = vector.shape_cast %reshape3A_1382 : vector<512x128x1xi32> to vector<512x128xi32>
    %gather3A_1384 = tpu.dynamic_gather %slice3A_1374[%gather3A_1383] in [1] : vector<512x128xf32>, vector<512x128xi32> -> vector<512x128xf32>
    %eq3A_1385 = arith.constant 5 : i32
    %eq3A_1386 = vector.broadcast %eq3A_1385 : i32 to vector<512x128xi32>
    %eq3A_1387 = arith.cmpi eq, %select_n3A_444, %eq3A_1386 : vector<512x128xi32>
    %select_n3A_1388 = arith.select %eq3A_1387, %gather3A_1384, %select_n3A_1373 : vector<512x128xi1>, vector<512x128xf32>
    %slice3A_1389 = vector.extract_strided_slice %sub3A {offsets = [0, 7936], sizes = [512, 128], strides = [1, 1]} : vector<512x10240xf32> to vector<512x128xf32>
    %lt3A_1390 = arith.constant 0 : i32
    %lt3A_1391 = vector.broadcast %lt3A_1390 : i32 to vector<512x128xi32>
    %lt3A_1392 = arith.cmpi slt, %tile3A, %lt3A_1391 : vector<512x128xi32>
    %add3A_1393 = arith.constant 128 : i32
    %add3A_1394 = vector.broadcast %add3A_1393 : i32 to vector<512x128xi32>
    %add3A_1395 = arith.addi %tile3A, %add3A_1394 : vector<512x128xi32>
    %select_n3A_1396 = arith.select %lt3A_1392, %add3A_1395, %tile3A : vector<512x128xi1>, vector<512x128xi32>
    %reshape3A_1397 = vector.shape_cast %select_n3A_1396 : vector<512x128xi32> to vector<512x128x1xi32>
    %gather3A_1398 = vector.shape_cast %reshape3A_1397 : vector<512x128x1xi32> to vector<512x128xi32>
    %gather3A_1399 = tpu.dynamic_gather %slice3A_1389[%gather3A_1398] in [1] : vector<512x128xf32>, vector<512x128xi32> -> vector<512x128xf32>
    %eq3A_1400 = arith.constant 6 : i32
    %eq3A_1401 = vector.broadcast %eq3A_1400 : i32 to vector<512x128xi32>
    %eq3A_1402 = arith.cmpi eq, %select_n3A_444, %eq3A_1401 : vector<512x128xi32>
    %select_n3A_1403 = arith.select %eq3A_1402, %gather3A_1399, %select_n3A_1388 : vector<512x128xi1>, vector<512x128xf32>
    %slice3A_1404 = vector.extract_strided_slice %sub3A {offsets = [0, 8064], sizes = [512, 128], strides = [1, 1]} : vector<512x10240xf32> to vector<512x128xf32>
    %lt3A_1405 = arith.constant 0 : i32
    %lt3A_1406 = vector.broadcast %lt3A_1405 : i32 to vector<512x128xi32>
    %lt3A_1407 = arith.cmpi slt, %tile3A, %lt3A_1406 : vector<512x128xi32>
    %add3A_1408 = arith.constant 128 : i32
    %add3A_1409 = vector.broadcast %add3A_1408 : i32 to vector<512x128xi32>
    %add3A_1410 = arith.addi %tile3A, %add3A_1409 : vector<512x128xi32>
    %select_n3A_1411 = arith.select %lt3A_1407, %add3A_1410, %tile3A : vector<512x128xi1>, vector<512x128xi32>
    %reshape3A_1412 = vector.shape_cast %select_n3A_1411 : vector<512x128xi32> to vector<512x128x1xi32>
    %gather3A_1413 = vector.shape_cast %reshape3A_1412 : vector<512x128x1xi32> to vector<512x128xi32>
    %gather3A_1414 = tpu.dynamic_gather %slice3A_1404[%gather3A_1413] in [1] : vector<512x128xf32>, vector<512x128xi32> -> vector<512x128xf32>
    %eq3A_1415 = arith.constant 7 : i32
    %eq3A_1416 = vector.broadcast %eq3A_1415 : i32 to vector<512x128xi32>
    %eq3A_1417 = arith.cmpi eq, %select_n3A_444, %eq3A_1416 : vector<512x128xi32>
    %select_n3A_1418 = arith.select %eq3A_1417, %gather3A_1414, %select_n3A_1403 : vector<512x128xi1>, vector<512x128xf32>
    %add3A_1419 = arith.constant 56 : i32
    %add3A_1420 = vector.broadcast %add3A_1419 : i32 to vector<512x128xi32>
    %add3A_1421 = arith.addi %add3A_1420, %select_n3A_444 : vector<512x128xi32>
    %mul3A_1422 = arith.constant 128 : i32
    %mul3A_1423 = vector.broadcast %mul3A_1422 : i32 to vector<512x128xi32>
    %mul3A_1424 = arith.muli %mul3A_1423, %add3A_1421 : vector<512x128xi32>
    %add3A_1425 = arith.addi %mul3A_1424, %tile3A : vector<512x128xi32>
    %slice3A_1426 = vector.extract_strided_slice %sub3A {offsets = [0, 8192], sizes = [512, 128], strides = [1, 1]} : vector<512x10240xf32> to vector<512x128xf32>
    %lt3A_1427 = arith.constant 0 : i32
    %lt3A_1428 = vector.broadcast %lt3A_1427 : i32 to vector<512x128xi32>
    %lt3A_1429 = arith.cmpi slt, %tile3A, %lt3A_1428 : vector<512x128xi32>
    %add3A_1430 = arith.constant 128 : i32
    %add3A_1431 = vector.broadcast %add3A_1430 : i32 to vector<512x128xi32>
    %add3A_1432 = arith.addi %tile3A, %add3A_1431 : vector<512x128xi32>
    %select_n3A_1433 = arith.select %lt3A_1429, %add3A_1432, %tile3A : vector<512x128xi1>, vector<512x128xi32>
    %reshape3A_1434 = vector.shape_cast %select_n3A_1433 : vector<512x128xi32> to vector<512x128x1xi32>
    %gather3A_1435 = vector.shape_cast %reshape3A_1434 : vector<512x128x1xi32> to vector<512x128xi32>
    %gather3A_1436 = tpu.dynamic_gather %slice3A_1426[%gather3A_1435] in [1] : vector<512x128xf32>, vector<512x128xi32> -> vector<512x128xf32>
    %slice3A_1437 = vector.extract_strided_slice %sub3A {offsets = [0, 8320], sizes = [512, 128], strides = [1, 1]} : vector<512x10240xf32> to vector<512x128xf32>
    %lt3A_1438 = arith.constant 0 : i32
    %lt3A_1439 = vector.broadcast %lt3A_1438 : i32 to vector<512x128xi32>
    %lt3A_1440 = arith.cmpi slt, %tile3A, %lt3A_1439 : vector<512x128xi32>
    %add3A_1441 = arith.constant 128 : i32
    %add3A_1442 = vector.broadcast %add3A_1441 : i32 to vector<512x128xi32>
    %add3A_1443 = arith.addi %tile3A, %add3A_1442 : vector<512x128xi32>
    %select_n3A_1444 = arith.select %lt3A_1440, %add3A_1443, %tile3A : vector<512x128xi1>, vector<512x128xi32>
    %reshape3A_1445 = vector.shape_cast %select_n3A_1444 : vector<512x128xi32> to vector<512x128x1xi32>
    %gather3A_1446 = vector.shape_cast %reshape3A_1445 : vector<512x128x1xi32> to vector<512x128xi32>
    %gather3A_1447 = tpu.dynamic_gather %slice3A_1437[%gather3A_1446] in [1] : vector<512x128xf32>, vector<512x128xi32> -> vector<512x128xf32>
    %eq3A_1448 = arith.constant 1 : i32
    %eq3A_1449 = vector.broadcast %eq3A_1448 : i32 to vector<512x128xi32>
    %eq3A_1450 = arith.cmpi eq, %select_n3A_444, %eq3A_1449 : vector<512x128xi32>
    %select_n3A_1451 = arith.select %eq3A_1450, %gather3A_1447, %gather3A_1436 : vector<512x128xi1>, vector<512x128xf32>
    %slice3A_1452 = vector.extract_strided_slice %sub3A {offsets = [0, 8448], sizes = [512, 128], strides = [1, 1]} : vector<512x10240xf32> to vector<512x128xf32>
    %lt3A_1453 = arith.constant 0 : i32
    %lt3A_1454 = vector.broadcast %lt3A_1453 : i32 to vector<512x128xi32>
    %lt3A_1455 = arith.cmpi slt, %tile3A, %lt3A_1454 : vector<512x128xi32>
    %add3A_1456 = arith.constant 128 : i32
    %add3A_1457 = vector.broadcast %add3A_1456 : i32 to vector<512x128xi32>
    %add3A_1458 = arith.addi %tile3A, %add3A_1457 : vector<512x128xi32>
    %select_n3A_1459 = arith.select %lt3A_1455, %add3A_1458, %tile3A : vector<512x128xi1>, vector<512x128xi32>
    %reshape3A_1460 = vector.shape_cast %select_n3A_1459 : vector<512x128xi32> to vector<512x128x1xi32>
    %gather3A_1461 = vector.shape_cast %reshape3A_1460 : vector<512x128x1xi32> to vector<512x128xi32>
    %gather3A_1462 = tpu.dynamic_gather %slice3A_1452[%gather3A_1461] in [1] : vector<512x128xf32>, vector<512x128xi32> -> vector<512x128xf32>
    %eq3A_1463 = arith.constant 2 : i32
    %eq3A_1464 = vector.broadcast %eq3A_1463 : i32 to vector<512x128xi32>
    %eq3A_1465 = arith.cmpi eq, %select_n3A_444, %eq3A_1464 : vector<512x128xi32>
    %select_n3A_1466 = arith.select %eq3A_1465, %gather3A_1462, %select_n3A_1451 : vector<512x128xi1>, vector<512x128xf32>
    %slice3A_1467 = vector.extract_strided_slice %sub3A {offsets = [0, 8576], sizes = [512, 128], strides = [1, 1]} : vector<512x10240xf32> to vector<512x128xf32>
    %lt3A_1468 = arith.constant 0 : i32
    %lt3A_1469 = vector.broadcast %lt3A_1468 : i32 to vector<512x128xi32>
    %lt3A_1470 = arith.cmpi slt, %tile3A, %lt3A_1469 : vector<512x128xi32>
    %add3A_1471 = arith.constant 128 : i32
    %add3A_1472 = vector.broadcast %add3A_1471 : i32 to vector<512x128xi32>
    %add3A_1473 = arith.addi %tile3A, %add3A_1472 : vector<512x128xi32>
    %select_n3A_1474 = arith.select %lt3A_1470, %add3A_1473, %tile3A : vector<512x128xi1>, vector<512x128xi32>
    %reshape3A_1475 = vector.shape_cast %select_n3A_1474 : vector<512x128xi32> to vector<512x128x1xi32>
    %gather3A_1476 = vector.shape_cast %reshape3A_1475 : vector<512x128x1xi32> to vector<512x128xi32>
    %gather3A_1477 = tpu.dynamic_gather %slice3A_1467[%gather3A_1476] in [1] : vector<512x128xf32>, vector<512x128xi32> -> vector<512x128xf32>
    %eq3A_1478 = arith.constant 3 : i32
    %eq3A_1479 = vector.broadcast %eq3A_1478 : i32 to vector<512x128xi32>
    %eq3A_1480 = arith.cmpi eq, %select_n3A_444, %eq3A_1479 : vector<512x128xi32>
    %select_n3A_1481 = arith.select %eq3A_1480, %gather3A_1477, %select_n3A_1466 : vector<512x128xi1>, vector<512x128xf32>
    %slice3A_1482 = vector.extract_strided_slice %sub3A {offsets = [0, 8704], sizes = [512, 128], strides = [1, 1]} : vector<512x10240xf32> to vector<512x128xf32>
    %lt3A_1483 = arith.constant 0 : i32
    %lt3A_1484 = vector.broadcast %lt3A_1483 : i32 to vector<512x128xi32>
    %lt3A_1485 = arith.cmpi slt, %tile3A, %lt3A_1484 : vector<512x128xi32>
    %add3A_1486 = arith.constant 128 : i32
    %add3A_1487 = vector.broadcast %add3A_1486 : i32 to vector<512x128xi32>
    %add3A_1488 = arith.addi %tile3A, %add3A_1487 : vector<512x128xi32>
    %select_n3A_1489 = arith.select %lt3A_1485, %add3A_1488, %tile3A : vector<512x128xi1>, vector<512x128xi32>
    %reshape3A_1490 = vector.shape_cast %select_n3A_1489 : vector<512x128xi32> to vector<512x128x1xi32>
    %gather3A_1491 = vector.shape_cast %reshape3A_1490 : vector<512x128x1xi32> to vector<512x128xi32>
    %gather3A_1492 = tpu.dynamic_gather %slice3A_1482[%gather3A_1491] in [1] : vector<512x128xf32>, vector<512x128xi32> -> vector<512x128xf32>
    %eq3A_1493 = arith.constant 4 : i32
    %eq3A_1494 = vector.broadcast %eq3A_1493 : i32 to vector<512x128xi32>
    %eq3A_1495 = arith.cmpi eq, %select_n3A_444, %eq3A_1494 : vector<512x128xi32>
    %select_n3A_1496 = arith.select %eq3A_1495, %gather3A_1492, %select_n3A_1481 : vector<512x128xi1>, vector<512x128xf32>
    %slice3A_1497 = vector.extract_strided_slice %sub3A {offsets = [0, 8832], sizes = [512, 128], strides = [1, 1]} : vector<512x10240xf32> to vector<512x128xf32>
    %lt3A_1498 = arith.constant 0 : i32
    %lt3A_1499 = vector.broadcast %lt3A_1498 : i32 to vector<512x128xi32>
    %lt3A_1500 = arith.cmpi slt, %tile3A, %lt3A_1499 : vector<512x128xi32>
    %add3A_1501 = arith.constant 128 : i32
    %add3A_1502 = vector.broadcast %add3A_1501 : i32 to vector<512x128xi32>
    %add3A_1503 = arith.addi %tile3A, %add3A_1502 : vector<512x128xi32>
    %select_n3A_1504 = arith.select %lt3A_1500, %add3A_1503, %tile3A : vector<512x128xi1>, vector<512x128xi32>
    %reshape3A_1505 = vector.shape_cast %select_n3A_1504 : vector<512x128xi32> to vector<512x128x1xi32>
    %gather3A_1506 = vector.shape_cast %reshape3A_1505 : vector<512x128x1xi32> to vector<512x128xi32>
    %gather3A_1507 = tpu.dynamic_gather %slice3A_1497[%gather3A_1506] in [1] : vector<512x128xf32>, vector<512x128xi32> -> vector<512x128xf32>
    %eq3A_1508 = arith.constant 5 : i32
    %eq3A_1509 = vector.broadcast %eq3A_1508 : i32 to vector<512x128xi32>
    %eq3A_1510 = arith.cmpi eq, %select_n3A_444, %eq3A_1509 : vector<512x128xi32>
    %select_n3A_1511 = arith.select %eq3A_1510, %gather3A_1507, %select_n3A_1496 : vector<512x128xi1>, vector<512x128xf32>
    %slice3A_1512 = vector.extract_strided_slice %sub3A {offsets = [0, 8960], sizes = [512, 128], strides = [1, 1]} : vector<512x10240xf32> to vector<512x128xf32>
    %lt3A_1513 = arith.constant 0 : i32
    %lt3A_1514 = vector.broadcast %lt3A_1513 : i32 to vector<512x128xi32>
    %lt3A_1515 = arith.cmpi slt, %tile3A, %lt3A_1514 : vector<512x128xi32>
    %add3A_1516 = arith.constant 128 : i32
    %add3A_1517 = vector.broadcast %add3A_1516 : i32 to vector<512x128xi32>
    %add3A_1518 = arith.addi %tile3A, %add3A_1517 : vector<512x128xi32>
    %select_n3A_1519 = arith.select %lt3A_1515, %add3A_1518, %tile3A : vector<512x128xi1>, vector<512x128xi32>
    %reshape3A_1520 = vector.shape_cast %select_n3A_1519 : vector<512x128xi32> to vector<512x128x1xi32>
    %gather3A_1521 = vector.shape_cast %reshape3A_1520 : vector<512x128x1xi32> to vector<512x128xi32>
    %gather3A_1522 = tpu.dynamic_gather %slice3A_1512[%gather3A_1521] in [1] : vector<512x128xf32>, vector<512x128xi32> -> vector<512x128xf32>
    %eq3A_1523 = arith.constant 6 : i32
    %eq3A_1524 = vector.broadcast %eq3A_1523 : i32 to vector<512x128xi32>
    %eq3A_1525 = arith.cmpi eq, %select_n3A_444, %eq3A_1524 : vector<512x128xi32>
    %select_n3A_1526 = arith.select %eq3A_1525, %gather3A_1522, %select_n3A_1511 : vector<512x128xi1>, vector<512x128xf32>
    %slice3A_1527 = vector.extract_strided_slice %sub3A {offsets = [0, 9088], sizes = [512, 128], strides = [1, 1]} : vector<512x10240xf32> to vector<512x128xf32>
    %lt3A_1528 = arith.constant 0 : i32
    %lt3A_1529 = vector.broadcast %lt3A_1528 : i32 to vector<512x128xi32>
    %lt3A_1530 = arith.cmpi slt, %tile3A, %lt3A_1529 : vector<512x128xi32>
    %add3A_1531 = arith.constant 128 : i32
    %add3A_1532 = vector.broadcast %add3A_1531 : i32 to vector<512x128xi32>
    %add3A_1533 = arith.addi %tile3A, %add3A_1532 : vector<512x128xi32>
    %select_n3A_1534 = arith.select %lt3A_1530, %add3A_1533, %tile3A : vector<512x128xi1>, vector<512x128xi32>
    %reshape3A_1535 = vector.shape_cast %select_n3A_1534 : vector<512x128xi32> to vector<512x128x1xi32>
    %gather3A_1536 = vector.shape_cast %reshape3A_1535 : vector<512x128x1xi32> to vector<512x128xi32>
    %gather3A_1537 = tpu.dynamic_gather %slice3A_1527[%gather3A_1536] in [1] : vector<512x128xf32>, vector<512x128xi32> -> vector<512x128xf32>
    %eq3A_1538 = arith.constant 7 : i32
    %eq3A_1539 = vector.broadcast %eq3A_1538 : i32 to vector<512x128xi32>
    %eq3A_1540 = arith.cmpi eq, %select_n3A_444, %eq3A_1539 : vector<512x128xi32>
    %select_n3A_1541 = arith.select %eq3A_1540, %gather3A_1537, %select_n3A_1526 : vector<512x128xi1>, vector<512x128xf32>
    %add3A_1542 = arith.constant 64 : i32
    %add3A_1543 = vector.broadcast %add3A_1542 : i32 to vector<512x128xi32>
    %add3A_1544 = arith.addi %add3A_1543, %select_n3A_444 : vector<512x128xi32>
    %mul3A_1545 = arith.constant 128 : i32
    %mul3A_1546 = vector.broadcast %mul3A_1545 : i32 to vector<512x128xi32>
    %mul3A_1547 = arith.muli %mul3A_1546, %add3A_1544 : vector<512x128xi32>
    %add3A_1548 = arith.addi %mul3A_1547, %tile3A : vector<512x128xi32>
    %slice3A_1549 = vector.extract_strided_slice %sub3A {offsets = [0, 9216], sizes = [512, 128], strides = [1, 1]} : vector<512x10240xf32> to vector<512x128xf32>
    %lt3A_1550 = arith.constant 0 : i32
    %lt3A_1551 = vector.broadcast %lt3A_1550 : i32 to vector<512x128xi32>
    %lt3A_1552 = arith.cmpi slt, %tile3A, %lt3A_1551 : vector<512x128xi32>
    %add3A_1553 = arith.constant 128 : i32
    %add3A_1554 = vector.broadcast %add3A_1553 : i32 to vector<512x128xi32>
    %add3A_1555 = arith.addi %tile3A, %add3A_1554 : vector<512x128xi32>
    %select_n3A_1556 = arith.select %lt3A_1552, %add3A_1555, %tile3A : vector<512x128xi1>, vector<512x128xi32>
    %reshape3A_1557 = vector.shape_cast %select_n3A_1556 : vector<512x128xi32> to vector<512x128x1xi32>
    %gather3A_1558 = vector.shape_cast %reshape3A_1557 : vector<512x128x1xi32> to vector<512x128xi32>
    %gather3A_1559 = tpu.dynamic_gather %slice3A_1549[%gather3A_1558] in [1] : vector<512x128xf32>, vector<512x128xi32> -> vector<512x128xf32>
    %slice3A_1560 = vector.extract_strided_slice %sub3A {offsets = [0, 9344], sizes = [512, 128], strides = [1, 1]} : vector<512x10240xf32> to vector<512x128xf32>
    %lt3A_1561 = arith.constant 0 : i32
    %lt3A_1562 = vector.broadcast %lt3A_1561 : i32 to vector<512x128xi32>
    %lt3A_1563 = arith.cmpi slt, %tile3A, %lt3A_1562 : vector<512x128xi32>
    %add3A_1564 = arith.constant 128 : i32
    %add3A_1565 = vector.broadcast %add3A_1564 : i32 to vector<512x128xi32>
    %add3A_1566 = arith.addi %tile3A, %add3A_1565 : vector<512x128xi32>
    %select_n3A_1567 = arith.select %lt3A_1563, %add3A_1566, %tile3A : vector<512x128xi1>, vector<512x128xi32>
    %reshape3A_1568 = vector.shape_cast %select_n3A_1567 : vector<512x128xi32> to vector<512x128x1xi32>
    %gather3A_1569 = vector.shape_cast %reshape3A_1568 : vector<512x128x1xi32> to vector<512x128xi32>
    %gather3A_1570 = tpu.dynamic_gather %slice3A_1560[%gather3A_1569] in [1] : vector<512x128xf32>, vector<512x128xi32> -> vector<512x128xf32>
    %eq3A_1571 = arith.constant 1 : i32
    %eq3A_1572 = vector.broadcast %eq3A_1571 : i32 to vector<512x128xi32>
    %eq3A_1573 = arith.cmpi eq, %select_n3A_444, %eq3A_1572 : vector<512x128xi32>
    %select_n3A_1574 = arith.select %eq3A_1573, %gather3A_1570, %gather3A_1559 : vector<512x128xi1>, vector<512x128xf32>
    %slice3A_1575 = vector.extract_strided_slice %sub3A {offsets = [0, 9472], sizes = [512, 128], strides = [1, 1]} : vector<512x10240xf32> to vector<512x128xf32>
    %lt3A_1576 = arith.constant 0 : i32
    %lt3A_1577 = vector.broadcast %lt3A_1576 : i32 to vector<512x128xi32>
    %lt3A_1578 = arith.cmpi slt, %tile3A, %lt3A_1577 : vector<512x128xi32>
    %add3A_1579 = arith.constant 128 : i32
    %add3A_1580 = vector.broadcast %add3A_1579 : i32 to vector<512x128xi32>
    %add3A_1581 = arith.addi %tile3A, %add3A_1580 : vector<512x128xi32>
    %select_n3A_1582 = arith.select %lt3A_1578, %add3A_1581, %tile3A : vector<512x128xi1>, vector<512x128xi32>
    %reshape3A_1583 = vector.shape_cast %select_n3A_1582 : vector<512x128xi32> to vector<512x128x1xi32>
    %gather3A_1584 = vector.shape_cast %reshape3A_1583 : vector<512x128x1xi32> to vector<512x128xi32>
    %gather3A_1585 = tpu.dynamic_gather %slice3A_1575[%gather3A_1584] in [1] : vector<512x128xf32>, vector<512x128xi32> -> vector<512x128xf32>
    %eq3A_1586 = arith.constant 2 : i32
    %eq3A_1587 = vector.broadcast %eq3A_1586 : i32 to vector<512x128xi32>
    %eq3A_1588 = arith.cmpi eq, %select_n3A_444, %eq3A_1587 : vector<512x128xi32>
    %select_n3A_1589 = arith.select %eq3A_1588, %gather3A_1585, %select_n3A_1574 : vector<512x128xi1>, vector<512x128xf32>
    %slice3A_1590 = vector.extract_strided_slice %sub3A {offsets = [0, 9600], sizes = [512, 128], strides = [1, 1]} : vector<512x10240xf32> to vector<512x128xf32>
    %lt3A_1591 = arith.constant 0 : i32
    %lt3A_1592 = vector.broadcast %lt3A_1591 : i32 to vector<512x128xi32>
    %lt3A_1593 = arith.cmpi slt, %tile3A, %lt3A_1592 : vector<512x128xi32>
    %add3A_1594 = arith.constant 128 : i32
    %add3A_1595 = vector.broadcast %add3A_1594 : i32 to vector<512x128xi32>
    %add3A_1596 = arith.addi %tile3A, %add3A_1595 : vector<512x128xi32>
    %select_n3A_1597 = arith.select %lt3A_1593, %add3A_1596, %tile3A : vector<512x128xi1>, vector<512x128xi32>
    %reshape3A_1598 = vector.shape_cast %select_n3A_1597 : vector<512x128xi32> to vector<512x128x1xi32>
    %gather3A_1599 = vector.shape_cast %reshape3A_1598 : vector<512x128x1xi32> to vector<512x128xi32>
    %gather3A_1600 = tpu.dynamic_gather %slice3A_1590[%gather3A_1599] in [1] : vector<512x128xf32>, vector<512x128xi32> -> vector<512x128xf32>
    %eq3A_1601 = arith.constant 3 : i32
    %eq3A_1602 = vector.broadcast %eq3A_1601 : i32 to vector<512x128xi32>
    %eq3A_1603 = arith.cmpi eq, %select_n3A_444, %eq3A_1602 : vector<512x128xi32>
    %select_n3A_1604 = arith.select %eq3A_1603, %gather3A_1600, %select_n3A_1589 : vector<512x128xi1>, vector<512x128xf32>
    %slice3A_1605 = vector.extract_strided_slice %sub3A {offsets = [0, 9728], sizes = [512, 128], strides = [1, 1]} : vector<512x10240xf32> to vector<512x128xf32>
    %lt3A_1606 = arith.constant 0 : i32
    %lt3A_1607 = vector.broadcast %lt3A_1606 : i32 to vector<512x128xi32>
    %lt3A_1608 = arith.cmpi slt, %tile3A, %lt3A_1607 : vector<512x128xi32>
    %add3A_1609 = arith.constant 128 : i32
    %add3A_1610 = vector.broadcast %add3A_1609 : i32 to vector<512x128xi32>
    %add3A_1611 = arith.addi %tile3A, %add3A_1610 : vector<512x128xi32>
    %select_n3A_1612 = arith.select %lt3A_1608, %add3A_1611, %tile3A : vector<512x128xi1>, vector<512x128xi32>
    %reshape3A_1613 = vector.shape_cast %select_n3A_1612 : vector<512x128xi32> to vector<512x128x1xi32>
    %gather3A_1614 = vector.shape_cast %reshape3A_1613 : vector<512x128x1xi32> to vector<512x128xi32>
    %gather3A_1615 = tpu.dynamic_gather %slice3A_1605[%gather3A_1614] in [1] : vector<512x128xf32>, vector<512x128xi32> -> vector<512x128xf32>
    %eq3A_1616 = arith.constant 4 : i32
    %eq3A_1617 = vector.broadcast %eq3A_1616 : i32 to vector<512x128xi32>
    %eq3A_1618 = arith.cmpi eq, %select_n3A_444, %eq3A_1617 : vector<512x128xi32>
    %select_n3A_1619 = arith.select %eq3A_1618, %gather3A_1615, %select_n3A_1604 : vector<512x128xi1>, vector<512x128xf32>
    %slice3A_1620 = vector.extract_strided_slice %sub3A {offsets = [0, 9856], sizes = [512, 128], strides = [1, 1]} : vector<512x10240xf32> to vector<512x128xf32>
    %lt3A_1621 = arith.constant 0 : i32
    %lt3A_1622 = vector.broadcast %lt3A_1621 : i32 to vector<512x128xi32>
    %lt3A_1623 = arith.cmpi slt, %tile3A, %lt3A_1622 : vector<512x128xi32>
    %add3A_1624 = arith.constant 128 : i32
    %add3A_1625 = vector.broadcast %add3A_1624 : i32 to vector<512x128xi32>
    %add3A_1626 = arith.addi %tile3A, %add3A_1625 : vector<512x128xi32>
    %select_n3A_1627 = arith.select %lt3A_1623, %add3A_1626, %tile3A : vector<512x128xi1>, vector<512x128xi32>
    %reshape3A_1628 = vector.shape_cast %select_n3A_1627 : vector<512x128xi32> to vector<512x128x1xi32>
    %gather3A_1629 = vector.shape_cast %reshape3A_1628 : vector<512x128x1xi32> to vector<512x128xi32>
    %gather3A_1630 = tpu.dynamic_gather %slice3A_1620[%gather3A_1629] in [1] : vector<512x128xf32>, vector<512x128xi32> -> vector<512x128xf32>
    %eq3A_1631 = arith.constant 5 : i32
    %eq3A_1632 = vector.broadcast %eq3A_1631 : i32 to vector<512x128xi32>
    %eq3A_1633 = arith.cmpi eq, %select_n3A_444, %eq3A_1632 : vector<512x128xi32>
    %select_n3A_1634 = arith.select %eq3A_1633, %gather3A_1630, %select_n3A_1619 : vector<512x128xi1>, vector<512x128xf32>
    %slice3A_1635 = vector.extract_strided_slice %sub3A {offsets = [0, 9984], sizes = [512, 128], strides = [1, 1]} : vector<512x10240xf32> to vector<512x128xf32>
    %lt3A_1636 = arith.constant 0 : i32
    %lt3A_1637 = vector.broadcast %lt3A_1636 : i32 to vector<512x128xi32>
    %lt3A_1638 = arith.cmpi slt, %tile3A, %lt3A_1637 : vector<512x128xi32>
    %add3A_1639 = arith.constant 128 : i32
    %add3A_1640 = vector.broadcast %add3A_1639 : i32 to vector<512x128xi32>
    %add3A_1641 = arith.addi %tile3A, %add3A_1640 : vector<512x128xi32>
    %select_n3A_1642 = arith.select %lt3A_1638, %add3A_1641, %tile3A : vector<512x128xi1>, vector<512x128xi32>
    %reshape3A_1643 = vector.shape_cast %select_n3A_1642 : vector<512x128xi32> to vector<512x128x1xi32>
    %gather3A_1644 = vector.shape_cast %reshape3A_1643 : vector<512x128x1xi32> to vector<512x128xi32>
    %gather3A_1645 = tpu.dynamic_gather %slice3A_1635[%gather3A_1644] in [1] : vector<512x128xf32>, vector<512x128xi32> -> vector<512x128xf32>
    %eq3A_1646 = arith.constant 6 : i32
    %eq3A_1647 = vector.broadcast %eq3A_1646 : i32 to vector<512x128xi32>
    %eq3A_1648 = arith.cmpi eq, %select_n3A_444, %eq3A_1647 : vector<512x128xi32>
    %select_n3A_1649 = arith.select %eq3A_1648, %gather3A_1645, %select_n3A_1634 : vector<512x128xi1>, vector<512x128xf32>
    %slice3A_1650 = vector.extract_strided_slice %sub3A {offsets = [0, 10112], sizes = [512, 128], strides = [1, 1]} : vector<512x10240xf32> to vector<512x128xf32>
    %lt3A_1651 = arith.constant 0 : i32
    %lt3A_1652 = vector.broadcast %lt3A_1651 : i32 to vector<512x128xi32>
    %lt3A_1653 = arith.cmpi slt, %tile3A, %lt3A_1652 : vector<512x128xi32>
    %add3A_1654 = arith.constant 128 : i32
    %add3A_1655 = vector.broadcast %add3A_1654 : i32 to vector<512x128xi32>
    %add3A_1656 = arith.addi %tile3A, %add3A_1655 : vector<512x128xi32>
    %select_n3A_1657 = arith.select %lt3A_1653, %add3A_1656, %tile3A : vector<512x128xi1>, vector<512x128xi32>
    %reshape3A_1658 = vector.shape_cast %select_n3A_1657 : vector<512x128xi32> to vector<512x128x1xi32>
    %gather3A_1659 = vector.shape_cast %reshape3A_1658 : vector<512x128x1xi32> to vector<512x128xi32>
    %gather3A_1660 = tpu.dynamic_gather %slice3A_1650[%gather3A_1659] in [1] : vector<512x128xf32>, vector<512x128xi32> -> vector<512x128xf32>
    %eq3A_1661 = arith.constant 7 : i32
    %eq3A_1662 = vector.broadcast %eq3A_1661 : i32 to vector<512x128xi32>
    %eq3A_1663 = arith.cmpi eq, %select_n3A_444, %eq3A_1662 : vector<512x128xi32>
    %select_n3A_1664 = arith.select %eq3A_1663, %gather3A_1660, %select_n3A_1649 : vector<512x128xi1>, vector<512x128xf32>
    %add3A_1665 = arith.constant 72 : i32
    %add3A_1666 = vector.broadcast %add3A_1665 : i32 to vector<512x128xi32>
    %add3A_1667 = arith.addi %add3A_1666, %select_n3A_444 : vector<512x128xi32>
    %mul3A_1668 = arith.constant 128 : i32
    %mul3A_1669 = vector.broadcast %mul3A_1668 : i32 to vector<512x128xi32>
    %mul3A_1670 = arith.muli %mul3A_1669, %add3A_1667 : vector<512x128xi32>
    %add3A_1671 = arith.addi %mul3A_1670, %tile3A : vector<512x128xi32>
    %concatenate3A_1672 = tpu.concatenate %select_n3A_557, %select_n3A_680, %select_n3A_803, %select_n3A_926, %select_n3A_1049, %select_n3A_1172, %select_n3A_1295, %select_n3A_1418, %select_n3A_1541, %select_n3A_1664 in 1 : vector<512x128xf32>, vector<512x128xf32>, vector<512x128xf32>, vector<512x128xf32>, vector<512x128xf32>, vector<512x128xf32>, vector<512x128xf32>, vector<512x128xf32>, vector<512x128xf32>, vector<512x128xf32> -> vector<512x1280xf32>
    %concatenate3A_1673 = tpu.concatenate %add3A_564, %add3A_687, %add3A_810, %add3A_933, %add3A_1056, %add3A_1179, %add3A_1302, %add3A_1425, %add3A_1548, %add3A_1671 in 1 : vector<512x128xi32>, vector<512x128xi32>, vector<512x128xi32>, vector<512x128xi32>, vector<512x128xi32>, vector<512x128xi32>, vector<512x128xi32>, vector<512x128xi32>, vector<512x128xi32>, vector<512x128xi32> -> vector<512x1280xi32>
    %reduce_min3A_1674 = arith.constant dense<0x7F800000> : vector<512xf32>
    %reduce_min3A_1675 = vector.multi_reduction <minimumf>, %concatenate3A_1672, %reduce_min3A_1674 [1] : vector<512x1280xf32> to vector<512xf32>
    %broadcast_in_dim3A_1676 = vector.shape_cast %reduce_min3A_1675 : vector<512xf32> to vector<512x1xf32>
    %le3A_1677 = vector.broadcast %broadcast_in_dim3A_1676 : vector<512x1xf32> to vector<512x1280xf32>
    %le3A_1678 = arith.cmpf ole, %concatenate3A_1672, %le3A_1677 : vector<512x1280xf32>
    %jit3A_1679 = arith.constant 1073741824 : i32
    %broadcast_in_dim3A_1680 = vector.broadcast %jit3A_1679 : i32 to vector<512x1280xi32>
    %select_n3A_1681 = arith.select %le3A_1678, %concatenate3A_1673, %broadcast_in_dim3A_1680 : vector<512x1280xi1>, vector<512x1280xi32>
    %reduce_min3A_1682 = arith.constant dense<2147483647> : vector<512xi32>
    %reduce_min3A_1683 = vector.multi_reduction <minsi>, %select_n3A_1681, %reduce_min3A_1682 [1] : vector<512x1280xi32> to vector<512xi32>
    %broadcast_in_dim3A_1684 = vector.shape_cast %reduce_min3A_1683 : vector<512xi32> to vector<512x1xi32>
    %eq3A_1685 = vector.broadcast %broadcast_in_dim3A_1684 : vector<512x1xi32> to vector<512x1280xi32>
    %eq3A_1686 = arith.cmpi eq, %select_n3A_1681, %eq3A_1685 : vector<512x1280xi32>
    %jit3A_1687 = arith.constant 1.000000e+30 : f32
    %broadcast_in_dim3A_1688 = vector.broadcast %jit3A_1687 : f32 to vector<512x1280xf32>
    %select_n3A_1689 = arith.select %eq3A_1686, %broadcast_in_dim3A_1688, %concatenate3A_1672 : vector<512x1280xi1>, vector<512x1280xf32>
    %reduce_min3A_1690 = arith.constant dense<0x7F800000> : vector<512xf32>
    %reduce_min3A_1691 = vector.multi_reduction <minimumf>, %select_n3A_1689, %reduce_min3A_1690 [1] : vector<512x1280xf32> to vector<512xf32>
    %broadcast_in_dim3A_1692 = vector.shape_cast %reduce_min3A_1691 : vector<512xf32> to vector<512x1xf32>
    %le3A_1693 = vector.broadcast %broadcast_in_dim3A_1692 : vector<512x1xf32> to vector<512x1280xf32>
    %le3A_1694 = arith.cmpf ole, %select_n3A_1689, %le3A_1693 : vector<512x1280xf32>
    %jit3A_1695 = arith.constant 1073741824 : i32
    %broadcast_in_dim3A_1696 = vector.broadcast %jit3A_1695 : i32 to vector<512x1280xi32>
    %select_n3A_1697 = arith.select %le3A_1694, %concatenate3A_1673, %broadcast_in_dim3A_1696 : vector<512x1280xi1>, vector<512x1280xi32>
    %reduce_min3A_1698 = arith.constant dense<2147483647> : vector<512xi32>
    %reduce_min3A_1699 = vector.multi_reduction <minsi>, %select_n3A_1697, %reduce_min3A_1698 [1] : vector<512x1280xi32> to vector<512xi32>
    %broadcast_in_dim3A_1700 = vector.shape_cast %reduce_min3A_1699 : vector<512xi32> to vector<512x1xi32>
    %eq3A_1701 = vector.broadcast %broadcast_in_dim3A_1700 : vector<512x1xi32> to vector<512x1280xi32>
    %eq3A_1702 = arith.cmpi eq, %select_n3A_1697, %eq3A_1701 : vector<512x1280xi32>
    %jit3A_1703 = arith.constant 1.000000e+30 : f32
    %broadcast_in_dim3A_1704 = vector.broadcast %jit3A_1703 : f32 to vector<512x1280xf32>
    %select_n3A_1705 = arith.select %eq3A_1702, %broadcast_in_dim3A_1704, %select_n3A_1689 : vector<512x1280xi1>, vector<512x1280xf32>
    %reduce_min3A_1706 = arith.constant dense<0x7F800000> : vector<512xf32>
    %reduce_min3A_1707 = vector.multi_reduction <minimumf>, %select_n3A_1705, %reduce_min3A_1706 [1] : vector<512x1280xf32> to vector<512xf32>
    %broadcast_in_dim3A_1708 = vector.shape_cast %reduce_min3A_1707 : vector<512xf32> to vector<512x1xf32>
    %le3A_1709 = vector.broadcast %broadcast_in_dim3A_1708 : vector<512x1xf32> to vector<512x1280xf32>
    %le3A_1710 = arith.cmpf ole, %select_n3A_1705, %le3A_1709 : vector<512x1280xf32>
    %jit3A_1711 = arith.constant 1073741824 : i32
    %broadcast_in_dim3A_1712 = vector.broadcast %jit3A_1711 : i32 to vector<512x1280xi32>
    %select_n3A_1713 = arith.select %le3A_1710, %concatenate3A_1673, %broadcast_in_dim3A_1712 : vector<512x1280xi1>, vector<512x1280xi32>
    %reduce_min3A_1714 = arith.constant dense<2147483647> : vector<512xi32>
    %reduce_min3A_1715 = vector.multi_reduction <minsi>, %select_n3A_1713, %reduce_min3A_1714 [1] : vector<512x1280xi32> to vector<512xi32>
    %broadcast_in_dim3A_1716 = vector.shape_cast %reduce_min3A_1715 : vector<512xi32> to vector<512x1xi32>
    %eq3A_1717 = vector.broadcast %broadcast_in_dim3A_1716 : vector<512x1xi32> to vector<512x1280xi32>
    %eq3A_1718 = arith.cmpi eq, %select_n3A_1713, %eq3A_1717 : vector<512x1280xi32>
    %jit3A_1719 = arith.constant 1.000000e+30 : f32
    %broadcast_in_dim3A_1720 = vector.broadcast %jit3A_1719 : f32 to vector<512x1280xf32>
    %select_n3A_1721 = arith.select %eq3A_1718, %broadcast_in_dim3A_1720, %select_n3A_1705 : vector<512x1280xi1>, vector<512x1280xf32>
    %reduce_min3A_1722 = arith.constant dense<0x7F800000> : vector<512xf32>
    %reduce_min3A_1723 = vector.multi_reduction <minimumf>, %select_n3A_1721, %reduce_min3A_1722 [1] : vector<512x1280xf32> to vector<512xf32>
    %broadcast_in_dim3A_1724 = vector.shape_cast %reduce_min3A_1723 : vector<512xf32> to vector<512x1xf32>
    %le3A_1725 = vector.broadcast %broadcast_in_dim3A_1724 : vector<512x1xf32> to vector<512x1280xf32>
    %le3A_1726 = arith.cmpf ole, %select_n3A_1721, %le3A_1725 : vector<512x1280xf32>
    %jit3A_1727 = arith.constant 1073741824 : i32
    %broadcast_in_dim3A_1728 = vector.broadcast %jit3A_1727 : i32 to vector<512x1280xi32>
    %select_n3A_1729 = arith.select %le3A_1726, %concatenate3A_1673, %broadcast_in_dim3A_1728 : vector<512x1280xi1>, vector<512x1280xi32>
    %reduce_min3A_1730 = arith.constant dense<2147483647> : vector<512xi32>
    %reduce_min3A_1731 = vector.multi_reduction <minsi>, %select_n3A_1729, %reduce_min3A_1730 [1] : vector<512x1280xi32> to vector<512xi32>
    %broadcast_in_dim3A_1732 = vector.shape_cast %reduce_min3A_1731 : vector<512xi32> to vector<512x1xi32>
    %eq3A_1733 = vector.broadcast %broadcast_in_dim3A_1732 : vector<512x1xi32> to vector<512x1280xi32>
    %eq3A_1734 = arith.cmpi eq, %select_n3A_1729, %eq3A_1733 : vector<512x1280xi32>
    %jit3A_1735 = arith.constant 1.000000e+30 : f32
    %broadcast_in_dim3A_1736 = vector.broadcast %jit3A_1735 : f32 to vector<512x1280xf32>
    %select_n3A_1737 = arith.select %eq3A_1734, %broadcast_in_dim3A_1736, %select_n3A_1721 : vector<512x1280xi1>, vector<512x1280xf32>
    %reduce_min3A_1738 = arith.constant dense<0x7F800000> : vector<512xf32>
    %reduce_min3A_1739 = vector.multi_reduction <minimumf>, %select_n3A_1737, %reduce_min3A_1738 [1] : vector<512x1280xf32> to vector<512xf32>
    %broadcast_in_dim3A_1740 = vector.shape_cast %reduce_min3A_1739 : vector<512xf32> to vector<512x1xf32>
    %le3A_1741 = vector.broadcast %broadcast_in_dim3A_1740 : vector<512x1xf32> to vector<512x1280xf32>
    %le3A_1742 = arith.cmpf ole, %select_n3A_1737, %le3A_1741 : vector<512x1280xf32>
    %jit3A_1743 = arith.constant 1073741824 : i32
    %broadcast_in_dim3A_1744 = vector.broadcast %jit3A_1743 : i32 to vector<512x1280xi32>
    %select_n3A_1745 = arith.select %le3A_1742, %concatenate3A_1673, %broadcast_in_dim3A_1744 : vector<512x1280xi1>, vector<512x1280xi32>
    %reduce_min3A_1746 = arith.constant dense<2147483647> : vector<512xi32>
    %reduce_min3A_1747 = vector.multi_reduction <minsi>, %select_n3A_1745, %reduce_min3A_1746 [1] : vector<512x1280xi32> to vector<512xi32>
    %broadcast_in_dim3A_1748 = vector.shape_cast %reduce_min3A_1747 : vector<512xi32> to vector<512x1xi32>
    %eq3A_1749 = vector.broadcast %broadcast_in_dim3A_1748 : vector<512x1xi32> to vector<512x1280xi32>
    %eq3A_1750 = arith.cmpi eq, %select_n3A_1745, %eq3A_1749 : vector<512x1280xi32>
    %jit3A_1751 = arith.constant 1.000000e+30 : f32
    %broadcast_in_dim3A_1752 = vector.broadcast %jit3A_1751 : f32 to vector<512x1280xf32>
    %select_n3A_1753 = arith.select %eq3A_1750, %broadcast_in_dim3A_1752, %select_n3A_1737 : vector<512x1280xi1>, vector<512x1280xf32>
    %reduce_min3A_1754 = arith.constant dense<0x7F800000> : vector<512xf32>
    %reduce_min3A_1755 = vector.multi_reduction <minimumf>, %select_n3A_1753, %reduce_min3A_1754 [1] : vector<512x1280xf32> to vector<512xf32>
    %broadcast_in_dim3A_1756 = vector.shape_cast %reduce_min3A_1755 : vector<512xf32> to vector<512x1xf32>
    %le3A_1757 = vector.broadcast %broadcast_in_dim3A_1756 : vector<512x1xf32> to vector<512x1280xf32>
    %le3A_1758 = arith.cmpf ole, %select_n3A_1753, %le3A_1757 : vector<512x1280xf32>
    %jit3A_1759 = arith.constant 1073741824 : i32
    %broadcast_in_dim3A_1760 = vector.broadcast %jit3A_1759 : i32 to vector<512x1280xi32>
    %select_n3A_1761 = arith.select %le3A_1758, %concatenate3A_1673, %broadcast_in_dim3A_1760 : vector<512x1280xi1>, vector<512x1280xi32>
    %reduce_min3A_1762 = arith.constant dense<2147483647> : vector<512xi32>
    %reduce_min3A_1763 = vector.multi_reduction <minsi>, %select_n3A_1761, %reduce_min3A_1762 [1] : vector<512x1280xi32> to vector<512xi32>
    %broadcast_in_dim3A_1764 = vector.shape_cast %reduce_min3A_1763 : vector<512xi32> to vector<512x1xi32>
    %eq3A_1765 = vector.broadcast %broadcast_in_dim3A_1764 : vector<512x1xi32> to vector<512x1280xi32>
    %eq3A_1766 = arith.cmpi eq, %select_n3A_1761, %eq3A_1765 : vector<512x1280xi32>
    %jit3A_1767 = arith.constant 1.000000e+30 : f32
    %broadcast_in_dim3A_1768 = vector.broadcast %jit3A_1767 : f32 to vector<512x1280xf32>
    %select_n3A_1769 = arith.select %eq3A_1766, %broadcast_in_dim3A_1768, %select_n3A_1753 : vector<512x1280xi1>, vector<512x1280xf32>
    %reduce_min3A_1770 = arith.constant dense<0x7F800000> : vector<512xf32>
    %reduce_min3A_1771 = vector.multi_reduction <minimumf>, %select_n3A_1769, %reduce_min3A_1770 [1] : vector<512x1280xf32> to vector<512xf32>
    %broadcast_in_dim3A_1772 = vector.shape_cast %reduce_min3A_1771 : vector<512xf32> to vector<512x1xf32>
    %le3A_1773 = vector.broadcast %broadcast_in_dim3A_1772 : vector<512x1xf32> to vector<512x1280xf32>
    %le3A_1774 = arith.cmpf ole, %select_n3A_1769, %le3A_1773 : vector<512x1280xf32>
    %jit3A_1775 = arith.constant 1073741824 : i32
    %broadcast_in_dim3A_1776 = vector.broadcast %jit3A_1775 : i32 to vector<512x1280xi32>
    %select_n3A_1777 = arith.select %le3A_1774, %concatenate3A_1673, %broadcast_in_dim3A_1776 : vector<512x1280xi1>, vector<512x1280xi32>
    %reduce_min3A_1778 = arith.constant dense<2147483647> : vector<512xi32>
    %reduce_min3A_1779 = vector.multi_reduction <minsi>, %select_n3A_1777, %reduce_min3A_1778 [1] : vector<512x1280xi32> to vector<512xi32>
    %broadcast_in_dim3A_1780 = vector.shape_cast %reduce_min3A_1779 : vector<512xi32> to vector<512x1xi32>
    %eq3A_1781 = vector.broadcast %broadcast_in_dim3A_1780 : vector<512x1xi32> to vector<512x1280xi32>
    %eq3A_1782 = arith.cmpi eq, %select_n3A_1777, %eq3A_1781 : vector<512x1280xi32>
    %jit3A_1783 = arith.constant 1.000000e+30 : f32
    %broadcast_in_dim3A_1784 = vector.broadcast %jit3A_1783 : f32 to vector<512x1280xf32>
    %select_n3A_1785 = arith.select %eq3A_1782, %broadcast_in_dim3A_1784, %select_n3A_1769 : vector<512x1280xi1>, vector<512x1280xf32>
    %reduce_min3A_1786 = arith.constant dense<0x7F800000> : vector<512xf32>
    %reduce_min3A_1787 = vector.multi_reduction <minimumf>, %select_n3A_1785, %reduce_min3A_1786 [1] : vector<512x1280xf32> to vector<512xf32>
    %broadcast_in_dim3A_1788 = vector.shape_cast %reduce_min3A_1787 : vector<512xf32> to vector<512x1xf32>
    %le3A_1789 = vector.broadcast %broadcast_in_dim3A_1788 : vector<512x1xf32> to vector<512x1280xf32>
    %le3A_1790 = arith.cmpf ole, %select_n3A_1785, %le3A_1789 : vector<512x1280xf32>
    %jit3A_1791 = arith.constant 1073741824 : i32
    %broadcast_in_dim3A_1792 = vector.broadcast %jit3A_1791 : i32 to vector<512x1280xi32>
    %select_n3A_1793 = arith.select %le3A_1790, %concatenate3A_1673, %broadcast_in_dim3A_1792 : vector<512x1280xi1>, vector<512x1280xi32>
    %reduce_min3A_1794 = arith.constant dense<2147483647> : vector<512xi32>
    %reduce_min3A_1795 = vector.multi_reduction <minsi>, %select_n3A_1793, %reduce_min3A_1794 [1] : vector<512x1280xi32> to vector<512xi32>
    %broadcast_in_dim3A_1796 = vector.shape_cast %reduce_min3A_1795 : vector<512xi32> to vector<512x1xi32>
    %eq3A_1797 = vector.broadcast %broadcast_in_dim3A_1796 : vector<512x1xi32> to vector<512x1280xi32>
    %eq3A_1798 = arith.cmpi eq, %select_n3A_1793, %eq3A_1797 : vector<512x1280xi32>
    %jit3A_1799 = arith.constant 1.000000e+30 : f32
    %broadcast_in_dim3A_1800 = vector.broadcast %jit3A_1799 : f32 to vector<512x1280xf32>
    %select_n3A_1801 = arith.select %eq3A_1798, %broadcast_in_dim3A_1800, %select_n3A_1785 : vector<512x1280xi1>, vector<512x1280xf32>
    %reduce_min3A_1802 = arith.constant dense<0x7F800000> : vector<512xf32>
    %reduce_min3A_1803 = vector.multi_reduction <minimumf>, %select_n3A_1801, %reduce_min3A_1802 [1] : vector<512x1280xf32> to vector<512xf32>
    %broadcast_in_dim3A_1804 = vector.shape_cast %reduce_min3A_1803 : vector<512xf32> to vector<512x1xf32>
    %le3A_1805 = vector.broadcast %broadcast_in_dim3A_1804 : vector<512x1xf32> to vector<512x1280xf32>
    %le3A_1806 = arith.cmpf ole, %select_n3A_1801, %le3A_1805 : vector<512x1280xf32>
    %jit3A_1807 = arith.constant 1073741824 : i32
    %broadcast_in_dim3A_1808 = vector.broadcast %jit3A_1807 : i32 to vector<512x1280xi32>
    %select_n3A_1809 = arith.select %le3A_1806, %concatenate3A_1673, %broadcast_in_dim3A_1808 : vector<512x1280xi1>, vector<512x1280xi32>
    %reduce_min3A_1810 = arith.constant dense<2147483647> : vector<512xi32>
    %reduce_min3A_1811 = vector.multi_reduction <minsi>, %select_n3A_1809, %reduce_min3A_1810 [1] : vector<512x1280xi32> to vector<512xi32>
    %broadcast_in_dim3A_1812 = vector.shape_cast %reduce_min3A_1811 : vector<512xi32> to vector<512x1xi32>
    %eq3A_1813 = vector.broadcast %broadcast_in_dim3A_1812 : vector<512x1xi32> to vector<512x1280xi32>
    %eq3A_1814 = arith.cmpi eq, %select_n3A_1809, %eq3A_1813 : vector<512x1280xi32>
    %jit3A_1815 = arith.constant 1.000000e+30 : f32
    %broadcast_in_dim3A_1816 = vector.broadcast %jit3A_1815 : f32 to vector<512x1280xf32>
    %select_n3A_1817 = arith.select %eq3A_1814, %broadcast_in_dim3A_1816, %select_n3A_1801 : vector<512x1280xi1>, vector<512x1280xf32>
    %reduce_min3A_1818 = arith.constant dense<0x7F800000> : vector<512xf32>
    %reduce_min3A_1819 = vector.multi_reduction <minimumf>, %select_n3A_1817, %reduce_min3A_1818 [1] : vector<512x1280xf32> to vector<512xf32>
    %broadcast_in_dim3A_1820 = vector.shape_cast %reduce_min3A_1819 : vector<512xf32> to vector<512x1xf32>
    %le3A_1821 = vector.broadcast %broadcast_in_dim3A_1820 : vector<512x1xf32> to vector<512x1280xf32>
    %le3A_1822 = arith.cmpf ole, %select_n3A_1817, %le3A_1821 : vector<512x1280xf32>
    %jit3A_1823 = arith.constant 1073741824 : i32
    %broadcast_in_dim3A_1824 = vector.broadcast %jit3A_1823 : i32 to vector<512x1280xi32>
    %select_n3A_1825 = arith.select %le3A_1822, %concatenate3A_1673, %broadcast_in_dim3A_1824 : vector<512x1280xi1>, vector<512x1280xi32>
    %reduce_min3A_1826 = arith.constant dense<2147483647> : vector<512xi32>
    %reduce_min3A_1827 = vector.multi_reduction <minsi>, %select_n3A_1825, %reduce_min3A_1826 [1] : vector<512x1280xi32> to vector<512xi32>
    %broadcast_in_dim3A_1828 = vector.shape_cast %reduce_min3A_1827 : vector<512xi32> to vector<512x1xi32>
    %eq3A_1829 = vector.broadcast %broadcast_in_dim3A_1828 : vector<512x1xi32> to vector<512x1280xi32>
    %eq3A_1830 = arith.cmpi eq, %select_n3A_1825, %eq3A_1829 : vector<512x1280xi32>
    %jit3A_1831 = arith.constant 1.000000e+30 : f32
    %broadcast_in_dim3A_1832 = vector.broadcast %jit3A_1831 : f32 to vector<512x1280xf32>
    %select_n3A_1833 = arith.select %eq3A_1830, %broadcast_in_dim3A_1832, %select_n3A_1817 : vector<512x1280xi1>, vector<512x1280xf32>
    %reduce_min3A_1834 = arith.constant dense<0x7F800000> : vector<512xf32>
    %reduce_min3A_1835 = vector.multi_reduction <minimumf>, %select_n3A_1833, %reduce_min3A_1834 [1] : vector<512x1280xf32> to vector<512xf32>
    %broadcast_in_dim3A_1836 = vector.shape_cast %reduce_min3A_1835 : vector<512xf32> to vector<512x1xf32>
    %le3A_1837 = vector.broadcast %broadcast_in_dim3A_1836 : vector<512x1xf32> to vector<512x1280xf32>
    %le3A_1838 = arith.cmpf ole, %select_n3A_1833, %le3A_1837 : vector<512x1280xf32>
    %jit3A_1839 = arith.constant 1073741824 : i32
    %broadcast_in_dim3A_1840 = vector.broadcast %jit3A_1839 : i32 to vector<512x1280xi32>
    %select_n3A_1841 = arith.select %le3A_1838, %concatenate3A_1673, %broadcast_in_dim3A_1840 : vector<512x1280xi1>, vector<512x1280xi32>
    %reduce_min3A_1842 = arith.constant dense<2147483647> : vector<512xi32>
    %reduce_min3A_1843 = vector.multi_reduction <minsi>, %select_n3A_1841, %reduce_min3A_1842 [1] : vector<512x1280xi32> to vector<512xi32>
    %broadcast_in_dim3A_1844 = vector.shape_cast %reduce_min3A_1843 : vector<512xi32> to vector<512x1xi32>
    %eq3A_1845 = vector.broadcast %broadcast_in_dim3A_1844 : vector<512x1xi32> to vector<512x1280xi32>
    %eq3A_1846 = arith.cmpi eq, %select_n3A_1841, %eq3A_1845 : vector<512x1280xi32>
    %jit3A_1847 = arith.constant 1.000000e+30 : f32
    %broadcast_in_dim3A_1848 = vector.broadcast %jit3A_1847 : f32 to vector<512x1280xf32>
    %select_n3A_1849 = arith.select %eq3A_1846, %broadcast_in_dim3A_1848, %select_n3A_1833 : vector<512x1280xi1>, vector<512x1280xf32>
    %reduce_min3A_1850 = arith.constant dense<0x7F800000> : vector<512xf32>
    %reduce_min3A_1851 = vector.multi_reduction <minimumf>, %select_n3A_1849, %reduce_min3A_1850 [1] : vector<512x1280xf32> to vector<512xf32>
    %broadcast_in_dim3A_1852 = vector.shape_cast %reduce_min3A_1851 : vector<512xf32> to vector<512x1xf32>
    %le3A_1853 = vector.broadcast %broadcast_in_dim3A_1852 : vector<512x1xf32> to vector<512x1280xf32>
    %le3A_1854 = arith.cmpf ole, %select_n3A_1849, %le3A_1853 : vector<512x1280xf32>
    %jit3A_1855 = arith.constant 1073741824 : i32
    %broadcast_in_dim3A_1856 = vector.broadcast %jit3A_1855 : i32 to vector<512x1280xi32>
    %select_n3A_1857 = arith.select %le3A_1854, %concatenate3A_1673, %broadcast_in_dim3A_1856 : vector<512x1280xi1>, vector<512x1280xi32>
    %reduce_min3A_1858 = arith.constant dense<2147483647> : vector<512xi32>
    %reduce_min3A_1859 = vector.multi_reduction <minsi>, %select_n3A_1857, %reduce_min3A_1858 [1] : vector<512x1280xi32> to vector<512xi32>
    %broadcast_in_dim3A_1860 = vector.shape_cast %reduce_min3A_1859 : vector<512xi32> to vector<512x1xi32>
    %eq3A_1861 = vector.broadcast %broadcast_in_dim3A_1860 : vector<512x1xi32> to vector<512x1280xi32>
    %eq3A_1862 = arith.cmpi eq, %select_n3A_1857, %eq3A_1861 : vector<512x1280xi32>
    %jit3A_1863 = arith.constant 1.000000e+30 : f32
    %broadcast_in_dim3A_1864 = vector.broadcast %jit3A_1863 : f32 to vector<512x1280xf32>
    %select_n3A_1865 = arith.select %eq3A_1862, %broadcast_in_dim3A_1864, %select_n3A_1849 : vector<512x1280xi1>, vector<512x1280xf32>
    %reduce_min3A_1866 = arith.constant dense<0x7F800000> : vector<512xf32>
    %reduce_min3A_1867 = vector.multi_reduction <minimumf>, %select_n3A_1865, %reduce_min3A_1866 [1] : vector<512x1280xf32> to vector<512xf32>
    %broadcast_in_dim3A_1868 = vector.shape_cast %reduce_min3A_1867 : vector<512xf32> to vector<512x1xf32>
    %le3A_1869 = vector.broadcast %broadcast_in_dim3A_1868 : vector<512x1xf32> to vector<512x1280xf32>
    %le3A_1870 = arith.cmpf ole, %select_n3A_1865, %le3A_1869 : vector<512x1280xf32>
    %jit3A_1871 = arith.constant 1073741824 : i32
    %broadcast_in_dim3A_1872 = vector.broadcast %jit3A_1871 : i32 to vector<512x1280xi32>
    %select_n3A_1873 = arith.select %le3A_1870, %concatenate3A_1673, %broadcast_in_dim3A_1872 : vector<512x1280xi1>, vector<512x1280xi32>
    %reduce_min3A_1874 = arith.constant dense<2147483647> : vector<512xi32>
    %reduce_min3A_1875 = vector.multi_reduction <minsi>, %select_n3A_1873, %reduce_min3A_1874 [1] : vector<512x1280xi32> to vector<512xi32>
    %broadcast_in_dim3A_1876 = vector.shape_cast %reduce_min3A_1875 : vector<512xi32> to vector<512x1xi32>
    %eq3A_1877 = vector.broadcast %broadcast_in_dim3A_1876 : vector<512x1xi32> to vector<512x1280xi32>
    %eq3A_1878 = arith.cmpi eq, %select_n3A_1873, %eq3A_1877 : vector<512x1280xi32>
    %jit3A_1879 = arith.constant 1.000000e+30 : f32
    %broadcast_in_dim3A_1880 = vector.broadcast %jit3A_1879 : f32 to vector<512x1280xf32>
    %select_n3A_1881 = arith.select %eq3A_1878, %broadcast_in_dim3A_1880, %select_n3A_1865 : vector<512x1280xi1>, vector<512x1280xf32>
    %reduce_min3A_1882 = arith.constant dense<0x7F800000> : vector<512xf32>
    %reduce_min3A_1883 = vector.multi_reduction <minimumf>, %select_n3A_1881, %reduce_min3A_1882 [1] : vector<512x1280xf32> to vector<512xf32>
    %broadcast_in_dim3A_1884 = vector.shape_cast %reduce_min3A_1883 : vector<512xf32> to vector<512x1xf32>
    %le3A_1885 = vector.broadcast %broadcast_in_dim3A_1884 : vector<512x1xf32> to vector<512x1280xf32>
    %le3A_1886 = arith.cmpf ole, %select_n3A_1881, %le3A_1885 : vector<512x1280xf32>
    %jit3A_1887 = arith.constant 1073741824 : i32
    %broadcast_in_dim3A_1888 = vector.broadcast %jit3A_1887 : i32 to vector<512x1280xi32>
    %select_n3A_1889 = arith.select %le3A_1886, %concatenate3A_1673, %broadcast_in_dim3A_1888 : vector<512x1280xi1>, vector<512x1280xi32>
    %reduce_min3A_1890 = arith.constant dense<2147483647> : vector<512xi32>
    %reduce_min3A_1891 = vector.multi_reduction <minsi>, %select_n3A_1889, %reduce_min3A_1890 [1] : vector<512x1280xi32> to vector<512xi32>
    %broadcast_in_dim3A_1892 = vector.shape_cast %reduce_min3A_1891 : vector<512xi32> to vector<512x1xi32>
    %eq3A_1893 = vector.broadcast %broadcast_in_dim3A_1892 : vector<512x1xi32> to vector<512x1280xi32>
    %eq3A_1894 = arith.cmpi eq, %select_n3A_1889, %eq3A_1893 : vector<512x1280xi32>
    %jit3A_1895 = arith.constant 1.000000e+30 : f32
    %broadcast_in_dim3A_1896 = vector.broadcast %jit3A_1895 : f32 to vector<512x1280xf32>
    %select_n3A_1897 = arith.select %eq3A_1894, %broadcast_in_dim3A_1896, %select_n3A_1881 : vector<512x1280xi1>, vector<512x1280xf32>
    %reduce_min3A_1898 = arith.constant dense<0x7F800000> : vector<512xf32>
    %reduce_min3A_1899 = vector.multi_reduction <minimumf>, %select_n3A_1897, %reduce_min3A_1898 [1] : vector<512x1280xf32> to vector<512xf32>
    %broadcast_in_dim3A_1900 = vector.shape_cast %reduce_min3A_1899 : vector<512xf32> to vector<512x1xf32>
    %le3A_1901 = vector.broadcast %broadcast_in_dim3A_1900 : vector<512x1xf32> to vector<512x1280xf32>
    %le3A_1902 = arith.cmpf ole, %select_n3A_1897, %le3A_1901 : vector<512x1280xf32>
    %jit3A_1903 = arith.constant 1073741824 : i32
    %broadcast_in_dim3A_1904 = vector.broadcast %jit3A_1903 : i32 to vector<512x1280xi32>
    %select_n3A_1905 = arith.select %le3A_1902, %concatenate3A_1673, %broadcast_in_dim3A_1904 : vector<512x1280xi1>, vector<512x1280xi32>
    %reduce_min3A_1906 = arith.constant dense<2147483647> : vector<512xi32>
    %reduce_min3A_1907 = vector.multi_reduction <minsi>, %select_n3A_1905, %reduce_min3A_1906 [1] : vector<512x1280xi32> to vector<512xi32>
    %broadcast_in_dim3A_1908 = vector.shape_cast %reduce_min3A_1907 : vector<512xi32> to vector<512x1xi32>
    %eq3A_1909 = vector.broadcast %broadcast_in_dim3A_1908 : vector<512x1xi32> to vector<512x1280xi32>
    %eq3A_1910 = arith.cmpi eq, %select_n3A_1905, %eq3A_1909 : vector<512x1280xi32>
    %jit3A_1911 = arith.constant 1.000000e+30 : f32
    %broadcast_in_dim3A_1912 = vector.broadcast %jit3A_1911 : f32 to vector<512x1280xf32>
    %select_n3A_1913 = arith.select %eq3A_1910, %broadcast_in_dim3A_1912, %select_n3A_1897 : vector<512x1280xi1>, vector<512x1280xf32>
    %reduce_min3A_1914 = arith.constant dense<0x7F800000> : vector<512xf32>
    %reduce_min3A_1915 = vector.multi_reduction <minimumf>, %select_n3A_1913, %reduce_min3A_1914 [1] : vector<512x1280xf32> to vector<512xf32>
    %broadcast_in_dim3A_1916 = vector.shape_cast %reduce_min3A_1915 : vector<512xf32> to vector<512x1xf32>
    %le3A_1917 = vector.broadcast %broadcast_in_dim3A_1916 : vector<512x1xf32> to vector<512x1280xf32>
    %le3A_1918 = arith.cmpf ole, %select_n3A_1913, %le3A_1917 : vector<512x1280xf32>
    %jit3A_1919 = arith.constant 1073741824 : i32
    %broadcast_in_dim3A_1920 = vector.broadcast %jit3A_1919 : i32 to vector<512x1280xi32>
    %select_n3A_1921 = arith.select %le3A_1918, %concatenate3A_1673, %broadcast_in_dim3A_1920 : vector<512x1280xi1>, vector<512x1280xi32>
    %reduce_min3A_1922 = arith.constant dense<2147483647> : vector<512xi32>
    %reduce_min3A_1923 = vector.multi_reduction <minsi>, %select_n3A_1921, %reduce_min3A_1922 [1] : vector<512x1280xi32> to vector<512xi32>
    %broadcast_in_dim3A_1924 = vector.shape_cast %reduce_min3A_1923 : vector<512xi32> to vector<512x1xi32>
    %concatenate3A_1925 = tpu.concatenate %broadcast_in_dim3A_1684, %broadcast_in_dim3A_1700, %broadcast_in_dim3A_1716, %broadcast_in_dim3A_1732, %broadcast_in_dim3A_1748, %broadcast_in_dim3A_1764, %broadcast_in_dim3A_1780, %broadcast_in_dim3A_1796, %broadcast_in_dim3A_1812, %broadcast_in_dim3A_1828, %broadcast_in_dim3A_1844, %broadcast_in_dim3A_1860, %broadcast_in_dim3A_1876, %broadcast_in_dim3A_1892, %broadcast_in_dim3A_1908, %broadcast_in_dim3A_1924 in 1 : vector<512x1xi32>, vector<512x1xi32>, vector<512x1xi32>, vector<512x1xi32>, vector<512x1xi32>, vector<512x1xi32>, vector<512x1xi32>, vector<512x1xi32>, vector<512x1xi32>, vector<512x1xi32>, vector<512x1xi32>, vector<512x1xi32>, vector<512x1xi32>, vector<512x1xi32>, vector<512x1xi32>, vector<512x1xi32> -> vector<512x16xi32>
    %swap3A = arith.constant 0 : index
    %swap3A_1926 = arith.constant 0 : index
    %swap3A_1927 = vector.load %arg3[%swap3A, %swap3A_1926] : memref<512x16xi32, #tpu.memory_space<vmem>>, vector<512x16xi32>
    tpu.vector_store %arg3[%swap3A, %swap3A_1926], %concatenate3A_1925 {strides = array<i32>} : memref<512x16xi32, #tpu.memory_space<vmem>>, vector<512x16xi32>,
    return
  }
  func.func @transform_0(%arg0: i32) -> (i32, i32) {
    %c0_i32 = arith.constant 0 : i32
    %c0_i32_0 = arith.constant 0 : i32
    return %arg0, %c0_i32 : i32, i32
  }
  func.func @transform_1(%arg0: i32) -> (i32, i32) {
    %c0_i32 = arith.constant 0 : i32
    %c0_i32_0 = arith.constant 0 : i32
    %c0_i32_1 = arith.constant 0 : i32
    return %c0_i32, %c0_i32_0 : i32, i32
  }
  func.func @transform_2(%arg0: i32) -> (i32, i32) {
    %c0_i32 = arith.constant 0 : i32
    %c0_i32_0 = arith.constant 0 : i32
    return %arg0, %c0_i32 : i32, i32
  }
}

module attributes {stable_mosaic.version = 14 : i64} {
  func.func @_convin_body(%arg0: i32, %arg1: memref<1024x128xf32, #tpu.memory_space<vmem>>, %arg2: memref<128x32xf32, #tpu.memory_space<vmem>>, %arg3: memref<1x32xf32, #tpu.memory_space<vmem>>, %arg4: memref<1024x32xf32, #tpu.memory_space<vmem>>) attributes {dimension_semantics = [#tpu.dimension_semantics<arbitrary>], iteration_bounds = array<i64: 10>, scalar_prefetch = 0 : i64, scratch_operands = 0 : i64, tpu.core_type = #tpu.core_type<tc>, window_params = [{transform_indices = @transform_0, window_bounds = array<i64: 1024, 128>}, {pipeline_mode = #tpu.pipeline_mode<synchronous>, transform_indices = @transform_1, window_bounds = array<i64: 128, 32>}, {pipeline_mode = #tpu.pipeline_mode<synchronous>, transform_indices = @transform_2, window_bounds = array<i64: 1, 32>}, {transform_indices = @transform_3, window_bounds = array<i64: 1024, 32>}]} {
    %get3A = arith.constant 0 : index
    %get3A_0 = arith.constant 0 : index
    %get3A_1 = vector.load %arg1[%get3A, %get3A_0] : memref<1024x128xf32, #tpu.memory_space<vmem>>, vector<1024x128xf32>
    %get3A_2 = arith.constant 0 : index
    %get3A_3 = arith.constant 0 : index
    %get3A_4 = vector.load %arg2[%get3A_2, %get3A_3] : memref<128x32xf32, #tpu.memory_space<vmem>>, vector<128x32xf32>
    %dot_general3A = arith.constant dense<0.000000e+00> : vector<1024x32xf32>
    %dot_general3A_5 = tpu.matmul %get3A_1, %get3A_4, %dot_general3A {dimension_numbers = #tpu.dot_dimension_numbers<[1], [0], [0], [1], [0, 0, 1, 1], [], []>, transpose_lhs_hint = false} : vector<1024x128xf32>, vector<128x32xf32>, vector<1024x32xf32> -> vector<1024x32xf32>
    %get3A_6 = arith.constant 0 : index
    %get3A_7 = arith.constant 0 : index
    %get3A_8 = vector.load %arg3[%get3A_6, %get3A_7] : memref<1x32xf32, #tpu.memory_space<vmem>>, vector<1x32xf32>
    %add3A = vector.broadcast %get3A_8 : vector<1x32xf32> to vector<1024x32xf32>
    %add3A_9 = arith.addf %dot_general3A_5, %add3A : vector<1024x32xf32>
    %swap3A = arith.constant 0 : index
    %swap3A_10 = arith.constant 0 : index
    %swap3A_11 = vector.load %arg4[%swap3A, %swap3A_10] : memref<1024x32xf32, #tpu.memory_space<vmem>>, vector<1024x32xf32>
    tpu.vector_store %arg4[%swap3A, %swap3A_10], %add3A_9 {strides = array<i32>} : memref<1024x32xf32, #tpu.memory_space<vmem>>, vector<1024x32xf32>,
    return
  }
  func.func @transform_0(%arg0: i32) -> (i32, i32) {
    %c0_i32 = arith.constant 0 : i32
    %c0_i32_0 = arith.constant 0 : i32
    return %arg0, %c0_i32 : i32, i32
  }
  func.func @transform_1(%arg0: i32) -> (i32, i32) {
    %c0_i32 = arith.constant 0 : i32
    %c0_i32_0 = arith.constant 0 : i32
    %c0_i32_1 = arith.constant 0 : i32
    return %c0_i32, %c0_i32_0 : i32, i32
  }
  func.func @transform_2(%arg0: i32) -> (i32, i32) {
    %c0_i32 = arith.constant 0 : i32
    %c0_i32_0 = arith.constant 0 : i32
    %c0_i32_1 = arith.constant 0 : i32
    return %c0_i32, %c0_i32_0 : i32, i32
  }
  func.func @transform_3(%arg0: i32) -> (i32, i32) {
    %c0_i32 = arith.constant 0 : i32
    %c0_i32_0 = arith.constant 0 : i32
    return %arg0, %c0_i32 : i32, i32
  }
}

module attributes {stable_mosaic.version = 14 : i64} {
  func.func @_agg_body(%arg0: i32, %arg1: memref<4096x128xf32, #tpu.memory_space<vmem>>, %arg2: memref<4096x8xf32, #tpu.memory_space<vmem>>, %arg3: memref<32x512xf32, #tpu.memory_space<vmem>>, %arg4: memref<512x128xf32, #tpu.memory_space<vmem>>, %arg5: memref<1x128xf32, #tpu.memory_space<vmem>>, %arg6: memref<8x512xf32, #tpu.memory_space<vmem>>, %arg7: memref<16x512xf32, #tpu.memory_space<vmem>>, %arg8: memref<256x128xf32, #tpu.memory_space<vmem>>) attributes {dimension_semantics = [#tpu.dimension_semantics<arbitrary>], iteration_bounds = array<i64: 40>, scalar_prefetch = 0 : i64, scratch_operands = 0 : i64, tpu.core_type = #tpu.core_type<tc>, window_params = [{transform_indices = @transform_0, window_bounds = array<i64: 4096, 128>}, {transform_indices = @transform_1, window_bounds = array<i64: 4096, 8>}, {pipeline_mode = #tpu.pipeline_mode<synchronous>, transform_indices = @transform_2, window_bounds = array<i64: 32, 512>}, {pipeline_mode = #tpu.pipeline_mode<synchronous>, transform_indices = @transform_3, window_bounds = array<i64: 512, 128>}, {pipeline_mode = #tpu.pipeline_mode<synchronous>, transform_indices = @transform_4, window_bounds = array<i64: 1, 128>}, {pipeline_mode = #tpu.pipeline_mode<synchronous>, transform_indices = @transform_5, window_bounds = array<i64: 8, 512>}, {pipeline_mode = #tpu.pipeline_mode<synchronous>, transform_indices = @transform_6, window_bounds = array<i64: 16, 512>}, {transform_indices = @transform_7, window_bounds = array<i64: 256, 128>}]} {
    %get3A = arith.constant 0 : index
    %get3A_0 = arith.constant 0 : index
    %get3A_1 = vector.load %arg1[%get3A, %get3A_0] : memref<4096x128xf32, #tpu.memory_space<vmem>>, vector<4096x128xf32>
    %slice3A = vector.extract_strided_slice %get3A_1 {offsets = [0, 0], sizes = [4096, 32], strides = [1, 1]} : vector<4096x128xf32> to vector<4096x32xf32>
    %get3A_2 = arith.constant 0 : index
    %get3A_3 = arith.constant 0 : index
    %get3A_4 = vector.load %arg3[%get3A_2, %get3A_3] : memref<32x512xf32, #tpu.memory_space<vmem>>, vector<32x512xf32>
    %dot_general3A = arith.constant dense<0.000000e+00> : vector<4096x512xf32>
    %dot_general3A_5 = tpu.matmul %slice3A, %get3A_4, %dot_general3A {dimension_numbers = #tpu.dot_dimension_numbers<[1], [0], [0], [1], [0, 0, 1, 1], [], []>, transpose_lhs_hint = false} : vector<4096x32xf32>, vector<32x512xf32>, vector<4096x512xf32> -> vector<4096x512xf32>
    %slice3A_6 = vector.extract_strided_slice %get3A_1 {offsets = [0, 32], sizes = [4096, 1], strides = [1, 1]} : vector<4096x128xf32> to vector<4096x1xf32>
    %get3A_7 = arith.constant 0 : index
    %get3A_8 = arith.constant 0 : index
    %get3A_9 = vector.load %arg2[%get3A_7, %get3A_8] : memref<4096x8xf32, #tpu.memory_space<vmem>>, vector<4096x1xf32>
    %sub3A = arith.subf %slice3A_6, %get3A_9 : vector<4096x1xf32>
    %slice3A_10 = vector.extract_strided_slice %get3A_1 {offsets = [0, 33], sizes = [4096, 1], strides = [1, 1]} : vector<4096x128xf32> to vector<4096x1xf32>
    %get3A_11 = arith.constant 0 : index
    %get3A_12 = arith.constant 1 : index
    %get3A_13 = vector.load %arg2[%get3A_11, %get3A_12] : memref<4096x8xf32, #tpu.memory_space<vmem>>, vector<4096x1xf32>
    %sub3A_14 = arith.subf %slice3A_10, %get3A_13 : vector<4096x1xf32>
    %slice3A_15 = vector.extract_strided_slice %get3A_1 {offsets = [0, 34], sizes = [4096, 1], strides = [1, 1]} : vector<4096x128xf32> to vector<4096x1xf32>
    %get3A_16 = arith.constant 0 : index
    %get3A_17 = arith.constant 2 : index
    %get3A_18 = vector.load %arg2[%get3A_16, %get3A_17] : memref<4096x8xf32, #tpu.memory_space<vmem>>, vector<4096x1xf32>
    %sub3A_19 = arith.subf %slice3A_15, %get3A_18 : vector<4096x1xf32>
    %mul3A = arith.mulf %sub3A, %sub3A : vector<4096x1xf32>
    %mul3A_20 = arith.mulf %sub3A_14, %sub3A_14 : vector<4096x1xf32>
    %add3A = arith.addf %mul3A, %mul3A_20 : vector<4096x1xf32>
    %mul3A_21 = arith.mulf %sub3A_19, %sub3A_19 : vector<4096x1xf32>
    %add3A_22 = arith.addf %add3A, %mul3A_21 : vector<4096x1xf32>
    %le3A = arith.constant 0.00999999977 : f32
    %le3A_23 = vector.broadcast %le3A : f32 to vector<4096x1xf32>
    %le3A_24 = arith.cmpf ole, %add3A_22, %le3A_23 : vector<4096x1xf32>
    %convert_element_type3A = arith.extui %le3A_24 : vector<4096x1xi1> to vector<4096x1xi32>
    %convert_element_type3A_25 = arith.sitofp %convert_element_type3A : vector<4096x1xi32> to vector<4096x1xf32>
    %get3A_26 = arith.constant 0 : index
    %get3A_27 = arith.constant 0 : index
    %get3A_28 = vector.load %arg6[%get3A_26, %get3A_27] : memref<8x512xf32, #tpu.memory_space<vmem>>, vector<1x16xf32>
    %sub3A_29 = vector.broadcast %sub3A : vector<4096x1xf32> to vector<4096x16xf32>
    %sub3A_30 = vector.broadcast %get3A_28 : vector<1x16xf32> to vector<4096x16xf32>
    %sub3A_31 = arith.subf %sub3A_29, %sub3A_30 : vector<4096x16xf32>
    %get3A_32 = arith.constant 1 : index
    %get3A_33 = arith.constant 0 : index
    %get3A_34 = vector.load %arg6[%get3A_32, %get3A_33] : memref<8x512xf32, #tpu.memory_space<vmem>>, vector<1x16xf32>
    %sub3A_35 = vector.broadcast %sub3A_14 : vector<4096x1xf32> to vector<4096x16xf32>
    %sub3A_36 = vector.broadcast %get3A_34 : vector<1x16xf32> to vector<4096x16xf32>
    %sub3A_37 = arith.subf %sub3A_35, %sub3A_36 : vector<4096x16xf32>
    %get3A_38 = arith.constant 2 : index
    %get3A_39 = arith.constant 0 : index
    %get3A_40 = vector.load %arg6[%get3A_38, %get3A_39] : memref<8x512xf32, #tpu.memory_space<vmem>>, vector<1x16xf32>
    %sub3A_41 = vector.broadcast %sub3A_19 : vector<4096x1xf32> to vector<4096x16xf32>
    %sub3A_42 = vector.broadcast %get3A_40 : vector<1x16xf32> to vector<4096x16xf32>
    %sub3A_43 = arith.subf %sub3A_41, %sub3A_42 : vector<4096x16xf32>
    %mul3A_44 = arith.mulf %sub3A_31, %sub3A_31 : vector<4096x16xf32>
    %mul3A_45 = arith.mulf %sub3A_37, %sub3A_37 : vector<4096x16xf32>
    %add3A_46 = arith.addf %mul3A_44, %mul3A_45 : vector<4096x16xf32>
    %mul3A_47 = arith.mulf %sub3A_43, %sub3A_43 : vector<4096x16xf32>
    %add3A_48 = arith.addf %add3A_46, %mul3A_47 : vector<4096x16xf32>
    %add3A_49 = arith.constant 9.99999996E-13 : f32
    %add3A_50 = vector.broadcast %add3A_49 : f32 to vector<4096x16xf32>
    %add3A_51 = arith.addf %add3A_48, %add3A_50 : vector<4096x16xf32>
    %sqrt3A = math.sqrt %add3A_51 : vector<4096x16xf32>
    %div3A = arith.constant 8.000000e-02 : f32
    %div3A_52 = vector.broadcast %div3A : f32 to vector<4096x16xf32>
    %div3A_53 = arith.divf %sqrt3A, %div3A_52 : vector<4096x16xf32>
    %sub3A_54 = arith.constant 1.000000e+00 : f32
    %sub3A_55 = vector.broadcast %sub3A_54 : f32 to vector<4096x16xf32>
    %sub3A_56 = arith.subf %sub3A_55, %div3A_53 : vector<4096x16xf32>
    %max3A = arith.constant 0.000000e+00 : f32
    %max3A_57 = vector.broadcast %max3A : f32 to vector<4096x16xf32>
    %max3A_58 = arith.maximumf %max3A_57, %sub3A_56 : vector<4096x16xf32>
    %mul3A_59 = vector.broadcast %convert_element_type3A_25 : vector<4096x1xf32> to vector<4096x16xf32>
    %mul3A_60 = arith.mulf %max3A_58, %mul3A_59 : vector<4096x16xf32>
    %get3A_61 = arith.constant 3 : index
    %get3A_62 = arith.constant 0 : index
    %get3A_63 = vector.load %arg6[%get3A_61, %get3A_62] : memref<8x512xf32, #tpu.memory_space<vmem>>, vector<1x16xf32>
    %mul3A_64 = vector.broadcast %get3A_63 : vector<1x16xf32> to vector<4096x16xf32>
    %mul3A_65 = arith.mulf %mul3A_60, %mul3A_64 : vector<4096x16xf32>
    %get3A_66 = arith.constant 0 : index
    %get3A_67 = arith.constant 0 : index
    %get3A_68 = vector.load %arg7[%get3A_66, %get3A_67] : memref<16x512xf32, #tpu.memory_space<vmem>>, vector<16x512xf32>
    %dot_general3A_69 = arith.constant dense<0.000000e+00> : vector<4096x512xf32>
    %dot_general3A_70 = tpu.matmul %mul3A_65, %get3A_68, %dot_general3A_69 {dimension_numbers = #tpu.dot_dimension_numbers<[1], [0], [0], [1], [0, 0, 1, 1], [], []>, transpose_lhs_hint = false} : vector<4096x16xf32>, vector<16x512xf32>, vector<4096x512xf32> -> vector<4096x512xf32>
    %mul3A_71 = arith.mulf %dot_general3A_70, %dot_general3A_5 : vector<4096x512xf32>
    %reshape3A = vector.shape_cast %mul3A_71 : vector<4096x512xf32> to vector<256x16x512xf32>
    %reduce_sum3A = arith.constant dense<0.000000e+00> : vector<256x512xf32>
    %reduce_sum3A_72 = vector.multi_reduction <add>, %reshape3A, %reduce_sum3A [1] : vector<256x16x512xf32> to vector<256x512xf32>
    %get3A_73 = arith.constant 0 : index
    %get3A_74 = arith.constant 0 : index
    %get3A_75 = vector.load %arg4[%get3A_73, %get3A_74] : memref<512x128xf32, #tpu.memory_space<vmem>>, vector<512x128xf32>
    %dot_general3A_76 = arith.constant dense<0.000000e+00> : vector<256x128xf32>
    %dot_general3A_77 = tpu.matmul %reduce_sum3A_72, %get3A_75, %dot_general3A_76 {dimension_numbers = #tpu.dot_dimension_numbers<[1], [0], [0], [1], [0, 0, 1, 1], [], []>, transpose_lhs_hint = false} : vector<256x512xf32>, vector<512x128xf32>, vector<256x128xf32> -> vector<256x128xf32>
    %get3A_78 = arith.constant 0 : index
    %get3A_79 = arith.constant 0 : index
    %get3A_80 = vector.load %arg5[%get3A_78, %get3A_79] : memref<1x128xf32, #tpu.memory_space<vmem>>, vector<1x128xf32>
    %add3A_81 = vector.broadcast %get3A_80 : vector<1x128xf32> to vector<256x128xf32>
    %add3A_82 = arith.addf %dot_general3A_77, %add3A_81 : vector<256x128xf32>
    %swap3A = arith.constant 0 : index
    %swap3A_83 = arith.constant 0 : index
    %swap3A_84 = vector.load %arg8[%swap3A, %swap3A_83] : memref<256x128xf32, #tpu.memory_space<vmem>>, vector<256x128xf32>
    tpu.vector_store %arg8[%swap3A, %swap3A_83], %add3A_82 {strides = array<i32>} : memref<256x128xf32, #tpu.memory_space<vmem>>, vector<256x128xf32>,
    return
  }
  func.func @transform_0(%arg0: i32) -> (i32, i32) {
    %c0_i32 = arith.constant 0 : i32
    %c0_i32_0 = arith.constant 0 : i32
    return %arg0, %c0_i32 : i32, i32
  }
  func.func @transform_1(%arg0: i32) -> (i32, i32) {
    %c0_i32 = arith.constant 0 : i32
    %c0_i32_0 = arith.constant 0 : i32
    return %arg0, %c0_i32 : i32, i32
  }
  func.func @transform_2(%arg0: i32) -> (i32, i32) {
    %c0_i32 = arith.constant 0 : i32
    %c0_i32_0 = arith.constant 0 : i32
    %c0_i32_1 = arith.constant 0 : i32
    return %c0_i32, %c0_i32_0 : i32, i32
  }
  func.func @transform_3(%arg0: i32) -> (i32, i32) {
    %c0_i32 = arith.constant 0 : i32
    %c0_i32_0 = arith.constant 0 : i32
    %c0_i32_1 = arith.constant 0 : i32
    return %c0_i32, %c0_i32_0 : i32, i32
  }
  func.func @transform_4(%arg0: i32) -> (i32, i32) {
    %c0_i32 = arith.constant 0 : i32
    %c0_i32_0 = arith.constant 0 : i32
    %c0_i32_1 = arith.constant 0 : i32
    return %c0_i32, %c0_i32_0 : i32, i32
  }
  func.func @transform_5(%arg0: i32) -> (i32, i32) {
    %c0_i32 = arith.constant 0 : i32
    %c0_i32_0 = arith.constant 0 : i32
    %c0_i32_1 = arith.constant 0 : i32
    return %c0_i32, %c0_i32_0 : i32, i32
  }
  func.func @transform_6(%arg0: i32) -> (i32, i32) {
    %c0_i32 = arith.constant 0 : i32
    %c0_i32_0 = arith.constant 0 : i32
    %c0_i32_1 = arith.constant 0 : i32
    return %c0_i32, %c0_i32_0 : i32, i32
  }
  func.func @transform_7(%arg0: i32) -> (i32, i32) {
    %c0_i32 = arith.constant 0 : i32
    %c0_i32_0 = arith.constant 0 : i32
    return %arg0, %c0_i32 : i32, i32
  }
}

module attributes {stable_mosaic.version = 14 : i64} {
  func.func @_bn_body(%arg0: memref<10240x128xf32, #tpu.memory_space<vmem>>, %arg1: memref<1x128xf32, #tpu.memory_space<vmem>>, %arg2: memref<1x128xf32, #tpu.memory_space<vmem>>, %arg3: memref<10240x128xf32, #tpu.memory_space<vmem>>) attributes {dimension_semantics = [], scalar_prefetch = 0 : i64, scratch_operands = 0 : i64, tpu.core_type = #tpu.core_type<tc>} {
    %get3A = arith.constant 0 : index
    %get3A_0 = arith.constant 0 : index
    %get3A_1 = vector.load %arg0[%get3A, %get3A_0] : memref<10240x128xf32, #tpu.memory_space<vmem>>, vector<10240x128xf32>
    %iota3A = tpu.iota {dimensions = array<i32: 0>} : vector<10240x1xi32>
    %lt3A = arith.constant 10000 : i32
    %lt3A_2 = vector.broadcast %lt3A : i32 to vector<10240x1xi32>
    %lt3A_3 = arith.cmpi slt, %iota3A, %lt3A_2 : vector<10240x1xi32>
    %convert_element_type3A = arith.extui %lt3A_3 : vector<10240x1xi1> to vector<10240x1xi32>
    %convert_element_type3A_4 = arith.sitofp %convert_element_type3A : vector<10240x1xi32> to vector<10240x1xf32>
    %mul3A = vector.broadcast %convert_element_type3A_4 : vector<10240x1xf32> to vector<10240x128xf32>
    %mul3A_5 = arith.mulf %get3A_1, %mul3A : vector<10240x128xf32>
    %reduce_sum3A = arith.constant dense<0.000000e+00> : vector<128xf32>
    %reduce_sum3A_6 = vector.multi_reduction <add>, %mul3A_5, %reduce_sum3A [0] : vector<10240x128xf32> to vector<128xf32>
    %broadcast_in_dim3A = vector.shape_cast %reduce_sum3A_6 : vector<128xf32> to vector<1x128xf32>
    %div3A = arith.constant 1.000000e+04 : f32
    %div3A_7 = vector.broadcast %div3A : f32 to vector<1x128xf32>
    %div3A_8 = arith.divf %broadcast_in_dim3A, %div3A_7 : vector<1x128xf32>
    %mul3A_9 = arith.mulf %mul3A_5, %mul3A_5 : vector<10240x128xf32>
    %reduce_sum3A_10 = arith.constant dense<0.000000e+00> : vector<128xf32>
    %reduce_sum3A_11 = vector.multi_reduction <add>, %mul3A_9, %reduce_sum3A_10 [0] : vector<10240x128xf32> to vector<128xf32>
    %broadcast_in_dim3A_12 = vector.shape_cast %reduce_sum3A_11 : vector<128xf32> to vector<1x128xf32>
    %div3A_13 = arith.constant 1.000000e+04 : f32
    %div3A_14 = vector.broadcast %div3A_13 : f32 to vector<1x128xf32>
    %div3A_15 = arith.divf %broadcast_in_dim3A_12, %div3A_14 : vector<1x128xf32>
    %mul3A_16 = arith.mulf %div3A_8, %div3A_8 : vector<1x128xf32>
    %sub3A = arith.subf %div3A_15, %mul3A_16 : vector<1x128xf32>
    %sub3A_17 = vector.broadcast %div3A_8 : vector<1x128xf32> to vector<10240x128xf32>
    %sub3A_18 = arith.subf %get3A_1, %sub3A_17 : vector<10240x128xf32>
    %add3A = arith.constant 9.99999974E-6 : f32
    %add3A_19 = vector.broadcast %add3A : f32 to vector<1x128xf32>
    %add3A_20 = arith.addf %sub3A, %add3A_19 : vector<1x128xf32>
    %sqrt3A = math.sqrt %add3A_20 : vector<1x128xf32>
    %div3A_21 = vector.broadcast %sqrt3A : vector<1x128xf32> to vector<10240x128xf32>
    %div3A_22 = arith.divf %sub3A_18, %div3A_21 : vector<10240x128xf32>
    %get3A_23 = arith.constant 0 : index
    %get3A_24 = arith.constant 0 : index
    %get3A_25 = vector.load %arg1[%get3A_23, %get3A_24] : memref<1x128xf32, #tpu.memory_space<vmem>>, vector<1x128xf32>
    %mul3A_26 = vector.broadcast %get3A_25 : vector<1x128xf32> to vector<10240x128xf32>
    %mul3A_27 = arith.mulf %div3A_22, %mul3A_26 : vector<10240x128xf32>
    %get3A_28 = arith.constant 0 : index
    %get3A_29 = arith.constant 0 : index
    %get3A_30 = vector.load %arg2[%get3A_28, %get3A_29] : memref<1x128xf32, #tpu.memory_space<vmem>>, vector<1x128xf32>
    %add3A_31 = vector.broadcast %get3A_30 : vector<1x128xf32> to vector<10240x128xf32>
    %add3A_32 = arith.addf %mul3A_27, %add3A_31 : vector<10240x128xf32>
    %ge3A = arith.constant 0.000000e+00 : f32
    %ge3A_33 = vector.broadcast %ge3A : f32 to vector<10240x128xf32>
    %ge3A_34 = arith.cmpf oge, %add3A_32, %ge3A_33 : vector<10240x128xf32>
    %mul3A_35 = arith.constant 1.000000e-01 : f32
    %mul3A_36 = vector.broadcast %mul3A_35 : f32 to vector<10240x128xf32>
    %mul3A_37 = arith.mulf %mul3A_36, %add3A_32 : vector<10240x128xf32>
    %select_n3A = arith.select %ge3A_34, %add3A_32, %mul3A_37 : vector<10240x128xi1>, vector<10240x128xf32>
    %swap3A = arith.constant 0 : index
    %swap3A_38 = arith.constant 0 : index
    %swap3A_39 = vector.load %arg3[%swap3A, %swap3A_38] : memref<10240x128xf32, #tpu.memory_space<vmem>>, vector<10240x128xf32>
    tpu.vector_store %arg3[%swap3A, %swap3A_38], %select_n3A {strides = array<i32>} : memref<10240x128xf32, #tpu.memory_space<vmem>>, vector<10240x128xf32>,
    return
  }
}

</mosaic_0001>

<sc_bundles>
// kernel: kernel.12.cloned.1.call-start
scs
__scs_entry_jumppad:
0x0: {  	(pc) =	sbr.rel $0x88, $3  }
0x1: {  	(tag) =	ssettag $0x0;
	lr =	simm.s32 $0x1  }
0x2: {  	[smem:$0x3F96] =	sst lr;
	_ =	strace $0xD0000000  }
0x3: {  	_ = 	snop  }
0x4: {  	_ = 	snop  }
0x5: {  	_ = 	snop  }
0x6: {  	_ = 	snop  }
0x7: {  	_ = 	snop  }
__scs_overlays_trampoline_lowered:
0x8: {  	[smem:$0x3FA5] =	sst s0  }
0x9: {  	[smem:$0x3FA6] =	sst s1  }
0xa: {  	[smem:$0x3FA7] =	sst s2  }
0xb: {  	[smem:$0x3FA8] =	sst s3  }
0xc: {  	[smem:$0x3FA9] =	sst s4  }
0xd: {  	[smem:$0x3FAA] =	sst s5  }
0xe: {  	[smem:$0x3FAB] =	sst s6  }
0xf: {  	[smem:$0x3FAC] =	sst s7  }
0x10: {  	[smem:$0x3FAD] =	sst s8  }
0x11: {  	[smem:$0x3FAE] =	sst s9;
	s0 =	simm.s32 @!p0 $0x0  }
0x12: {  	s1 =	sld [smem:$0x3F94];
	s0 =	simm.s32 @p0 $0x1  }
0x13: {  	[smem:$0x3FAF] =	sst s0;
	s0 =	simm.s32 @!p1 $0x0  }
0x14: {  	s2 =	sld [smem:$0x3F93];
	s0 =	simm.s32 @p1 $0x1  }
0x15: {  	[smem:$0x3FB0] =	sst s0;
	s0 =	simm.s32 @!p2 $0x0  }
0x16: {  	s3 =	sld [smem:$0x3FDB];
	s0 =	simm.s32 @p2 $0x1  }
0x17: {  	s4 =	simm.s32 $0x1BF5;
	[smem:$0x3FB2] =	sst s0  }
0x18: {  	s0 =	sld [smem:$0x3F95];
	_ =	swait.ge [sflag:s4], $0x0  }
0x19: {  	s7 =	sld [smem:$0x3F96]  }
0x1a: {  	s8 =	sadd.s32 $0xFFFFE003, lr  }
0x1b: {  	s9 =	sadd.s32 $0xFFFFFEF7, lr;
	s5 =	simm.s32 $0xFFFFFFFF;
	p2 =	slt.u32 s8, $0xFFFFF086  }
0x1c: {  	p1 =	slt.u32 s9, $0xF7A;
	s5 =	simm.s32 @!p2 $0x0  }
0x1d: {  	s5 =	simm.s32 @p1 $0x1;
	p0 =	seq.s32 s7, s2  }
0x1e: {  	s7 =	smul.u32 @!p0 $0xF7A, s2;
	p2 =	seq.s32 @!p0 s5, $0x0  }
0x1f: {  	s9 =	smul.u32 $0xF7A, s1;
	s8 =	simm.s32 @!p0 $0x1BF5;
	p2 =	por !p2, p0  }
0x20: {  	[sflag:s8] =	ssyncset.s32 @!p0 $0xFFFFF086;
	s6 =	sadd.s32 @!p0 s3, s7;
	s7 =	simm.s32 @!p0 $0x108  }
0x21: {  	s3 =	sadd.s32 s3, s9;
	s6 =	sadd.s32 @!p0 $0x88, s6;
	s7 =	simm.s32 @p2 $0x1082  }
0x22: {  	[simem:s7], [sflag:s8] =	dma.local @!p0 [hbm:s6], $0xF7A  }
0x23: {  	s9 =	sor.u32 $0xD0000000, s2;
	s6 =	simm.s32 $0x108;
	_ =	swait.ge @!p0 [sflag:s8], $0x0  }
0x24: {  	s3 =	sadd.s32 $0x88, s3;
	s6 =	simm.s32 @!p1 $0x1082;
	[sflag:s4] =	ssyncset.s32 $0xFFFFF086  }
0x25: {  	[simem:s6], [sflag:s4] =	dma.local [hbm:s3], $0xF7A  }
0x26: {  	[smem:$0x3F96] =	sst s1;
	(tag) =	ssettag s2;
	_ =	strace s9  }
0x27: {  	s1 =	sld [smem:$0x3FA6]  }
0x28: {  	s2 =	sld [smem:$0x3FA7]  }
0x29: {  	s4 =	sld [smem:$0x3FA9]  }
0x2a: {  	p0 =	seq.s32 s5, $0x0;
	s5 =	sld [smem:$0x3FAA]  }
0x2b: {  	s6 =	sld [smem:$0x3FAB]  }
0x2c: {  	s7 =	sld [smem:$0x3FAC]  }
0x2d: {  	s3 =	simm.s32 $0x108;
	s8 =	sld [smem:$0x3FAD]  }
0x2e: {  	s3 =	simm.s32 @!p0 $0x1082;
	s9 =	sld [smem:$0x3FAE]  }
0x2f: {  	lr =	sadd.s32 s0, s3;
	s0 =	sld [smem:$0x3FA5]  }
0x30: {  	s3 =	sld [smem:$0x3FA8]  }
0x31: {  	[smem:$0x3FB1] =	sst s10  }
0x32: {  	s10 =	sld [smem:$0x3FAF];
	_ =	sdelay $0x3  }
0x33: {  	p0 =	seq.s32 s10, $0x1;
	s10 =	sld [smem:$0x3FB1];
	_ =	sdelay $0x3  }
0x34: {  	[smem:$0x3FB1] =	sst s10  }
0x35: {  	s10 =	sld [smem:$0x3FB0];
	_ =	sdelay $0x3  }
0x36: {  	p1 =	seq.s32 s10, $0x1;
	s10 =	sld [smem:$0x3FB1];
	_ =	sdelay $0x3  }
0x37: {  	[smem:$0x3FB1] =	sst s10  }
0x38: {  	s10 =	sld [smem:$0x3FB2]  }
0x39: {  	_ = 	snop;
	(pc) =	sbr.ind lr, $3  }
0x3a: {  	_ = 	snop  }
0x3b: {  	_ = 	snop  }
0x3c: {  	p2 =	seq.s32 s10, $0x1;
	s10 =	sld [smem:$0x3FB1]  }
0x3d: {  	_ =	shalt  }
0x3e: {  	_ =	shalt  }
0x3f: {  	_ =	shalt  }
0x40: {  	_ =	shalt  }
0x41: {  	_ =	shalt  }
0x42: {  	_ =	shalt  }
0x43: {  	_ =	shalt  }
0x44: {  	_ =	shalt  }
0x45: {  	_ =	shalt  }
0x46: {  	_ =	shalt  }
0x47: {  	_ =	shalt  }
0x48: {  	_ =	shalt  }
0x49: {  	_ =	shalt  }
0x4a: {  	_ =	shalt  }
0x4b: {  	_ =	shalt  }
0x4c: {  	_ =	shalt  }
0x4d: {  	_ =	shalt  }
0x4e: {  	_ =	shalt  }
0x4f: {  	_ =	shalt  }
0x50: {  	_ =	shalt  }
0x51: {  	_ =	shalt  }
0x52: {  	_ =	shalt  }
0x53: {  	_ =	shalt  }
0x54: {  	_ =	shalt  }
0x55: {  	_ =	shalt  }
0x56: {  	_ =	shalt  }
0x57: {  	_ =	shalt  }
0x58: {  	_ =	shalt  }
0x59: {  	_ =	shalt  }
0x5a: {  	_ =	shalt  }
0x5b: {  	_ =	shalt  }
0x5c: {  	_ =	shalt  }
0x5d: {  	_ =	shalt  }
0x5e: {  	_ =	shalt  }
0x5f: {  	_ =	shalt  }
0x60: {  	_ =	shalt  }
0x61: {  	_ =	shalt  }
0x62: {  	_ =	shalt  }
0x63: {  	_ =	shalt  }
0x64: {  	_ =	shalt  }
0x65: {  	_ =	shalt  }
0x66: {  	_ =	shalt  }
0x67: {  	_ =	shalt  }
0x68: {  	_ =	shalt  }
0x69: {  	_ =	shalt  }
0x6a: {  	_ =	shalt  }
0x6b: {  	_ =	shalt  }
0x6c: {  	_ =	shalt  }
0x6d: {  	_ =	shalt  }
0x6e: {  	_ =	shalt  }
0x6f: {  	_ =	shalt  }
0x70: {  	_ =	shalt  }
0x71: {  	_ =	shalt  }
0x72: {  	_ =	shalt  }
0x73: {  	_ =	shalt  }
0x74: {  	_ =	shalt  }
0x75: {  	_ =	shalt  }
0x76: {  	_ =	shalt  }
0x77: {  	_ =	shalt  }
0x78: {  	_ =	shalt  }
0x79: {  	_ =	shalt  }
0x7a: {  	_ =	shalt  }
0x7b: {  	_ =	shalt  }
0x7c: {  	_ =	shalt  }
0x7d: {  	_ =	shalt  }
0x7e: {  	_ =	shalt  }
0x7f: {  	_ =	shalt  }
0x80: {  	_ =	shalt  }
0x81: {  	_ =	shalt  }
0x82: {  	_ =	shalt  }
0x83: {  	_ =	shalt  }
0x84: {  	_ =	shalt  }
0x85: {  	_ =	shalt  }
0x86: {  	_ =	shalt  }
0x87: {  	_ =	shalt  }
.Lfunc_end0:
.L_simem_size_0:
called_computation_lowered:
.L_overlay_start_0:
0x88: {  	s2 =	sld [smem:$0x3FD9]  }
0x89: {  	s3 =	sld [smem:$0x3FFE];
	_ =	sdelay $0x1  }
0x8a: {  	s1 =	srdreg.scid  }
0x8b: {  	s0 =	sand.u32 $0x1, s1  }
0x8c: {  	s15 =	sshll.u32 s0, $0xA;
	s2 =	sadd.s32 s3, s2  }
0x8d: {  	s2 =	sadd.s32 s2, s15  }
0x8e: {  	[smem:$0x3FBD] =	sst s2  }
0x8f: {  	_ = 	snop  }
0x90: {  	s2 =	sld [smem:$0x3FD0];
	_ =	sdelay $0x2  }
0x91: {  	s16 =	simm.s32 $0xB;
	s4 =	simm.s32 $0x10  }
0x92: {  	[smem:s4], [sflag:s16] =	dma.local [hbm:s2], $0x1  }
0x93: {  	_ =	swait.eq [sflag:s16], $0x1  }
0x94: {  	[sflag:s16] =	ssyncset.done $0x0  }
0x95: {  	[sflag:s16] =	ssyncadd.s32 $0xFFFFFFFF  }
0x96: {  	s17 =	sld [smem:$0x10];
	(tm) =	ssettm $0x1  }
0x97: {  	s18 =	sld [smem:$0x3FFB];
	_ =	sdelay $0x3  }
0x98: {  	_ =	strace s18  }
0x99: {  	s2 =	sld [smem:$0x3FFC];
	_ =	sdelay $0x3  }
0x9a: {  	_ =	strace s2  }
0x9b: {  	s2 =	sld [smem:$0x3FFD];
	_ =	sdelay $0x3  }
0x9c: {  	_ =	strace s2  }
0x9d: {  	_ =	strace $0x8FFFFFFF  }
0x9e: {  	s19 =	sld [smem:$0x3FDB];
	_ =	sdelay $0x1  }
0x9f: {  	s20 =	simm.s32 $_scs_section_size  }
0xa0: {  	s5 =	simm.s32 $_size__tile_overlayer_lowered;
	s6 =	simm.s32 $_tile_overlayer_lowered  }
0xa1: {  	s7 =	simm.s32 $0x1BFF;
	s21 =	sshll.u32 s6, $0x1;
	s4 =	sadd.s32 s20, s19  }
0xa2: {  	s22 =	simm.s32 $0x0;
	s5 =	sshll.u32 s5, $0x1;
	s6 =	sadd.s32 s21, s4  }
0xa3: {  	[timem:s22], [sflag:s7] =	dma.local [hbm:s6], s5  }
0xa4: {  	_ =	swait.ge [sflag:s7], s5  }
0xa5: {  	s5 =	ssub.s32 $0x0, s5;
	[sflag:s7] =	ssyncset.done $0x0  }
0xa6: {  	[sflag:s7] =	ssyncadd.s32 s5;
	_ =	sdelay $0x1  }
0xa7: {  	s23 =	simm.s32 $0x1B8B  }
0xa8: {  	_ =	swait.ge [sflag:s23], $0x1  }
0xa9: {  	[sflag:s23] =	ssyncset.done $0x0  }
0xaa: {  	[sflag:s23] =	ssyncadd.s32 $0xFFFFFFFF  }
0xab: {  	s5 =	sld [smem:$0x0]  }
0xac: {  	s6 =	sand.u32 $0xFFFFFFFE, s1  }
0xad: {  	p0 =	sne.s32 s1, s6  }
0xae: {  	s6 =	sshll.u32 @p0 s6, $0xE  }
0xaf: {  	s6 =	sadd.s32 @p0 $0x11B8D, s6;
	s7 =	sshll.u32 @p0 s5, $0x11  }
0xb0: {  	s6 =	sor.u32 @p0 s7, s6  }
0xb1: {  	[sflag:s6] =	ssyncadd.remote.s32 @p0 $0x1;
	_ =	sdelay $0x1  }
0xb2: {  	s6 =	simm.s32 @p0 $0x1B8D  }
0xb3: {  	_ =	swait.eq @p0 [sflag:s6], $0x1  }
0xb4: {  	[sflag:s6] =	ssyncadd.s32 @p0 $0xFFFFFFFF  }
0xb5: {  	s7 =	sshll.u32 @!p0 s1, $0xE  }
0xb6: {  	s7 =	sor.u32 @!p0 $0x4000, s7;
	s6 =	simm.s32 @!p0 $0x1B8D  }
0xb7: {  	s5 =	sshll.u32 @!p0 s5, $0x11;
	s7 =	sadd.s32 @!p0 $0x11B8D, s7;
	_ =	swait.eq @!p0 [sflag:s6], $0x1  }
0xb8: {  	s5 =	sor.u32 @!p0 s5, s7;
	[sflag:s6] =	ssyncadd.s32 @!p0 $0xFFFFFFFF  }
0xb9: {  	s25 =	simm.s32 $0x1B8E;
	s24 =	sld [smem:$0x3FFE];
	[sflag:s5] =	ssyncadd.remote.s32 @!p0 $0x1  }
0xba: {  	s26 =	simm.s32 $execute0_lowered;
	[smem:$0x3FD2] =	sst s25  }
0xbb: {  	s6 =	sshll.u32 s26, $0x1;
	_ =	strace $0x80000049;
	[dreg:$0x1] =	wrdreg $0xFFFFFFFF  }
0xbc: {  	s28 =	simm.s32 $_size_execute0_lowered;
	s4 =	sadd.s32 s4, s6;
	[dreg:$0x0] =	wrdreg $0x0  }
0xbd: {  	s6 =	sshll.u32 s28, $0x1;
	[dreg:$0x2] =	wrdreg s4  }
0xbe: {  	[dreg:$0x3] =	wrdreg s6  }
0xbf: {  	[dreg:$0x4] =	wrdreg $0xC0  }
0xc0: {  	_ =	task [dreg:s22], $0x5FFFF  }
0xc1: {  	[dreg:$0x1] =	wrdreg $0xFFFFFFFF  }
0xc2: {  	[dreg:$0x0] =	wrdreg $0x60  }
0xc3: {  	[dreg:$0x2] =	wrdreg s17  }
0xc4: {  	[dreg:$0x3] =	wrdreg s24  }
0xc5: {  	[dreg:$0x4] =	wrdreg $0x9  }
0xc6: {  	_ =	task.clear_ibuf [dreg:s22], $0x5FFFF;
	_ =	strace $0x90000049  }
0xc7: {  	s29 =	simm.s32 $0x9;
	_ =	strace $0x8000004B  }
0xc8: {  	_ =	swait.ge [sflag:s29], $0x1  }
0xc9: {  	[sflag:s29] =	ssyncadd.s32 $0xFFFFFFFF  }
0xca: {  	_ =	strace $0x9000004B  }
0xcb: {  	_ =	sfence  }
0xcc: {  	s30 =	sld [smem:$0x0];
	_ =	sdelay $0x2  }
0xcd: {  	s31 =	sshll.u32 s1, $0xD;
	s1 =	sshrl.u32 s1, $0x2  }
0xce: {  	s4 =	sand.u32 $0x4000, s31;
	s1 =	sadd.s32 s1, s30  }
0xcf: {  	s0 =	sor.u32 s4, s0;
	s1 =	sshll.u32 s1, $0x11  }
0xd0: {  	s0 =	sor.u32 s1, s0  }
0xd1: {  	s0 =	sadd.s32 $0x8F2B, s0  }
0xd2: {  	[sflag:s0] =	ssyncadd.remote.s32 $0x1  }
0xd3: {  	_ =	sfence.sel $0xFFFF  }
0xd4: {  	[dreg:$0x0] =	wrdreg $0xFFFFFFFF;
	(pc) =	sbr.abs _section_cstart, $3  }
0xd5: {  	[dreg:$0x1] =	wrdreg $0xFFFFFFFF  }
0xd6: {  	_ =	task.clear_ibuf [dreg:s22], $0x2FFFF;
	_ =	strace $0x9FFFFFFF  }
0xd7: {  	(tm) =	ssettm $0x7FFFFFFF  }
tec
execute0_lowered:
.L_overlay_start_1:
0x0: {  	(tag) =	ssettag $0x1  }
0x1: {  	s6 =	rddreg [dreg:$0x0]  }
0x2: {  	s3 =	rddreg [dreg:$0x1]  }
0x3: {  	s0 =	rddreg [dreg:$0x2];
	s1 =	stileid.u32  }
0x4: {  	s2 =	simm.s32 $0x0;
	s5 =	srdreg.scid;
	s4 =	smul.u32 $0x28000, s1  }
0x5: {  	[smem:$0x7FF] =	sst s2;
	s5 =	sand.u32 $0x1, s5;
	s7 =	smul.u32 $0x2800, s1  }
0x6: {  	_ =	strace $0x8000004A;
	s8 =	ssub.s32 $0x2, s5;
	s9 =	smul.u32 $0x1400, s5  }
0x7: {  	s5 =	smul.u32 $0x14000, s5;
	s10 =	sadd.s32 s4, s3;
	s31 =	sshrl.u32 s8, $0x1  }
0x8: {  	s3 =	sadd.s32 $0xA5C00, s3;
	s4 =	ssub.s32 s8, s31;
	s7 =	sadd.s32 s9, s7  }
0x9: {  	s5 =	sadd.s32 s5, s10;
	s8 =	simm.s32 $0x100;
	s9 =	simm.s32 $0x1  }
0xa: {  	s10 =	simm.s32 $0x0;
	s4 =	smax.u32 s4, $0x1;
	s7 =	sshrl.u32 s7, $0x3  }
0xb: {  	s5 =	sadd.s32 $0x34DC00, s5;
	s6 =	sadd.s32 s7, s6;
	s7 =	simm.s32 $0x2  }
.LBB2_1:
0xc: {  	s11 =	sadd.s32 $0x0, s6  }
0xd: {  	[tilespmem:s2], [sflag:$0x2] =	stream.linear.gather [hbm4b:s11+s2], $0x100, $0x38;
	[tilespmem:$0x8100] =	vst v63  }
0xe: {  	_ =	swait.ge [sflag:s7], $0x100  }
0xf: {  	[sflag:s7] =	ssyncset.done $0x0  }
0x10: {  	[sflag:s7] =	ssyncadd.s32 $0xFFFFFF00  }
0x11: {  	[tilespmem:s8], [sflag:$0x1] =	stream.indirect.gather [hbm4b:s3+s8], $0x80, s2, s8, $0xb8;
	[tilespmem:$0x8100] =	vst v63  }
0x12: {  	_ =	swait.ge [sflag:s9], $0x8000  }
0x13: {  	[sflag:s9] =	ssyncset.done $0x0  }
0x14: {  	[sflag:s9] =	ssyncadd.s32 $0xFFFF8000  }
0x15: {  	[hbm4b:s5+s2] =	stream.linear.scatter [tilespmem:s8], [sflag:$0x2], $0x8000, $0x38;
	[tilespmem:$0x8100] =	vst v63  }
0x16: {  	s12 =	simm.s32 $0x20;
	_ =	swait.ge [sflag:s7], $0x8000  }
0x17: {  	s13 =	simm.s32 $0x40;
	s11 =	sadd.s32 $0x1000, s5;
	[sflag:s7] =	ssyncset.done $0x0  }
.LBB2_2:
0x18: {  	s14 =	sadd.s32 s12, s6  }
0x19: {  	[sflag:s7] =	ssyncadd.s32 $0xFFFF8000;
	s12 =	smov.u32 s13;
	s15 =	sadd.s32 $0x20, s13  }
0x1a: {  	[tilespmem:s2], [sflag:$0x2] =	stream.linear.gather [hbm4b:s14+s2], $0x100, $0x38;
	[tilespmem:$0x8100] =	vst v63  }
0x1b: {  	p0 =	sne.s32 s13, $0x260;
	_ =	swait.ge [sflag:s7], $0x100  }
0x1c: {  	[sflag:s7] =	ssyncset.done $0x0  }
0x1d: {  	[sflag:s7] =	ssyncadd.s32 $0xFFFFFF00  }
0x1e: {  	[tilespmem:s8], [sflag:$0x1] =	stream.indirect.gather [hbm4b:s3+s8], $0x80, s2, s8, $0xb8;
	[tilespmem:$0x8100] =	vst v63  }
0x1f: {  	_ =	swait.ge [sflag:s9], $0x8000  }
.Ltmp0:
0x20: {  	[sflag:s9] =	ssyncset.done $0x0;
	(pc) =	sbr.rel @p0 .LBB2_2-.Ltmp0, $4  }
0x21: {  	[sflag:s9] =	ssyncadd.s32 $0xFFFF8000  }
0x22: {  	[hbm4b:s11+s2] =	stream.linear.scatter [tilespmem:s8], [sflag:$0x2], $0x8000, $0x38;
	[tilespmem:$0x8100] =	vst v63  }
0x23: {  	_ =	swait.ge [sflag:s7], $0x8000  }
0x24: {  	s13 =	smov.u32 s15;
	s11 =	sadd.s32 $0x1000, s11;
	[sflag:s7] =	ssyncset.done $0x0  }
0x25: {  	s12 =	sadd.s32 s12, s6;
	[sflag:s7] =	ssyncadd.s32 $0xFFFF8000  }
0x26: {  	[tilespmem:s2], [sflag:$0x2] =	stream.linear.gather [hbm4b:s12+s2], $0x100, $0x38;
	[tilespmem:$0x8100] =	vst v63  }
0x27: {  	_ =	swait.ge [sflag:s7], $0x100  }
0x28: {  	[sflag:s7] =	ssyncset.done $0x0  }
0x29: {  	[sflag:s7] =	ssyncadd.s32 $0xFFFFFF00  }
0x2a: {  	[tilespmem:s8], [sflag:$0x1] =	stream.indirect.gather [hbm4b:s3+s8], $0x80, s2, s8, $0xb8;
	[tilespmem:$0x8100] =	vst v63  }
0x2b: {  	s10 =	sadd.s32 $0x1, s10;
	_ =	swait.ge [sflag:s9], $0x8000  }
0x2c: {  	p0 =	sne.s32 s10, s4;
	[sflag:s9] =	ssyncset.done $0x0  }
.Ltmp1:
0x2d: {  	[sflag:s9] =	ssyncadd.s32 $0xFFFF8000;
	(pc) =	sbr.rel @p0 .LBB2_1-.Ltmp1, $4  }
0x2e: {  	[hbm4b:s11+s2] =	stream.linear.scatter [tilespmem:s8], [sflag:$0x2], $0x8000, $0x38;
	[tilespmem:$0x8100] =	vst v63  }
0x2f: {  	_ =	swait.ge [sflag:s7], $0x8000  }
0x30: {  	[sflag:s7] =	ssyncset.done $0x0  }
0x31: {  	[sflag:s7] =	ssyncadd.s32 $0xFFFF8000  }
0x32: {  	_ =	sfence.sel $0x180000  }
0x33: {  	[bflag:$0x0] =	sbarrier.arrive $0xFFFF  }
0x34: {  	p0 =	sne.s32 s1, $0x0;
	_ =	strace $0x9000004A  }
0x35: {  	s0 =	sadd.s32 @!p0 $0x100000, s0;
	[bflag:$0x2] =	sbarrier.arrive $0xFFFF  }
0x36: {  	[sflag:s0] =	ssyncadd.tile.s32 @!p0 $0x1;
	_ =	shalt  }
.Lfunc_end2:
_tile_overlayer_lowered:
.L_overlay_start_2:
0x37: {  	(tag) =	ssettag $0x2  }
0x38: {  	s0 =	rddreg [dreg:$0x0];
	s2 =	stileid.u32  }
0x39: {  	s1 =	rddreg [dreg:$0x1];
	p0 =	sne.s32 s2, $0x0  }
0x3a: {  	s3 =	rddreg [dreg:$0x2];
	[bflag:$0x3] =	sbarrier.arrive $0xFFFF;
	s2 =	simm.s32 @!p0 $0x1C02  }
0x3b: {  	[timem:s3], [sflag:s2] =	dma.local @!p0 [hbm:s0], s1  }
0x3c: {  	s0 =	simm.s32 @!p0 $0x2  }
0x3d: {  	_ =	swait.ge @!p0 [sflag:s0], s1  }
0x3e: {  	s1 =	ssub.s32 @!p0 $0x0, s1;
	[sflag:s0] =	ssyncset.done @!p0 $0x0  }
0x3f: {  	[sflag:s0] =	ssyncadd.s32 @!p0 s1  }
0x40: {  	[bflag:$0x3] =	sbarrier.arrive $0xFFFF  }
0x41: {  	_ =	shalt  }

// kernel: kernel.15.cloned.1.call-start
scs
__scs_entry_jumppad:
0x0: {  	(pc) =	sbr.rel $0x88, $3  }
0x1: {  	(tag) =	ssettag $0x0;
	lr =	simm.s32 $0x1  }
0x2: {  	[smem:$0x3F96] =	sst lr;
	_ =	strace $0xD0000000  }
0x3: {  	_ = 	snop  }
0x4: {  	_ = 	snop  }
0x5: {  	_ = 	snop  }
0x6: {  	_ = 	snop  }
0x7: {  	_ = 	snop  }
__scs_overlays_trampoline_lowered:
0x8: {  	[smem:$0x3FA5] =	sst s0  }
0x9: {  	[smem:$0x3FA6] =	sst s1  }
0xa: {  	[smem:$0x3FA7] =	sst s2  }
0xb: {  	[smem:$0x3FA8] =	sst s3  }
0xc: {  	[smem:$0x3FA9] =	sst s4  }
0xd: {  	[smem:$0x3FAA] =	sst s5  }
0xe: {  	[smem:$0x3FAB] =	sst s6  }
0xf: {  	[smem:$0x3FAC] =	sst s7  }
0x10: {  	[smem:$0x3FAD] =	sst s8  }
0x11: {  	[smem:$0x3FAE] =	sst s9;
	s0 =	simm.s32 @!p0 $0x0  }
0x12: {  	s1 =	sld [smem:$0x3F94];
	s0 =	simm.s32 @p0 $0x1  }
0x13: {  	[smem:$0x3FAF] =	sst s0;
	s0 =	simm.s32 @!p1 $0x0  }
0x14: {  	s2 =	sld [smem:$0x3F93];
	s0 =	simm.s32 @p1 $0x1  }
0x15: {  	[smem:$0x3FB0] =	sst s0;
	s0 =	simm.s32 @!p2 $0x0  }
0x16: {  	s3 =	sld [smem:$0x3FDB];
	s0 =	simm.s32 @p2 $0x1  }
0x17: {  	s4 =	simm.s32 $0x1BF5;
	[smem:$0x3FB2] =	sst s0  }
0x18: {  	s0 =	sld [smem:$0x3F95];
	_ =	swait.ge [sflag:s4], $0x0  }
0x19: {  	s7 =	sld [smem:$0x3F96]  }
0x1a: {  	s8 =	sadd.s32 $0xFFFFE003, lr  }
0x1b: {  	s9 =	sadd.s32 $0xFFFFFEF7, lr;
	s5 =	simm.s32 $0xFFFFFFFF;
	p2 =	slt.u32 s8, $0xFFFFF086  }
0x1c: {  	p1 =	slt.u32 s9, $0xF7A;
	s5 =	simm.s32 @!p2 $0x0  }
0x1d: {  	s5 =	simm.s32 @p1 $0x1;
	p0 =	seq.s32 s7, s2  }
0x1e: {  	s7 =	smul.u32 @!p0 $0xF7A, s2;
	p2 =	seq.s32 @!p0 s5, $0x0  }
0x1f: {  	s9 =	smul.u32 $0xF7A, s1;
	s8 =	simm.s32 @!p0 $0x1BF5;
	p2 =	por !p2, p0  }
0x20: {  	[sflag:s8] =	ssyncset.s32 @!p0 $0xFFFFF086;
	s6 =	sadd.s32 @!p0 s3, s7;
	s7 =	simm.s32 @!p0 $0x108  }
0x21: {  	s3 =	sadd.s32 s3, s9;
	s6 =	sadd.s32 @!p0 $0x88, s6;
	s7 =	simm.s32 @p2 $0x1082  }
0x22: {  	[simem:s7], [sflag:s8] =	dma.local @!p0 [hbm:s6], $0xF7A  }
0x23: {  	s9 =	sor.u32 $0xD0000000, s2;
	s6 =	simm.s32 $0x108;
	_ =	swait.ge @!p0 [sflag:s8], $0x0  }
0x24: {  	s3 =	sadd.s32 $0x88, s3;
	s6 =	simm.s32 @!p1 $0x1082;
	[sflag:s4] =	ssyncset.s32 $0xFFFFF086  }
0x25: {  	[simem:s6], [sflag:s4] =	dma.local [hbm:s3], $0xF7A  }
0x26: {  	[smem:$0x3F96] =	sst s1;
	(tag) =	ssettag s2;
	_ =	strace s9  }
0x27: {  	s1 =	sld [smem:$0x3FA6]  }
0x28: {  	s2 =	sld [smem:$0x3FA7]  }
0x29: {  	s4 =	sld [smem:$0x3FA9]  }
0x2a: {  	p0 =	seq.s32 s5, $0x0;
	s5 =	sld [smem:$0x3FAA]  }
0x2b: {  	s6 =	sld [smem:$0x3FAB]  }
0x2c: {  	s7 =	sld [smem:$0x3FAC]  }
0x2d: {  	s3 =	simm.s32 $0x108;
	s8 =	sld [smem:$0x3FAD]  }
0x2e: {  	s3 =	simm.s32 @!p0 $0x1082;
	s9 =	sld [smem:$0x3FAE]  }
0x2f: {  	lr =	sadd.s32 s0, s3;
	s0 =	sld [smem:$0x3FA5]  }
0x30: {  	s3 =	sld [smem:$0x3FA8]  }
0x31: {  	[smem:$0x3FB1] =	sst s10  }
0x32: {  	s10 =	sld [smem:$0x3FAF];
	_ =	sdelay $0x3  }
0x33: {  	p0 =	seq.s32 s10, $0x1;
	s10 =	sld [smem:$0x3FB1];
	_ =	sdelay $0x3  }
0x34: {  	[smem:$0x3FB1] =	sst s10  }
0x35: {  	s10 =	sld [smem:$0x3FB0];
	_ =	sdelay $0x3  }
0x36: {  	p1 =	seq.s32 s10, $0x1;
	s10 =	sld [smem:$0x3FB1];
	_ =	sdelay $0x3  }
0x37: {  	[smem:$0x3FB1] =	sst s10  }
0x38: {  	s10 =	sld [smem:$0x3FB2]  }
0x39: {  	_ = 	snop;
	(pc) =	sbr.ind lr, $3  }
0x3a: {  	_ = 	snop  }
0x3b: {  	_ = 	snop  }
0x3c: {  	p2 =	seq.s32 s10, $0x1;
	s10 =	sld [smem:$0x3FB1]  }
0x3d: {  	_ =	shalt  }
0x3e: {  	_ =	shalt  }
0x3f: {  	_ =	shalt  }
0x40: {  	_ =	shalt  }
0x41: {  	_ =	shalt  }
0x42: {  	_ =	shalt  }
0x43: {  	_ =	shalt  }
0x44: {  	_ =	shalt  }
0x45: {  	_ =	shalt  }
0x46: {  	_ =	shalt  }
0x47: {  	_ =	shalt  }
0x48: {  	_ =	shalt  }
0x49: {  	_ =	shalt  }
0x4a: {  	_ =	shalt  }
0x4b: {  	_ =	shalt  }
0x4c: {  	_ =	shalt  }
0x4d: {  	_ =	shalt  }
0x4e: {  	_ =	shalt  }
0x4f: {  	_ =	shalt  }
0x50: {  	_ =	shalt  }
0x51: {  	_ =	shalt  }
0x52: {  	_ =	shalt  }
0x53: {  	_ =	shalt  }
0x54: {  	_ =	shalt  }
0x55: {  	_ =	shalt  }
0x56: {  	_ =	shalt  }
0x57: {  	_ =	shalt  }
0x58: {  	_ =	shalt  }
0x59: {  	_ =	shalt  }
0x5a: {  	_ =	shalt  }
0x5b: {  	_ =	shalt  }
0x5c: {  	_ =	shalt  }
0x5d: {  	_ =	shalt  }
0x5e: {  	_ =	shalt  }
0x5f: {  	_ =	shalt  }
0x60: {  	_ =	shalt  }
0x61: {  	_ =	shalt  }
0x62: {  	_ =	shalt  }
0x63: {  	_ =	shalt  }
0x64: {  	_ =	shalt  }
0x65: {  	_ =	shalt  }
0x66: {  	_ =	shalt  }
0x67: {  	_ =	shalt  }
0x68: {  	_ =	shalt  }
0x69: {  	_ =	shalt  }
0x6a: {  	_ =	shalt  }
0x6b: {  	_ =	shalt  }
0x6c: {  	_ =	shalt  }
0x6d: {  	_ =	shalt  }
0x6e: {  	_ =	shalt  }
0x6f: {  	_ =	shalt  }
0x70: {  	_ =	shalt  }
0x71: {  	_ =	shalt  }
0x72: {  	_ =	shalt  }
0x73: {  	_ =	shalt  }
0x74: {  	_ =	shalt  }
0x75: {  	_ =	shalt  }
0x76: {  	_ =	shalt  }
0x77: {  	_ =	shalt  }
0x78: {  	_ =	shalt  }
0x79: {  	_ =	shalt  }
0x7a: {  	_ =	shalt  }
0x7b: {  	_ =	shalt  }
0x7c: {  	_ =	shalt  }
0x7d: {  	_ =	shalt  }
0x7e: {  	_ =	shalt  }
0x7f: {  	_ =	shalt  }
0x80: {  	_ =	shalt  }
0x81: {  	_ =	shalt  }
0x82: {  	_ =	shalt  }
0x83: {  	_ =	shalt  }
0x84: {  	_ =	shalt  }
0x85: {  	_ =	shalt  }
0x86: {  	_ =	shalt  }
0x87: {  	_ =	shalt  }
.Lfunc_end0:
.L_simem_size_0:
called_computation.1_lowered:
.L_overlay_start_0:
0x88: {  	s2 =	sld [smem:$0x3FD9]  }
0x89: {  	s3 =	sld [smem:$0x3FFE];
	_ =	sdelay $0x1  }
0x8a: {  	s1 =	srdreg.scid  }
0x8b: {  	s0 =	sand.u32 $0x1, s1  }
0x8c: {  	s14 =	sshll.u32 s0, $0xA;
	s2 =	sadd.s32 s3, s2  }
0x8d: {  	s2 =	sadd.s32 s2, s14  }
0x8e: {  	[smem:$0x3FBD] =	sst s2  }
0x8f: {  	_ = 	snop  }
0x90: {  	s2 =	sld [smem:$0x3FD0];
	_ =	sdelay $0x2  }
0x91: {  	s15 =	simm.s32 $0xB;
	s4 =	simm.s32 $0x10  }
0x92: {  	[smem:s4], [sflag:s15] =	dma.local [hbm:s2], $0x1  }
0x93: {  	_ =	swait.eq [sflag:s15], $0x1  }
0x94: {  	[sflag:s15] =	ssyncset.done $0x0  }
0x95: {  	[sflag:s15] =	ssyncadd.s32 $0xFFFFFFFF  }
0x96: {  	s16 =	sld [smem:$0x11];
	(tm) =	ssettm $0x1  }
0x97: {  	s17 =	sld [smem:$0x3FFB];
	_ =	sdelay $0x3  }
0x98: {  	_ =	strace s17  }
0x99: {  	s3 =	sld [smem:$0x3FFC];
	_ =	sdelay $0x3  }
0x9a: {  	_ =	strace s3  }
0x9b: {  	s3 =	sld [smem:$0x3FFD];
	_ =	sdelay $0x3  }
0x9c: {  	_ =	strace s3  }
0x9d: {  	_ =	strace $0x8FFFFFFF  }
0x9e: {  	s18 =	sld [smem:$0x3FDB];
	_ =	sdelay $0x1  }
0x9f: {  	s19 =	simm.s32 $_scs_section_size  }
0xa0: {  	s5 =	simm.s32 $_size__tile_overlayer_lowered;
	s6 =	simm.s32 $_tile_overlayer_lowered  }
0xa1: {  	s22 =	simm.s32 $0x1BFF;
	s21 =	sshll.u32 s6, $0x1;
	s3 =	sadd.s32 s19, s18  }
0xa2: {  	s7 =	simm.s32 $0x0;
	s20 =	sshll.u32 s5, $0x1;
	s5 =	sadd.s32 s21, s3  }
0xa3: {  	[timem:s7], [sflag:s22] =	dma.local [hbm:s5], s20  }
0xa4: {  	_ =	swait.ge [sflag:s22], s20  }
0xa5: {  	s4 =	ssub.s32 $0x0, s20;
	[sflag:s22] =	ssyncset.done $0x0  }
0xa6: {  	[sflag:s22] =	ssyncadd.s32 s4;
	_ =	sdelay $0x1  }
0xa7: {  	s23 =	simm.s32 $0x1B8B  }
0xa8: {  	_ =	swait.ge [sflag:s23], $0x1  }
0xa9: {  	[sflag:s23] =	ssyncset.done $0x0  }
0xaa: {  	s25 =	simm.s32 $0x1B8E;
	s24 =	sld [smem:$0x3FFE];
	[sflag:s23] =	ssyncadd.s32 $0xFFFFFFFF  }
0xab: {  	s26 =	simm.s32 $execute0_lowered;
	[smem:$0x3FD2] =	sst s25  }
0xac: {  	s5 =	sshll.u32 s26, $0x1;
	_ =	strace $0x80000046;
	[dreg:$0x1] =	wrdreg $0xFFFFFFFF  }
0xad: {  	s28 =	simm.s32 $_size_execute0_lowered;
	s3 =	sadd.s32 s3, s5;
	[dreg:$0x0] =	wrdreg $0x0  }
0xae: {  	s5 =	sshll.u32 s28, $0x1;
	[dreg:$0x2] =	wrdreg s3  }
0xaf: {  	[dreg:$0x3] =	wrdreg s5  }
0xb0: {  	[dreg:$0x4] =	wrdreg $0xC0  }
0xb1: {  	_ =	task [dreg:s7], $0x5FFFF  }
0xb2: {  	[dreg:$0x1] =	wrdreg $0xFFFFFFFF  }
0xb3: {  	[dreg:$0x0] =	wrdreg $0x60  }
0xb4: {  	[dreg:$0x2] =	wrdreg s16  }
0xb5: {  	[dreg:$0x3] =	wrdreg s24  }
0xb6: {  	[dreg:$0x4] =	wrdreg $0xA  }
0xb7: {  	_ =	task.clear_ibuf [dreg:s7], $0x5FFFF;
	_ =	strace $0x90000046  }
0xb8: {  	s29 =	simm.s32 $0xA;
	_ =	strace $0x80000048  }
0xb9: {  	_ =	swait.ge [sflag:s29], $0x1  }
0xba: {  	[sflag:s29] =	ssyncadd.s32 $0xFFFFFFFF  }
0xbb: {  	_ =	strace $0x90000048  }
0xbc: {  	_ =	sfence  }
0xbd: {  	s30 =	sld [smem:$0x0];
	_ =	sdelay $0x2  }
0xbe: {  	s31 =	sshll.u32 s1, $0xD;
	s1 =	sshrl.u32 s1, $0x2  }
0xbf: {  	s3 =	sand.u32 $0x4000, s31;
	s1 =	sadd.s32 s1, s30  }
0xc0: {  	s0 =	sor.u32 s3, s0;
	s1 =	sshll.u32 s1, $0x11  }
0xc1: {  	s0 =	sor.u32 s1, s0  }
0xc2: {  	s0 =	sadd.s32 $0x8F2B, s0  }
0xc3: {  	[sflag:s0] =	ssyncadd.remote.s32 $0x1  }
0xc4: {  	_ =	sfence.sel $0xFFFF  }
0xc5: {  	[dreg:$0x0] =	wrdreg $0xFFFFFFFF;
	(pc) =	sbr.abs _section_cstart, $3  }
0xc6: {  	[dreg:$0x1] =	wrdreg $0xFFFFFFFF  }
0xc7: {  	_ =	task.clear_ibuf [dreg:s7], $0x2FFFF;
	_ =	strace $0x9FFFFFFF  }
0xc8: {  	(tm) =	ssettm $0x7FFFFFFF  }
0xc9: {  	_ =	shalt  }
tec
execute0_lowered:
.L_overlay_start_1:
0x0: {  	(tag) =	ssettag $0x1  }
0x1: {  	s6 =	rddreg [dreg:$0x0]  }
0x2: {  	s3 =	rddreg [dreg:$0x1]  }
0x3: {  	s0 =	rddreg [dreg:$0x2];
	s1 =	stileid.u32  }
0x4: {  	s2 =	simm.s32 $0x0;
	s5 =	srdreg.scid;
	s4 =	smul.u32 $0x28000, s1  }
0x5: {  	[smem:$0x7FF] =	sst s2;
	s5 =	sand.u32 $0x1, s5;
	s7 =	smul.u32 $0x2800, s1  }
0x6: {  	_ =	strace $0x80000047;
	s8 =	ssub.s32 $0x2, s5;
	s9 =	smul.u32 $0x1400, s5  }
0x7: {  	s5 =	smul.u32 $0x14000, s5;
	s10 =	sadd.s32 s4, s3;
	s31 =	sshrl.u32 s8, $0x1  }
0x8: {  	s3 =	sadd.s32 $0x5C00, s3;
	s4 =	ssub.s32 s8, s31;
	s7 =	sadd.s32 s9, s7  }
0x9: {  	s5 =	sadd.s32 s5, s10;
	s8 =	simm.s32 $0x100;
	s9 =	simm.s32 $0x1  }
0xa: {  	s10 =	simm.s32 $0x0;
	s4 =	smax.u32 s4, $0x1;
	s7 =	sshrl.u32 s7, $0x3  }
0xb: {  	s5 =	sadd.s32 $0xCDC00, s5;
	s6 =	sadd.s32 s7, s6;
	s7 =	simm.s32 $0x2  }
.LBB2_1:
0xc: {  	s11 =	sadd.s32 $0x0, s6  }
0xd: {  	[tilespmem:s2], [sflag:$0x2] =	stream.linear.gather [hbm4b:s11+s2], $0x100, $0x38;
	[tilespmem:$0x8100] =	vst v63  }
0xe: {  	_ =	swait.ge [sflag:s7], $0x100  }
0xf: {  	[sflag:s7] =	ssyncset.done $0x0  }
0x10: {  	[sflag:s7] =	ssyncadd.s32 $0xFFFFFF00  }
0x11: {  	[tilespmem:s8], [sflag:$0x1] =	stream.indirect.gather [hbm4b:s3+s8], $0x80, s2, s8, $0xb8;
	[tilespmem:$0x8100] =	vst v63  }
0x12: {  	_ =	swait.ge [sflag:s9], $0x8000  }
0x13: {  	[sflag:s9] =	ssyncset.done $0x0  }
0x14: {  	[sflag:s9] =	ssyncadd.s32 $0xFFFF8000  }
0x15: {  	[hbm4b:s5+s2] =	stream.linear.scatter [tilespmem:s8], [sflag:$0x2], $0x8000, $0x38;
	[tilespmem:$0x8100] =	vst v63  }
0x16: {  	s12 =	simm.s32 $0x20;
	_ =	swait.ge [sflag:s7], $0x8000  }
0x17: {  	s13 =	simm.s32 $0x40;
	s11 =	sadd.s32 $0x1000, s5;
	[sflag:s7] =	ssyncset.done $0x0  }
.LBB2_2:
0x18: {  	s14 =	sadd.s32 s12, s6  }
0x19: {  	[sflag:s7] =	ssyncadd.s32 $0xFFFF8000;
	s12 =	smov.u32 s13;
	s15 =	sadd.s32 $0x20, s13  }
0x1a: {  	[tilespmem:s2], [sflag:$0x2] =	stream.linear.gather [hbm4b:s14+s2], $0x100, $0x38;
	[tilespmem:$0x8100] =	vst v63  }
0x1b: {  	p0 =	sne.s32 s13, $0x260;
	_ =	swait.ge [sflag:s7], $0x100  }
0x1c: {  	[sflag:s7] =	ssyncset.done $0x0  }
0x1d: {  	[sflag:s7] =	ssyncadd.s32 $0xFFFFFF00  }
0x1e: {  	[tilespmem:s8], [sflag:$0x1] =	stream.indirect.gather [hbm4b:s3+s8], $0x80, s2, s8, $0xb8;
	[tilespmem:$0x8100] =	vst v63  }
0x1f: {  	_ =	swait.ge [sflag:s9], $0x8000  }
.Ltmp0:
0x20: {  	[sflag:s9] =	ssyncset.done $0x0;
	(pc) =	sbr.rel @p0 .LBB2_2-.Ltmp0, $4  }
0x21: {  	[sflag:s9] =	ssyncadd.s32 $0xFFFF8000  }
0x22: {  	[hbm4b:s11+s2] =	stream.linear.scatter [tilespmem:s8], [sflag:$0x2], $0x8000, $0x38;
	[tilespmem:$0x8100] =	vst v63  }
0x23: {  	_ =	swait.ge [sflag:s7], $0x8000  }
0x24: {  	s13 =	smov.u32 s15;
	s11 =	sadd.s32 $0x1000, s11;
	[sflag:s7] =	ssyncset.done $0x0  }
0x25: {  	s12 =	sadd.s32 s12, s6;
	[sflag:s7] =	ssyncadd.s32 $0xFFFF8000  }
0x26: {  	[tilespmem:s2], [sflag:$0x2] =	stream.linear.gather [hbm4b:s12+s2], $0x100, $0x38;
	[tilespmem:$0x8100] =	vst v63  }
0x27: {  	_ =	swait.ge [sflag:s7], $0x100  }
0x28: {  	[sflag:s7] =	ssyncset.done $0x0  }
0x29: {  	[sflag:s7] =	ssyncadd.s32 $0xFFFFFF00  }
0x2a: {  	[tilespmem:s8], [sflag:$0x1] =	stream.indirect.gather [hbm4b:s3+s8], $0x80, s2, s8, $0xb8;
	[tilespmem:$0x8100] =	vst v63  }
0x2b: {  	s10 =	sadd.s32 $0x1, s10;
	_ =	swait.ge [sflag:s9], $0x8000  }
0x2c: {  	p0 =	sne.s32 s10, s4;
	[sflag:s9] =	ssyncset.done $0x0  }
.Ltmp1:
0x2d: {  	[sflag:s9] =	ssyncadd.s32 $0xFFFF8000;
	(pc) =	sbr.rel @p0 .LBB2_1-.Ltmp1, $4  }
0x2e: {  	[hbm4b:s11+s2] =	stream.linear.scatter [tilespmem:s8], [sflag:$0x2], $0x8000, $0x38;
	[tilespmem:$0x8100] =	vst v63  }
0x2f: {  	_ =	swait.ge [sflag:s7], $0x8000  }
0x30: {  	[sflag:s7] =	ssyncset.done $0x0  }
0x31: {  	[sflag:s7] =	ssyncadd.s32 $0xFFFF8000  }
0x32: {  	_ =	sfence.sel $0x180000  }
0x33: {  	[bflag:$0x0] =	sbarrier.arrive $0xFFFF  }
0x34: {  	p0 =	sne.s32 s1, $0x0;
	_ =	strace $0x90000047  }
0x35: {  	s0 =	sadd.s32 @!p0 $0x100000, s0;
	[bflag:$0x2] =	sbarrier.arrive $0xFFFF  }
0x36: {  	[sflag:s0] =	ssyncadd.tile.s32 @!p0 $0x1;
	_ =	shalt  }
.Lfunc_end2:
_tile_overlayer_lowered:
.L_overlay_start_2:
0x37: {  	(tag) =	ssettag $0x2  }
0x38: {  	s0 =	rddreg [dreg:$0x0];
	s2 =	stileid.u32  }
0x39: {  	s1 =	rddreg [dreg:$0x1];
	p0 =	sne.s32 s2, $0x0  }
0x3a: {  	s3 =	rddreg [dreg:$0x2];
	[bflag:$0x3] =	sbarrier.arrive $0xFFFF;
	s2 =	simm.s32 @!p0 $0x1C02  }
0x3b: {  	[timem:s3], [sflag:s2] =	dma.local @!p0 [hbm:s0], s1  }
0x3c: {  	s0 =	simm.s32 @!p0 $0x2  }
0x3d: {  	_ =	swait.ge @!p0 [sflag:s0], s1  }
0x3e: {  	s1 =	ssub.s32 @!p0 $0x0, s1;
	[sflag:s0] =	ssyncset.done @!p0 $0x0  }
0x3f: {  	[sflag:s0] =	ssyncadd.s32 @!p0 s1  }
0x40: {  	[bflag:$0x3] =	sbarrier.arrive $0xFFFF  }
0x41: {  	_ =	shalt  }

</sc_bundles>
